<compile_context>
chip_gen: v7x
topology: tpu7x:2x2x1
jax: 0.10.2.dev20260603
libtpu: 0.0.44.dev20260713+nightly
codegen_flags: <defaults>
</compile_context>

<pallas_src>
import jax
import jax.numpy as jnp
import numpy as np
from functools import partial
from jax.experimental import pallas as pl
from jax.experimental.pallas import tpu as pltpu

_NCLS = 19
_B = 4
_C = 256
_CT = 32
_HW = 16384
_NBIG = 175
_NSMALL = 75
_CHUNK = 2048
_NCH = _HW // _CHUNK
_TINY = np.float32(np.finfo(np.float32).tiny)


def _interp_kernel(x_ref, rm_ref, cm_ref, xi_ref, ssq_ref):
    ct = pl.program_id(1)
    xb = x_ref[0]
    tmp = jax.lax.dot_general(xb, cm_ref[...], (((2,), (1,)), ((), ())),
                              preferred_element_type=jnp.float32)
    rmb = jnp.broadcast_to(rm_ref[...][None], (_CT, 128, 64))
    xi = jax.lax.dot_general(rmb, tmp, (((2,), (1,)), ((0,), (0,))),
                             preferred_element_type=jnp.float32)
    xi_ref[0] = xi
    psum = jnp.sum(xi * xi, axis=0)

    @pl.when(ct == 0)
    def _():
        ssq_ref[0] = psum

    @pl.when(ct != 0)
    def _():
        ssq_ref[0] += psum


def _group_mask_int(pm_ref, lb_ref, j, off, gbase):
    cls = j // (2 * _B)
    gg = j % 2
    pmc = pm_ref[0, :, pl.ds(off, _CHUNK)]
    lbc = lb_ref[0, :, pl.ds(off, _CHUNK)]
    peq = pmc == cls
    leq = lbc == cls
    if gbase == 0:
        m0 = jnp.logical_and(peq, leq)
        m1 = jnp.logical_and(~peq, ~leq)
    else:
        m0 = jnp.logical_and(peq, ~leq)
        m1 = jnp.logical_and(~peq, leq)
    return jnp.where(gg == 0, m0.astype(jnp.int32), m1.astype(jnp.int32))


def _kmax_kernel(bits_ref, pm_ref, lb_ref, kmm_ref, kma_ref,
                 mm_ref, ma_ref, *, count, gbase):
    j = pl.program_id(0)
    ch = pl.program_id(1)
    off = ch * _CHUNK
    mi = _group_mask_int(pm_ref, lb_ref, j, off, gbase)
    k = jax.lax.shift_right_logical(bits_ref[0],
                                    jnp.uint32(9)).astype(jnp.int32)
    km = jnp.where(mi > 0, k, -1)
    cmm = jnp.max(km, axis=1, keepdims=True)
    cma = jnp.max(k, axis=1, keepdims=True)

    @pl.when(ch == 0)
    def _():
        mm_ref[...] = cmm
        ma_ref[...] = cma

    @pl.when(ch != 0)
    def _():
        mm_ref[...] = jnp.maximum(mm_ref[...], cmm)
        ma_ref[...] = jnp.maximum(ma_ref[...], cma)

    @pl.when(ch == _NCH - 1)
    def _():
        kmm_ref[0] = mm_ref[...]
        kma_ref[0] = ma_ref[...]


def _select_kernel(bits_ref, pm_ref, lb_ref, kthr_ref, emp_ref,
                   c1_ref, c2_ref, c3_ref, c4_ref,
                   r1_ref, r2_ref, r3_ref, r4_ref, *, count, gbase):
    j = pl.program_id(0)
    ch = pl.program_id(1)
    off = ch * _CHUNK
    mi = _group_mask_int(pm_ref, lb_ref, j, off, gbase)
    k = jax.lax.shift_right_logical(bits_ref[0],
                                    jnp.uint32(9)).astype(jnp.int32)
    ok = jnp.logical_and(
        jnp.logical_or(mi > 0, emp_ref[0] > 0),
        k >= kthr_ref[0])
    iota = jax.lax.broadcasted_iota(jnp.int32, (count, _CHUNK), 1) + off
    idx = jnp.where(ok, iota, _HW)
    m1 = jnp.min(idx, axis=1, keepdims=True)
    idx = jnp.where(idx == m1, _HW, idx)
    m2 = jnp.min(idx, axis=1, keepdims=True)
    idx = jnp.where(idx == m2, _HW, idx)
    m3 = jnp.min(idx, axis=1, keepdims=True)
    idx = jnp.where(idx == m3, _HW, idx)
    m4 = jnp.min(idx, axis=1, keepdims=True)

    @pl.when(ch == 0)
    def _():
        r1_ref[...] = m1
        r2_ref[...] = m2
        r3_ref[...] = m3
        r4_ref[...] = m4

    @pl.when(ch != 0)
    def _():
        rv1, rv2 = r1_ref[...], r2_ref[...]
        rv3, rv4 = r3_ref[...], r4_ref[...]
        v1, v2, v3 = rv1 < _HW, rv2 < _HW, rv3 < _HW
        r2_ref[...] = jnp.where(v2, rv2, jnp.where(v1, m1, m2))
        r3_ref[...] = jnp.where(v3, rv3,
                                jnp.where(v2, m1, jnp.where(v1, m2, m3)))
        r4_ref[...] = jnp.where(rv4 < _HW, rv4,
                                jnp.where(v3, m1,
                                          jnp.where(v2, m2,
                                                    jnp.where(v1, m3, m4))))
        r1_ref[...] = jnp.where(v1, rv1, m1)

    @pl.when(ch == _NCH - 1)
    def _():
        c1_ref[0] = r1_ref[...]
        c2_ref[0] = r2_ref[...]
        c3_ref[0] = r3_ref[...]
        c4_ref[0] = r4_ref[...]


def _hist_kernel(win_ref, ssq_ref, hist_ref, *, count):
    winners = win_ref[0]
    for cc in range(_NCH):
        it2 = jax.lax.broadcasted_iota(jnp.int32, (count, _CHUNK), 1)
        it2 = it2 + cc * _CHUNK
        cnt = jnp.sum(jnp.where(winners == it2, 1.0, 0.0), axis=0,
                      keepdims=True)
        w = 1.0 / (1e-6 + jnp.sqrt(ssq_ref[0, :, cc * _CHUNK:
                                           (cc + 1) * _CHUNK]))
        hist_ref[0, :, cc * _CHUNK:(cc + 1) * _CHUNK] = cnt * w


def _contract_kernel(xi_ref, hb_ref, hs_ref, out_ref, acc_ref):
    b = pl.program_id(0)
    ch = pl.program_id(1)
    xb = xi_ref[0]
    hb = hb_ref[:, 0, :, :]
    hs = hs_ref[:, 0, :, :]
    rhs = jnp.concatenate(
        [hb[:, 0, :], hb[:, 1, :], hs[:, 0, :], hs[:, 1, :]], axis=0)
    part = jax.lax.dot_general(xb, rhs, (((1,), (1,)), ((), ())),
                               preferred_element_type=jnp.float32)

    @pl.when(jnp.logical_and(b == 0, ch == 0))
    def _():
        acc_ref[...] = part

    @pl.when(jnp.logical_not(jnp.logical_and(b == 0, ch == 0)))
    def _():
        acc_ref[...] += part

    @pl.when(jnp.logical_and(b == _B - 1, ch == _NCH - 1))
    def _():
        s = acc_ref[...]
        d1 = s[:, 57:76] - s[:, 38:57]
        d2 = s[:, 0:19] - s[:, 19:38]
        tot = jnp.sum(d1 * d2, axis=(0, 1), keepdims=True)
        out_ref[...] = tot / (1200.0 * 700.0) / float(_NCLS)


def _gumbel_val(kv, empty):
    f = kv.astype(jnp.float32) * np.float32(2.0 ** -23)
    u = jnp.maximum(f + _TINY, _TINY)
    g = -jnp.log(-jnp.log(u))
    return jnp.where(empty, g + jnp.float32(-1e9), g)


def _thresholds(kmm, kma):
    kmm = kmm[..., 0]
    kma = kma[..., 0]
    empty = kmm < 0
    k_eff = jnp.where(empty, kma, kmm)
    tgt = _gumbel_val(k_eff, empty)
    for _ in range(128):
        tgt = jnp.nextafter(tgt, jnp.float32(-jnp.inf))
    lo = jnp.zeros_like(k_eff)
    hi = k_eff
    for _ in range(24):
        mid = (lo + hi) // 2
        ge = _gumbel_val(mid, empty) >= tgt
        hi = jnp.where(ge, mid, hi)
        lo = jnp.where(ge, lo, mid + 1)
    return hi[..., None], empty[..., None].astype(jnp.int32)


def kernel(x, logit, label):
    x = x.astype(jnp.float32)
    logit = logit.astype(jnp.float32)

    rows = jnp.linspace(0.0, 63.0, 128)
    r0 = jnp.floor(rows).astype(jnp.int32)
    r1 = jnp.minimum(r0 + 1, 63)
    fr = (rows - r0.astype(jnp.float32)).astype(jnp.float32)
    eye = jnp.eye(64, dtype=jnp.float32)
    rmat = eye[r0] * (1.0 - fr)[:, None] + eye[r1] * fr[:, None]

    pred = jax.nn.softmax(logit, axis=1)
    pm = jnp.argmax(jnp.exp(pred), axis=1).astype(jnp.int32)
    pm = pm.reshape(_B, 1, _HW)

    skey = jax.random.key(42)
    folds_big, folds_small = [], []
    for cls in range(_NCLS):
        for bi in range(_B):
            base = cls * 100 + bi * 10
            folds_big += [base + 0, base + 1]
            folds_small += [base + 2, base + 3]
    kb = jax.vmap(jax.random.fold_in, (None, 0))(skey, jnp.array(folds_big))
    ks = jax.vmap(jax.random.fold_in, (None, 0))(skey, jnp.array(folds_small))
    bits_big = jax.vmap(
        lambda k: jax.random.bits(k, (_NBIG, _HW), jnp.uint32))(kb)
    bits_small = jax.vmap(
        lambda k: jax.random.bits(k, (_NSMALL, _HW), jnp.uint32))(ks)

    xi, ssq = pl.pallas_call(
        _interp_kernel,
        grid=(_B, _C // _CT),
        in_specs=[
            pl.BlockSpec((1, _CT, 64, 64), lambda b, t: (b, t, 0, 0)),
            pl.BlockSpec((128, 64), lambda b, t: (0, 0)),
            pl.BlockSpec((128, 64), lambda b, t: (0, 0)),
        ],
        out_specs=[
            pl.BlockSpec((1, _CT, 128, 128), lambda b, t: (b, t, 0, 0)),
            pl.BlockSpec((1, 128, 128), lambda b, t: (b, 0, 0)),
        ],
        out_shape=[
            jax.ShapeDtypeStruct((_B, _C, 128, 128), jnp.float32),
            jax.ShapeDtypeStruct((_B, 128, 128), jnp.float32),
        ],
    )(x, rmat, rmat)

    lb = label.astype(jnp.int32).reshape(_B, 1, _HW)
    ssq3 = ssq.reshape(_B, 1, _HW)
    ngroups = 2 * _B * _NCLS

    def run_sampler(bits, count, gbase):
        row_spec = pl.BlockSpec((1, 1, _HW), lambda j, ch: ((j // 2) % _B, 0, 0))
        kmm, kma = pl.pallas_call(
            partial(_kmax_kernel, count=count, gbase=gbase),
            grid=(ngroups, _NCH),
            in_specs=[
                pl.BlockSpec((1, count, _CHUNK), lambda j, ch: (j, 0, ch)),
                row_spec, row_spec,
            ],
            out_specs=[
                pl.BlockSpec((1, count, 1), lambda j, ch: (j, 0, 0)),
                pl.BlockSpec((1, count, 1), lambda j, ch: (j, 0, 0)),
            ],
            out_shape=[
                jax.ShapeDtypeStruct((ngroups, count, 1), jnp.int32),
                jax.ShapeDtypeStruct((ngroups, count, 1), jnp.int32),
            ],
            scratch_shapes=[
                pltpu.VMEM((count, 1), jnp.int32),
                pltpu.VMEM((count, 1), jnp.int32),
            ],
        )(bits, pm, lb)
        kthr, emp = _thresholds(kmm, kma)
        cand_spec = pl.BlockSpec((1, count, 1), lambda j, ch: (j, 0, 0))
        cands = pl.pallas_call(
            partial(_select_kernel, count=count, gbase=gbase),
            grid=(ngroups, _NCH),
            in_specs=[
                pl.BlockSpec((1, count, _CHUNK), lambda j, ch: (j, 0, ch)),
                row_spec, row_spec, cand_spec, cand_spec,
            ],
            out_specs=[cand_spec] * 4,
            out_shape=[
                jax.ShapeDtypeStruct((ngroups, count, 1), jnp.int32)] * 4,
            scratch_shapes=[pltpu.VMEM((count, 1), jnp.int32)] * 4,
        )(bits, pm, lb, kthr, emp)

        empty = emp > 0
        winners = cands[0]
        bw = jnp.take_along_axis(bits, winners.astype(jnp.uint32), axis=2)
        bestv = _gumbel_val((bw >> 9).astype(jnp.int32), empty)
        for cn in cands[1:]:
            bn = jnp.take_along_axis(bits, cn.astype(jnp.uint32) % _HW,
                                     axis=2)
            vn = _gumbel_val((bn >> 9).astype(jnp.int32), empty)
            take = jnp.logical_and(cn < _HW, vn > bestv)
            winners = jnp.where(take, cn, winners)
            bestv = jnp.where(take, vn, bestv)

        return pl.pallas_call(
            partial(_hist_kernel, count=count),
            grid=(ngroups,),
            in_specs=[
                pl.BlockSpec((1, count, 1), lambda j: (j, 0, 0)),
                pl.BlockSpec((1, 1, _HW), lambda j: ((j // 2) % _B, 0, 0)),
            ],
            out_specs=pl.BlockSpec((1, 1, _HW), lambda j: (j, 0, 0)),
            out_shape=jax.ShapeDtypeStruct((ngroups, 1, _HW), jnp.float32),
        )(winners, ssq3)

    hist_big = run_sampler(bits_big, _NBIG, 0)
    hist_small = run_sampler(bits_small, _NSMALL, 2)

    hb4 = hist_big.reshape(_NCLS, _B, 2, _HW)
    hs4 = hist_small.reshape(_NCLS, _B, 2, _HW)

    out = pl.pallas_call(
        _contract_kernel,
        grid=(_B, _NCH),
        in_specs=[
            pl.BlockSpec((1, _C, _CHUNK), lambda b, ch: (b, 0, ch)),
            pl.BlockSpec((_NCLS, 1, 2, _CHUNK), lambda b, ch: (0, b, 0, ch)),
            pl.BlockSpec((_NCLS, 1, 2, _CHUNK), lambda b, ch: (0, b, 0, ch)),
        ],
        out_specs=pl.BlockSpec((1, 1), lambda b, ch: (0, 0)),
        out_shape=jax.ShapeDtypeStruct((1, 1), jnp.float32),
        scratch_shapes=[pltpu.VMEM((_C, 76), jnp.float32)],
    )(xi.reshape(_B, _C, _HW), hb4, hs4)

    return out[0, 0]

# --- scband reference (transcript-rebuilt; emitter-appended) ---
"""Pipeline reference for scband-hard-contrast-loss-43361989820671 (READ-ONLY COPY).

The authoritative reference and input builder live on the scoring server;
editing this copy changes nothing except your own understanding.
"""

import jax, jax.numpy as jnp
import numpy as np

N_CLASS = 19
K = 500


def interp_bilinear_ac(x, out_h, out_w):
    b, c, h, w = x.shape
    if (h, w) == (out_h, out_w):
        return x
    rows = jnp.linspace(0.0, h - 1.0, out_h)
    cols = jnp.linspace(0.0, w - 1.0, out_w)
    r0 = jnp.floor(rows).astype(jnp.int32)
    r1 = jnp.minimum(r0 + 1, h - 1)
    c0 = jnp.floor(cols).astype(jnp.int32)
    c1 = jnp.minimum(c0 + 1, w - 1)
    fr = (rows - r0)[None, None, :, None]
    fc = (cols - c0)[None, None, None, :]
    xr0 = jnp.take(x, r0, axis=2)
    xr1 = jnp.take(x, r1, axis=2)
    x00 = jnp.take(xr0, c0, axis=3)
    x01 = jnp.take(xr0, c1, axis=3)
    x10 = jnp.take(xr1, c0, axis=3)
    x11 = jnp.take(xr1, c1, axis=3)
    top = x00 * (1.0 - fc) + x01 * fc
    bot = x10 * (1.0 - fc) + x11 * fc
    return top * (1.0 - fr) + bot * fr


def _forward(x, logit, label):
    b, c, h, w = x.shape
    H, W = logit.shape[2], logit.shape[3]
    k = K if K <= h * w else h * w
    xi = interp_bilinear_ac(x, H, W)
    pred = jax.nn.softmax(logit, axis=1)
    pred_mask = jnp.argmax(jnp.exp(pred), axis=1)
    cls_ids = jnp.arange(N_CLASS)
    onehot_pred = pred_mask[:, None, :, :] == cls_ids[None, :, None, None]
    onehot_label = label[:, None, :, :] == cls_ids[None, :, None, None]
    TP = onehot_pred & onehot_label
    TN = (~onehot_pred) & (~onehot_label)
    FP = onehot_pred & (~onehot_label)
    FN = (~onehot_pred) & onehot_label
    f = xi.reshape(b, c, -1)
    f = f / (1e-6 + jnp.linalg.norm(f, axis=1, keepdims=True))
    n_big = int(k * 0.35)
    n_small = int(k * 0.15)
    skey = jax.random.key(42)
    losses = []
    for cls in range(N_CLASS):
        bases = {0: [], 1: [], 2: [], 3: []}
        masks = (TP, TN, FP, FN)
        counts = (n_big, n_big, n_small, n_small)
        for bi in range(b):
            for g in range(4):
                m = masks[g][bi, cls].reshape(-1)
                lg = jnp.where(jax.lax.stop_gradient(m), 0.0, -1e9)
                kk = jax.random.fold_in(skey, cls * 100 + bi * 10 + g)
                idx = jax.random.categorical(kk, lg, shape=(counts[g],))
                bases[g].append(f[bi][:, idx])
        TPb = jnp.concatenate(bases[0], axis=1)
        TNb = jnp.concatenate(bases[1], axis=1)
        FPb = jnp.concatenate(bases[2], axis=1).T
        FNb = jnp.concatenate(bases[3], axis=1).T
        FP_TP = -1.0 * (FPb @ TPb)
        FP_TN = FPb @ TNb
        FN_TP = FNb @ TPb
        FN_TN = -1.0 * (FNb @ TNb)
        losses.append(jnp.concatenate([FP_TP, FP_TN, FN_TP, FN_TN], axis=0).mean())
    return jnp.stack(losses).mean()


def setup_inputs(seed: int = 0) -> dict:
    key = jax.random.key(seed)
    k1, k2, k3 = jax.random.split(key, 3)
    x = jax.random.normal(k1, (4, 256, 64, 64), dtype=jnp.float32)
    logit = jax.random.normal(k2, (4, 19, 128, 128), dtype=jnp.float32)
    label = jax.random.randint(k3, (4, 128, 128), 0, 19)
    return {"x": x, "logit": logit, "label": label}


def reference(x, logit, label):
    return _forward(x, logit, label)

if __name__ == "__main__":
    import jax
    _d = setup_inputs()
    print(jax.jit(kernel)(*tuple(_d.values())))

</pallas_src>

<mosaic_0001>
module attributes {stable_mosaic.version = 14 : i64} {
  func.func @_kmax_kernel(%arg0: i32, %arg1: i32, %arg2: memref<1x175x2048xi32, #tpu.memory_space<vmem>>, %arg3: memref<1x1x16384xi32, #tpu.memory_space<vmem>>, %arg4: memref<1x1x16384xi32, #tpu.memory_space<vmem>>, %arg5: memref<1x175x1xi32, #tpu.memory_space<vmem>>, %arg6: memref<1x175x1xi32, #tpu.memory_space<vmem>>, %arg7: memref<175x1xi32, #tpu.memory_space<vmem>>, %arg8: memref<175x1xi32, #tpu.memory_space<vmem>>) attributes {dimension_semantics = [#tpu.dimension_semantics<arbitrary>, #tpu.dimension_semantics<arbitrary>], iteration_bounds = array<i64: 152, 8>, scalar_prefetch = 0 : i64, scratch_operands = 2 : i64, tpu.core_type = #tpu.core_type<tc>, window_params = [{transform_indices = @transform_0, window_bounds = array<i64: 1, 175, 2048>}, {transform_indices = @transform_1, window_bounds = array<i64: 1, 1, 16384>}, {transform_indices = @transform_2, window_bounds = array<i64: 1, 1, 16384>}, {transform_indices = @transform_3, window_bounds = array<i64: 1, 175, 1>}, {transform_indices = @transform_4, window_bounds = array<i64: 1, 175, 1>}]} {
    %mul3A = arith.constant 2048 : i32
    %mul3A_0 = arith.muli %arg1, %mul3A : i32
    %jit3A = arith.constant 8 : i32
    %div3A = arith.divsi %arg0, %jit3A : i32
    %sign3A = arith.constant 0 : i32
    %sign3A_1 = arith.cmpi sgt, %arg0, %sign3A : i32
    %sign3A_2 = arith.extui %sign3A_1 : i1 to i32
    %sign3A_3 = arith.constant 0 : i32
    %sign3A_4 = arith.cmpi slt, %arg0, %sign3A_3 : i32
    %sign3A_5 = arith.extui %sign3A_4 : i1 to i32
    %sign3A_6 = arith.subi %sign3A_2, %sign3A_5 : i32
    %sign3A_7 = arith.constant 0 : i32
    %sign3A_8 = arith.cmpi sgt, %jit3A, %sign3A_7 : i32
    %sign3A_9 = arith.extui %sign3A_8 : i1 to i32
    %sign3A_10 = arith.constant 0 : i32
    %sign3A_11 = arith.cmpi slt, %jit3A, %sign3A_10 : i32
    %sign3A_12 = arith.extui %sign3A_11 : i1 to i32
    %sign3A_13 = arith.subi %sign3A_9, %sign3A_12 : i32
    %ne3A = arith.cmpi ne, %sign3A_6, %sign3A_13 : i32
    %rem3A = arith.remsi %arg0, %jit3A : i32
    %ne3A_14 = arith.constant 0 : i32
    %ne3A_15 = arith.cmpi ne, %rem3A, %ne3A_14 : i32
    %and3A = arith.andi %ne3A, %ne3A_15 : i1
    %sub3A = arith.constant 1 : i32
    %sub3A_16 = arith.subi %div3A, %sub3A : i32
    %select_n3A = arith.select %and3A, %sub3A_16, %div3A : i32
    %jit3A_17 = arith.constant 2 : i32
    %eq3A = arith.constant 0 : i32
    %eq3A_18 = arith.cmpi eq, %jit3A_17, %eq3A : i32
    %jit3A_19 = arith.constant 1 : i32
    %select_n3A_20 = arith.select %eq3A_18, %jit3A_19, %jit3A_17 : i32
    %rem3A_21 = arith.remsi %arg0, %select_n3A_20 : i32
    %ne3A_22 = arith.constant 0 : i32
    %ne3A_23 = arith.cmpi ne, %rem3A_21, %ne3A_22 : i32
    %lt3A = arith.constant 0 : i32
    %lt3A_24 = arith.cmpi slt, %rem3A_21, %lt3A : i32
    %lt3A_25 = arith.constant 0 : i32
    %lt3A_26 = arith.cmpi slt, %select_n3A_20, %lt3A_25 : i32
    %ne3A_27 = arith.xori %lt3A_24, %lt3A_26 : i1
    %and3A_28 = arith.andi %ne3A_27, %ne3A_23 : i1
    %add3A = arith.addi %rem3A_21, %select_n3A_20 : i32
    %select_n3A_29 = arith.select %and3A_28, %add3A, %rem3A_21 : i32
    %get3A = arith.constant 0 : index
    %get3A_30 = arith.constant 0 : index
    %get3A_31 = arith.index_cast %mul3A_0 : i32 to index
    %get3A_32 = vector.load %arg3[%get3A, %get3A_30, %get3A_31] : memref<1x1x16384xi32, #tpu.memory_space<vmem>>, vector<1x1x2048xi32>
    %get3A_33 = vector.shape_cast %get3A_32 : vector<1x1x2048xi32> to vector<1x2048xi32>
    %get3A_34 = arith.constant 0 : index
    %get3A_35 = arith.constant 0 : index
    %get3A_36 = arith.index_cast %mul3A_0 : i32 to index
    %get3A_37 = vector.load %arg4[%get3A_34, %get3A_35, %get3A_36] : memref<1x1x16384xi32, #tpu.memory_space<vmem>>, vector<1x1x2048xi32>
    %get3A_38 = vector.shape_cast %get3A_37 : vector<1x1x2048xi32> to vector<1x2048xi32>
    %eq3A_39 = vector.broadcast %select_n3A : i32 to vector<1x2048xi32>
    %eq3A_40 = arith.cmpi eq, %get3A_33, %eq3A_39 : vector<1x2048xi32>
    %eq3A_41 = vector.broadcast %select_n3A : i32 to vector<1x2048xi32>
    %eq3A_42 = arith.cmpi eq, %get3A_38, %eq3A_41 : vector<1x2048xi32>
    %and3A_43 = arith.andi %eq3A_40, %eq3A_42 : vector<1x2048xi1>
    %not3A = arith.constant dense<true> : vector<1x2048xi1>
    %not3A_44 = arith.xori %eq3A_40, %not3A : vector<1x2048xi1>
    %not3A_45 = arith.constant dense<true> : vector<1x2048xi1>
    %not3A_46 = arith.xori %eq3A_42, %not3A_45 : vector<1x2048xi1>
    %and3A_47 = arith.andi %not3A_44, %not3A_46 : vector<1x2048xi1>
    %eq3A_48 = arith.constant 0 : i32
    %eq3A_49 = arith.cmpi eq, %select_n3A_29, %eq3A_48 : i32
    %convert_element_type3A = arith.extui %and3A_43 : vector<1x2048xi1> to vector<1x2048xi32>
    %convert_element_type3A_50 = arith.extui %and3A_47 : vector<1x2048xi1> to vector<1x2048xi32>
    %select_n3A_51 = arith.select %eq3A_49, %convert_element_type3A, %convert_element_type3A_50 : vector<1x2048xi32>
    %get3A_52 = arith.constant 0 : index
    %get3A_53 = arith.constant 0 : index
    %get3A_54 = arith.constant 0 : index
    %get3A_55 = vector.load %arg2[%get3A_52, %get3A_53, %get3A_54] : memref<1x175x2048xi32, #tpu.memory_space<vmem>>, vector<1x175x2048xi32>
    %get3A_56 = vector.shape_cast %get3A_55 : vector<1x175x2048xi32> to vector<175x2048xi32>
    %shift_right_logical3A = arith.constant 9 : i32
    %shift_right_logical3A_57 = vector.broadcast %shift_right_logical3A : i32 to vector<175x2048xi32>
    %shift_right_logical3A_58 = arith.shrui %get3A_56, %shift_right_logical3A_57 : vector<175x2048xi32>
    %gt3A = arith.constant 0 : i32
    %gt3A_59 = vector.broadcast %gt3A : i32 to vector<1x2048xi32>
    %gt3A_60 = arith.cmpi sgt, %select_n3A_51, %gt3A_59 : vector<1x2048xi32>
    %jit3A_61 = arith.constant -1 : i32
    %broadcast_in_dim3A = vector.shape_cast %gt3A_60 : vector<1x2048xi1> to vector<1x2048xi1>
    %broadcast_in_dim3A_62 = vector.broadcast %broadcast_in_dim3A : vector<1x2048xi1> to vector<175x2048xi1>
    %broadcast_in_dim3A_63 = vector.broadcast %jit3A_61 : i32 to vector<175x2048xi32>
    %select_n3A_64 = arith.select %broadcast_in_dim3A_62, %shift_right_logical3A_58, %broadcast_in_dim3A_63 : vector<175x2048xi1>, vector<175x2048xi32>
    %reduce_max3A = arith.constant dense<-2147483648> : vector<175xi32>
    %reduce_max3A_65 = vector.multi_reduction <maxsi>, %select_n3A_64, %reduce_max3A [1] : vector<175x2048xi32> to vector<175xi32>
    %broadcast_in_dim3A_66 = vector.shape_cast %reduce_max3A_65 : vector<175xi32> to vector<175x1xi32>
    %reduce_max3A_67 = arith.constant dense<-2147483648> : vector<175xi32>
    %reduce_max3A_68 = vector.multi_reduction <maxsi>, %shift_right_logical3A_58, %reduce_max3A_67 [1] : vector<175x2048xi32> to vector<175xi32>
    %broadcast_in_dim3A_69 = vector.shape_cast %reduce_max3A_68 : vector<175xi32> to vector<175x1xi32>
    %eq3A_70 = arith.constant 0 : i32
    %eq3A_71 = arith.cmpi eq, %arg1, %eq3A_70 : i32
    %convert_element_type3A_72 = arith.extui %eq3A_71 : i1 to i32
    %cond3A = arith.constant 0 : i32
    %cond3A_73 = arith.cmpi ne, %convert_element_type3A_72, %cond3A : i32
    scf.if %cond3A_73 {
      %swap3A = arith.constant 0 : index
      %swap3A_84 = arith.constant 0 : index
      %swap3A_85 = vector.load %arg7[%swap3A, %swap3A_84] : memref<175x1xi32, #tpu.memory_space<vmem>>, vector<175x1xi32>
      tpu.vector_store %arg7[%swap3A, %swap3A_84], %broadcast_in_dim3A_66 {strides = array<i32>} : memref<175x1xi32, #tpu.memory_space<vmem>>, vector<175x1xi32>,
      %swap3A_86 = arith.constant 0 : index
      %swap3A_87 = arith.constant 0 : index
      %swap3A_88 = vector.load %arg8[%swap3A_86, %swap3A_87] : memref<175x1xi32, #tpu.memory_space<vmem>>, vector<175x1xi32>
      tpu.vector_store %arg8[%swap3A_86, %swap3A_87], %broadcast_in_dim3A_69 {strides = array<i32>} : memref<175x1xi32, #tpu.memory_space<vmem>>, vector<175x1xi32>,
    } else {
    }
    %ne3A_74 = arith.constant 0 : i32
    %ne3A_75 = arith.cmpi ne, %arg1, %ne3A_74 : i32
    %convert_element_type3A_76 = arith.extui %ne3A_75 : i1 to i32
    %cond3A_77 = arith.constant 0 : i32
    %cond3A_78 = arith.cmpi ne, %convert_element_type3A_76, %cond3A_77 : i32
    scf.if %cond3A_78 {
      %get3A_84 = arith.constant 0 : index
      %get3A_85 = arith.constant 0 : index
      %get3A_86 = vector.load %arg7[%get3A_84, %get3A_85] : memref<175x1xi32, #tpu.memory_space<vmem>>, vector<175x1xi32>
      %max3A = arith.maxsi %get3A_86, %broadcast_in_dim3A_66 : vector<175x1xi32>
      %swap3A = arith.constant 0 : index
      %swap3A_87 = arith.constant 0 : index
      %swap3A_88 = vector.load %arg7[%swap3A, %swap3A_87] : memref<175x1xi32, #tpu.memory_space<vmem>>, vector<175x1xi32>
      tpu.vector_store %arg7[%swap3A, %swap3A_87], %max3A {strides = array<i32>} : memref<175x1xi32, #tpu.memory_space<vmem>>, vector<175x1xi32>,
      %get3A_89 = arith.constant 0 : index
      %get3A_90 = arith.constant 0 : index
      %get3A_91 = vector.load %arg8[%get3A_89, %get3A_90] : memref<175x1xi32, #tpu.memory_space<vmem>>, vector<175x1xi32>
      %max3A_92 = arith.maxsi %get3A_91, %broadcast_in_dim3A_69 : vector<175x1xi32>
      %swap3A_93 = arith.constant 0 : index
      %swap3A_94 = arith.constant 0 : index
      %swap3A_95 = vector.load %arg8[%swap3A_93, %swap3A_94] : memref<175x1xi32, #tpu.memory_space<vmem>>, vector<175x1xi32>
      tpu.vector_store %arg8[%swap3A_93, %swap3A_94], %max3A_92 {strides = array<i32>} : memref<175x1xi32, #tpu.memory_space<vmem>>, vector<175x1xi32>,
    } else {
    }
    %eq3A_79 = arith.constant 7 : i32
    %eq3A_80 = arith.cmpi eq, %arg1, %eq3A_79 : i32
    %convert_element_type3A_81 = arith.extui %eq3A_80 : i1 to i32
    %cond3A_82 = arith.constant 0 : i32
    %cond3A_83 = arith.cmpi ne, %convert_element_type3A_81, %cond3A_82 : i32
    scf.if %cond3A_83 {
      %get3A_84 = arith.constant 0 : index
      %get3A_85 = arith.constant 0 : index
      %get3A_86 = vector.load %arg7[%get3A_84, %get3A_85] : memref<175x1xi32, #tpu.memory_space<vmem>>, vector<175x1xi32>
      %swap3A = arith.constant 0 : index
      %swap3A_87 = arith.constant 0 : index
      %swap3A_88 = arith.constant 0 : index
      %swap3A_89 = vector.load %arg5[%swap3A, %swap3A_87, %swap3A_88] : memref<1x175x1xi32, #tpu.memory_space<vmem>>, vector<1x175x1xi32>
      %swap3A_90 = vector.shape_cast %swap3A_89 : vector<1x175x1xi32> to vector<175x1xi32>
      %swap3A_91 = vector.shape_cast %get3A_86 : vector<175x1xi32> to vector<1x175x1xi32>
      tpu.vector_store %arg5[%swap3A, %swap3A_87, %swap3A_88], %swap3A_91 {strides = array<i32>} : memref<1x175x1xi32, #tpu.memory_space<vmem>>, vector<1x175x1xi32>,
      %get3A_92 = arith.constant 0 : index
      %get3A_93 = arith.constant 0 : index
      %get3A_94 = vector.load %arg8[%get3A_92, %get3A_93] : memref<175x1xi32, #tpu.memory_space<vmem>>, vector<175x1xi32>
      %swap3A_95 = arith.constant 0 : index
      %swap3A_96 = arith.constant 0 : index
      %swap3A_97 = arith.constant 0 : index
      %swap3A_98 = vector.load %arg6[%swap3A_95, %swap3A_96, %swap3A_97] : memref<1x175x1xi32, #tpu.memory_space<vmem>>, vector<1x175x1xi32>
      %swap3A_99 = vector.shape_cast %swap3A_98 : vector<1x175x1xi32> to vector<175x1xi32>
      %swap3A_100 = vector.shape_cast %get3A_94 : vector<175x1xi32> to vector<1x175x1xi32>
      tpu.vector_store %arg6[%swap3A_95, %swap3A_96, %swap3A_97], %swap3A_100 {strides = array<i32>} : memref<1x175x1xi32, #tpu.memory_space<vmem>>, vector<1x175x1xi32>,
    } else {
    }
    return
  }
  func.func @transform_0(%arg0: i32, %arg1: i32) -> (i32, i32, i32) {
    %c0_i32 = arith.constant 0 : i32
    %c0_i32_0 = arith.constant 0 : i32
    return %arg0, %c0_i32, %arg1 : i32, i32, i32
  }
  func.func @transform_1(%arg0: i32, %arg1: i32) -> (i32, i32, i32) {
    %jit3A = arith.constant 2 : i32
    %div3A = arith.divsi %arg0, %jit3A : i32
    %sign3A = arith.constant 0 : i32
    %sign3A_0 = arith.cmpi sgt, %arg0, %sign3A : i32
    %sign3A_1 = arith.extui %sign3A_0 : i1 to i32
    %sign3A_2 = arith.constant 0 : i32
    %sign3A_3 = arith.cmpi slt, %arg0, %sign3A_2 : i32
    %sign3A_4 = arith.extui %sign3A_3 : i1 to i32
    %sign3A_5 = arith.subi %sign3A_1, %sign3A_4 : i32
    %sign3A_6 = arith.constant 0 : i32
    %sign3A_7 = arith.cmpi sgt, %jit3A, %sign3A_6 : i32
    %sign3A_8 = arith.extui %sign3A_7 : i1 to i32
    %sign3A_9 = arith.constant 0 : i32
    %sign3A_10 = arith.cmpi slt, %jit3A, %sign3A_9 : i32
    %sign3A_11 = arith.extui %sign3A_10 : i1 to i32
    %sign3A_12 = arith.subi %sign3A_8, %sign3A_11 : i32
    %ne3A = arith.cmpi ne, %sign3A_5, %sign3A_12 : i32
    %rem3A = arith.remsi %arg0, %jit3A : i32
    %ne3A_13 = arith.constant 0 : i32
    %ne3A_14 = arith.cmpi ne, %rem3A, %ne3A_13 : i32
    %and3A = arith.andi %ne3A, %ne3A_14 : i1
    %sub3A = arith.constant 1 : i32
    %sub3A_15 = arith.subi %div3A, %sub3A : i32
    %select_n3A = arith.select %and3A, %sub3A_15, %div3A : i32
    %jit3A_16 = arith.constant 4 : i32
    %eq3A = arith.constant 0 : i32
    %eq3A_17 = arith.cmpi eq, %jit3A_16, %eq3A : i32
    %jit3A_18 = arith.constant 1 : i32
    %select_n3A_19 = arith.select %eq3A_17, %jit3A_18, %jit3A_16 : i32
    %rem3A_20 = arith.remsi %select_n3A, %select_n3A_19 : i32
    %ne3A_21 = arith.constant 0 : i32
    %ne3A_22 = arith.cmpi ne, %rem3A_20, %ne3A_21 : i32
    %lt3A = arith.constant 0 : i32
    %lt3A_23 = arith.cmpi slt, %rem3A_20, %lt3A : i32
    %lt3A_24 = arith.constant 0 : i32
    %lt3A_25 = arith.cmpi slt, %select_n3A_19, %lt3A_24 : i32
    %ne3A_26 = arith.xori %lt3A_23, %lt3A_25 : i1
    %and3A_27 = arith.andi %ne3A_26, %ne3A_22 : i1
    %add3A = arith.addi %rem3A_20, %select_n3A_19 : i32
    %select_n3A_28 = arith.select %and3A_27, %add3A, %rem3A_20 : i32
    %c0_i32 = arith.constant 0 : i32
    %c0_i32_29 = arith.constant 0 : i32
    %c0_i32_30 = arith.constant 0 : i32
    return %select_n3A_28, %c0_i32, %c0_i32_29 : i32, i32, i32
  }
  func.func @transform_2(%arg0: i32, %arg1: i32) -> (i32, i32, i32) {
    %jit3A = arith.constant 2 : i32
    %div3A = arith.divsi %arg0, %jit3A : i32
    %sign3A = arith.constant 0 : i32
    %sign3A_0 = arith.cmpi sgt, %arg0, %sign3A : i32
    %sign3A_1 = arith.extui %sign3A_0 : i1 to i32
    %sign3A_2 = arith.constant 0 : i32
    %sign3A_3 = arith.cmpi slt, %arg0, %sign3A_2 : i32
    %sign3A_4 = arith.extui %sign3A_3 : i1 to i32
    %sign3A_5 = arith.subi %sign3A_1, %sign3A_4 : i32
    %sign3A_6 = arith.constant 0 : i32
    %sign3A_7 = arith.cmpi sgt, %jit3A, %sign3A_6 : i32
    %sign3A_8 = arith.extui %sign3A_7 : i1 to i32
    %sign3A_9 = arith.constant 0 : i32
    %sign3A_10 = arith.cmpi slt, %jit3A, %sign3A_9 : i32
    %sign3A_11 = arith.extui %sign3A_10 : i1 to i32
    %sign3A_12 = arith.subi %sign3A_8, %sign3A_11 : i32
    %ne3A = arith.cmpi ne, %sign3A_5, %sign3A_12 : i32
    %rem3A = arith.remsi %arg0, %jit3A : i32
    %ne3A_13 = arith.constant 0 : i32
    %ne3A_14 = arith.cmpi ne, %rem3A, %ne3A_13 : i32
    %and3A = arith.andi %ne3A, %ne3A_14 : i1
    %sub3A = arith.constant 1 : i32
    %sub3A_15 = arith.subi %div3A, %sub3A : i32
    %select_n3A = arith.select %and3A, %sub3A_15, %div3A : i32
    %jit3A_16 = arith.constant 4 : i32
    %eq3A = arith.constant 0 : i32
    %eq3A_17 = arith.cmpi eq, %jit3A_16, %eq3A : i32
    %jit3A_18 = arith.constant 1 : i32
    %select_n3A_19 = arith.select %eq3A_17, %jit3A_18, %jit3A_16 : i32
    %rem3A_20 = arith.remsi %select_n3A, %select_n3A_19 : i32
    %ne3A_21 = arith.constant 0 : i32
    %ne3A_22 = arith.cmpi ne, %rem3A_20, %ne3A_21 : i32
    %lt3A = arith.constant 0 : i32
    %lt3A_23 = arith.cmpi slt, %rem3A_20, %lt3A : i32
    %lt3A_24 = arith.constant 0 : i32
    %lt3A_25 = arith.cmpi slt, %select_n3A_19, %lt3A_24 : i32
    %ne3A_26 = arith.xori %lt3A_23, %lt3A_25 : i1
    %and3A_27 = arith.andi %ne3A_26, %ne3A_22 : i1
    %add3A = arith.addi %rem3A_20, %select_n3A_19 : i32
    %select_n3A_28 = arith.select %and3A_27, %add3A, %rem3A_20 : i32
    %c0_i32 = arith.constant 0 : i32
    %c0_i32_29 = arith.constant 0 : i32
    %c0_i32_30 = arith.constant 0 : i32
    return %select_n3A_28, %c0_i32, %c0_i32_29 : i32, i32, i32
  }
  func.func @transform_3(%arg0: i32, %arg1: i32) -> (i32, i32, i32) {
    %c0_i32 = arith.constant 0 : i32
    %c0_i32_0 = arith.constant 0 : i32
    %c0_i32_1 = arith.constant 0 : i32
    return %arg0, %c0_i32, %c0_i32_0 : i32, i32, i32
  }
  func.func @transform_4(%arg0: i32, %arg1: i32) -> (i32, i32, i32) {
    %c0_i32 = arith.constant 0 : i32
    %c0_i32_0 = arith.constant 0 : i32
    %c0_i32_1 = arith.constant 0 : i32
    return %arg0, %c0_i32, %c0_i32_0 : i32, i32, i32
  }
}

module attributes {stable_mosaic.version = 14 : i64} {
  func.func @_kmax_kernel(%arg0: i32, %arg1: i32, %arg2: memref<1x75x2048xi32, #tpu.memory_space<vmem>>, %arg3: memref<1x1x16384xi32, #tpu.memory_space<vmem>>, %arg4: memref<1x1x16384xi32, #tpu.memory_space<vmem>>, %arg5: memref<1x75x1xi32, #tpu.memory_space<vmem>>, %arg6: memref<1x75x1xi32, #tpu.memory_space<vmem>>, %arg7: memref<75x1xi32, #tpu.memory_space<vmem>>, %arg8: memref<75x1xi32, #tpu.memory_space<vmem>>) attributes {dimension_semantics = [#tpu.dimension_semantics<arbitrary>, #tpu.dimension_semantics<arbitrary>], iteration_bounds = array<i64: 152, 8>, scalar_prefetch = 0 : i64, scratch_operands = 2 : i64, tpu.core_type = #tpu.core_type<tc>, window_params = [{transform_indices = @transform_0, window_bounds = array<i64: 1, 75, 2048>}, {transform_indices = @transform_1, window_bounds = array<i64: 1, 1, 16384>}, {transform_indices = @transform_2, window_bounds = array<i64: 1, 1, 16384>}, {transform_indices = @transform_3, window_bounds = array<i64: 1, 75, 1>}, {transform_indices = @transform_4, window_bounds = array<i64: 1, 75, 1>}]} {
    %mul3A = arith.constant 2048 : i32
    %mul3A_0 = arith.muli %arg1, %mul3A : i32
    %jit3A = arith.constant 8 : i32
    %div3A = arith.divsi %arg0, %jit3A : i32
    %sign3A = arith.constant 0 : i32
    %sign3A_1 = arith.cmpi sgt, %arg0, %sign3A : i32
    %sign3A_2 = arith.extui %sign3A_1 : i1 to i32
    %sign3A_3 = arith.constant 0 : i32
    %sign3A_4 = arith.cmpi slt, %arg0, %sign3A_3 : i32
    %sign3A_5 = arith.extui %sign3A_4 : i1 to i32
    %sign3A_6 = arith.subi %sign3A_2, %sign3A_5 : i32
    %sign3A_7 = arith.constant 0 : i32
    %sign3A_8 = arith.cmpi sgt, %jit3A, %sign3A_7 : i32
    %sign3A_9 = arith.extui %sign3A_8 : i1 to i32
    %sign3A_10 = arith.constant 0 : i32
    %sign3A_11 = arith.cmpi slt, %jit3A, %sign3A_10 : i32
    %sign3A_12 = arith.extui %sign3A_11 : i1 to i32
    %sign3A_13 = arith.subi %sign3A_9, %sign3A_12 : i32
    %ne3A = arith.cmpi ne, %sign3A_6, %sign3A_13 : i32
    %rem3A = arith.remsi %arg0, %jit3A : i32
    %ne3A_14 = arith.constant 0 : i32
    %ne3A_15 = arith.cmpi ne, %rem3A, %ne3A_14 : i32
    %and3A = arith.andi %ne3A, %ne3A_15 : i1
    %sub3A = arith.constant 1 : i32
    %sub3A_16 = arith.subi %div3A, %sub3A : i32
    %select_n3A = arith.select %and3A, %sub3A_16, %div3A : i32
    %jit3A_17 = arith.constant 2 : i32
    %eq3A = arith.constant 0 : i32
    %eq3A_18 = arith.cmpi eq, %jit3A_17, %eq3A : i32
    %jit3A_19 = arith.constant 1 : i32
    %select_n3A_20 = arith.select %eq3A_18, %jit3A_19, %jit3A_17 : i32
    %rem3A_21 = arith.remsi %arg0, %select_n3A_20 : i32
    %ne3A_22 = arith.constant 0 : i32
    %ne3A_23 = arith.cmpi ne, %rem3A_21, %ne3A_22 : i32
    %lt3A = arith.constant 0 : i32
    %lt3A_24 = arith.cmpi slt, %rem3A_21, %lt3A : i32
    %lt3A_25 = arith.constant 0 : i32
    %lt3A_26 = arith.cmpi slt, %select_n3A_20, %lt3A_25 : i32
    %ne3A_27 = arith.xori %lt3A_24, %lt3A_26 : i1
    %and3A_28 = arith.andi %ne3A_27, %ne3A_23 : i1
    %add3A = arith.addi %rem3A_21, %select_n3A_20 : i32
    %select_n3A_29 = arith.select %and3A_28, %add3A, %rem3A_21 : i32
    %get3A = arith.constant 0 : index
    %get3A_30 = arith.constant 0 : index
    %get3A_31 = arith.index_cast %mul3A_0 : i32 to index
    %get3A_32 = vector.load %arg3[%get3A, %get3A_30, %get3A_31] : memref<1x1x16384xi32, #tpu.memory_space<vmem>>, vector<1x1x2048xi32>
    %get3A_33 = vector.shape_cast %get3A_32 : vector<1x1x2048xi32> to vector<1x2048xi32>
    %get3A_34 = arith.constant 0 : index
    %get3A_35 = arith.constant 0 : index
    %get3A_36 = arith.index_cast %mul3A_0 : i32 to index
    %get3A_37 = vector.load %arg4[%get3A_34, %get3A_35, %get3A_36] : memref<1x1x16384xi32, #tpu.memory_space<vmem>>, vector<1x1x2048xi32>
    %get3A_38 = vector.shape_cast %get3A_37 : vector<1x1x2048xi32> to vector<1x2048xi32>
    %eq3A_39 = vector.broadcast %select_n3A : i32 to vector<1x2048xi32>
    %eq3A_40 = arith.cmpi eq, %get3A_33, %eq3A_39 : vector<1x2048xi32>
    %eq3A_41 = vector.broadcast %select_n3A : i32 to vector<1x2048xi32>
    %eq3A_42 = arith.cmpi eq, %get3A_38, %eq3A_41 : vector<1x2048xi32>
    %not3A = arith.constant dense<true> : vector<1x2048xi1>
    %not3A_43 = arith.xori %eq3A_42, %not3A : vector<1x2048xi1>
    %and3A_44 = arith.andi %eq3A_40, %not3A_43 : vector<1x2048xi1>
    %not3A_45 = arith.constant dense<true> : vector<1x2048xi1>
    %not3A_46 = arith.xori %eq3A_40, %not3A_45 : vector<1x2048xi1>
    %and3A_47 = arith.andi %not3A_46, %eq3A_42 : vector<1x2048xi1>
    %eq3A_48 = arith.constant 0 : i32
    %eq3A_49 = arith.cmpi eq, %select_n3A_29, %eq3A_48 : i32
    %convert_element_type3A = arith.extui %and3A_44 : vector<1x2048xi1> to vector<1x2048xi32>
    %convert_element_type3A_50 = arith.extui %and3A_47 : vector<1x2048xi1> to vector<1x2048xi32>
    %select_n3A_51 = arith.select %eq3A_49, %convert_element_type3A, %convert_element_type3A_50 : vector<1x2048xi32>
    %get3A_52 = arith.constant 0 : index
    %get3A_53 = arith.constant 0 : index
    %get3A_54 = arith.constant 0 : index
    %get3A_55 = vector.load %arg2[%get3A_52, %get3A_53, %get3A_54] : memref<1x75x2048xi32, #tpu.memory_space<vmem>>, vector<1x75x2048xi32>
    %get3A_56 = vector.shape_cast %get3A_55 : vector<1x75x2048xi32> to vector<75x2048xi32>
    %shift_right_logical3A = arith.constant 9 : i32
    %shift_right_logical3A_57 = vector.broadcast %shift_right_logical3A : i32 to vector<75x2048xi32>
    %shift_right_logical3A_58 = arith.shrui %get3A_56, %shift_right_logical3A_57 : vector<75x2048xi32>
    %gt3A = arith.constant 0 : i32
    %gt3A_59 = vector.broadcast %gt3A : i32 to vector<1x2048xi32>
    %gt3A_60 = arith.cmpi sgt, %select_n3A_51, %gt3A_59 : vector<1x2048xi32>
    %jit3A_61 = arith.constant -1 : i32
    %broadcast_in_dim3A = vector.shape_cast %gt3A_60 : vector<1x2048xi1> to vector<1x2048xi1>
    %broadcast_in_dim3A_62 = vector.broadcast %broadcast_in_dim3A : vector<1x2048xi1> to vector<75x2048xi1>
    %broadcast_in_dim3A_63 = vector.broadcast %jit3A_61 : i32 to vector<75x2048xi32>
    %select_n3A_64 = arith.select %broadcast_in_dim3A_62, %shift_right_logical3A_58, %broadcast_in_dim3A_63 : vector<75x2048xi1>, vector<75x2048xi32>
    %reduce_max3A = arith.constant dense<-2147483648> : vector<75xi32>
    %reduce_max3A_65 = vector.multi_reduction <maxsi>, %select_n3A_64, %reduce_max3A [1] : vector<75x2048xi32> to vector<75xi32>
    %broadcast_in_dim3A_66 = vector.shape_cast %reduce_max3A_65 : vector<75xi32> to vector<75x1xi32>
    %reduce_max3A_67 = arith.constant dense<-2147483648> : vector<75xi32>
    %reduce_max3A_68 = vector.multi_reduction <maxsi>, %shift_right_logical3A_58, %reduce_max3A_67 [1] : vector<75x2048xi32> to vector<75xi32>
    %broadcast_in_dim3A_69 = vector.shape_cast %reduce_max3A_68 : vector<75xi32> to vector<75x1xi32>
    %eq3A_70 = arith.constant 0 : i32
    %eq3A_71 = arith.cmpi eq, %arg1, %eq3A_70 : i32
    %convert_element_type3A_72 = arith.extui %eq3A_71 : i1 to i32
    %cond3A = arith.constant 0 : i32
    %cond3A_73 = arith.cmpi ne, %convert_element_type3A_72, %cond3A : i32
    scf.if %cond3A_73 {
      %swap3A = arith.constant 0 : index
      %swap3A_84 = arith.constant 0 : index
      %swap3A_85 = vector.load %arg7[%swap3A, %swap3A_84] : memref<75x1xi32, #tpu.memory_space<vmem>>, vector<75x1xi32>
      tpu.vector_store %arg7[%swap3A, %swap3A_84], %broadcast_in_dim3A_66 {strides = array<i32>} : memref<75x1xi32, #tpu.memory_space<vmem>>, vector<75x1xi32>,
      %swap3A_86 = arith.constant 0 : index
      %swap3A_87 = arith.constant 0 : index
      %swap3A_88 = vector.load %arg8[%swap3A_86, %swap3A_87] : memref<75x1xi32, #tpu.memory_space<vmem>>, vector<75x1xi32>
      tpu.vector_store %arg8[%swap3A_86, %swap3A_87], %broadcast_in_dim3A_69 {strides = array<i32>} : memref<75x1xi32, #tpu.memory_space<vmem>>, vector<75x1xi32>,
    } else {
    }
    %ne3A_74 = arith.constant 0 : i32
    %ne3A_75 = arith.cmpi ne, %arg1, %ne3A_74 : i32
    %convert_element_type3A_76 = arith.extui %ne3A_75 : i1 to i32
    %cond3A_77 = arith.constant 0 : i32
    %cond3A_78 = arith.cmpi ne, %convert_element_type3A_76, %cond3A_77 : i32
    scf.if %cond3A_78 {
      %get3A_84 = arith.constant 0 : index
      %get3A_85 = arith.constant 0 : index
      %get3A_86 = vector.load %arg7[%get3A_84, %get3A_85] : memref<75x1xi32, #tpu.memory_space<vmem>>, vector<75x1xi32>
      %max3A = arith.maxsi %get3A_86, %broadcast_in_dim3A_66 : vector<75x1xi32>
      %swap3A = arith.constant 0 : index
      %swap3A_87 = arith.constant 0 : index
      %swap3A_88 = vector.load %arg7[%swap3A, %swap3A_87] : memref<75x1xi32, #tpu.memory_space<vmem>>, vector<75x1xi32>
      tpu.vector_store %arg7[%swap3A, %swap3A_87], %max3A {strides = array<i32>} : memref<75x1xi32, #tpu.memory_space<vmem>>, vector<75x1xi32>,
      %get3A_89 = arith.constant 0 : index
      %get3A_90 = arith.constant 0 : index
      %get3A_91 = vector.load %arg8[%get3A_89, %get3A_90] : memref<75x1xi32, #tpu.memory_space<vmem>>, vector<75x1xi32>
      %max3A_92 = arith.maxsi %get3A_91, %broadcast_in_dim3A_69 : vector<75x1xi32>
      %swap3A_93 = arith.constant 0 : index
      %swap3A_94 = arith.constant 0 : index
      %swap3A_95 = vector.load %arg8[%swap3A_93, %swap3A_94] : memref<75x1xi32, #tpu.memory_space<vmem>>, vector<75x1xi32>
      tpu.vector_store %arg8[%swap3A_93, %swap3A_94], %max3A_92 {strides = array<i32>} : memref<75x1xi32, #tpu.memory_space<vmem>>, vector<75x1xi32>,
    } else {
    }
    %eq3A_79 = arith.constant 7 : i32
    %eq3A_80 = arith.cmpi eq, %arg1, %eq3A_79 : i32
    %convert_element_type3A_81 = arith.extui %eq3A_80 : i1 to i32
    %cond3A_82 = arith.constant 0 : i32
    %cond3A_83 = arith.cmpi ne, %convert_element_type3A_81, %cond3A_82 : i32
    scf.if %cond3A_83 {
      %get3A_84 = arith.constant 0 : index
      %get3A_85 = arith.constant 0 : index
      %get3A_86 = vector.load %arg7[%get3A_84, %get3A_85] : memref<75x1xi32, #tpu.memory_space<vmem>>, vector<75x1xi32>
      %swap3A = arith.constant 0 : index
      %swap3A_87 = arith.constant 0 : index
      %swap3A_88 = arith.constant 0 : index
      %swap3A_89 = vector.load %arg5[%swap3A, %swap3A_87, %swap3A_88] : memref<1x75x1xi32, #tpu.memory_space<vmem>>, vector<1x75x1xi32>
      %swap3A_90 = vector.shape_cast %swap3A_89 : vector<1x75x1xi32> to vector<75x1xi32>
      %swap3A_91 = vector.shape_cast %get3A_86 : vector<75x1xi32> to vector<1x75x1xi32>
      tpu.vector_store %arg5[%swap3A, %swap3A_87, %swap3A_88], %swap3A_91 {strides = array<i32>} : memref<1x75x1xi32, #tpu.memory_space<vmem>>, vector<1x75x1xi32>,
      %get3A_92 = arith.constant 0 : index
      %get3A_93 = arith.constant 0 : index
      %get3A_94 = vector.load %arg8[%get3A_92, %get3A_93] : memref<75x1xi32, #tpu.memory_space<vmem>>, vector<75x1xi32>
      %swap3A_95 = arith.constant 0 : index
      %swap3A_96 = arith.constant 0 : index
      %swap3A_97 = arith.constant 0 : index
      %swap3A_98 = vector.load %arg6[%swap3A_95, %swap3A_96, %swap3A_97] : memref<1x75x1xi32, #tpu.memory_space<vmem>>, vector<1x75x1xi32>
      %swap3A_99 = vector.shape_cast %swap3A_98 : vector<1x75x1xi32> to vector<75x1xi32>
      %swap3A_100 = vector.shape_cast %get3A_94 : vector<75x1xi32> to vector<1x75x1xi32>
      tpu.vector_store %arg6[%swap3A_95, %swap3A_96, %swap3A_97], %swap3A_100 {strides = array<i32>} : memref<1x75x1xi32, #tpu.memory_space<vmem>>, vector<1x75x1xi32>,
    } else {
    }
    return
  }
  func.func @transform_0(%arg0: i32, %arg1: i32) -> (i32, i32, i32) {
    %c0_i32 = arith.constant 0 : i32
    %c0_i32_0 = arith.constant 0 : i32
    return %arg0, %c0_i32, %arg1 : i32, i32, i32
  }
  func.func @transform_1(%arg0: i32, %arg1: i32) -> (i32, i32, i32) {
    %jit3A = arith.constant 2 : i32
    %div3A = arith.divsi %arg0, %jit3A : i32
    %sign3A = arith.constant 0 : i32
    %sign3A_0 = arith.cmpi sgt, %arg0, %sign3A : i32
    %sign3A_1 = arith.extui %sign3A_0 : i1 to i32
    %sign3A_2 = arith.constant 0 : i32
    %sign3A_3 = arith.cmpi slt, %arg0, %sign3A_2 : i32
    %sign3A_4 = arith.extui %sign3A_3 : i1 to i32
    %sign3A_5 = arith.subi %sign3A_1, %sign3A_4 : i32
    %sign3A_6 = arith.constant 0 : i32
    %sign3A_7 = arith.cmpi sgt, %jit3A, %sign3A_6 : i32
    %sign3A_8 = arith.extui %sign3A_7 : i1 to i32
    %sign3A_9 = arith.constant 0 : i32
    %sign3A_10 = arith.cmpi slt, %jit3A, %sign3A_9 : i32
    %sign3A_11 = arith.extui %sign3A_10 : i1 to i32
    %sign3A_12 = arith.subi %sign3A_8, %sign3A_11 : i32
    %ne3A = arith.cmpi ne, %sign3A_5, %sign3A_12 : i32
    %rem3A = arith.remsi %arg0, %jit3A : i32
    %ne3A_13 = arith.constant 0 : i32
    %ne3A_14 = arith.cmpi ne, %rem3A, %ne3A_13 : i32
    %and3A = arith.andi %ne3A, %ne3A_14 : i1
    %sub3A = arith.constant 1 : i32
    %sub3A_15 = arith.subi %div3A, %sub3A : i32
    %select_n3A = arith.select %and3A, %sub3A_15, %div3A : i32
    %jit3A_16 = arith.constant 4 : i32
    %eq3A = arith.constant 0 : i32
    %eq3A_17 = arith.cmpi eq, %jit3A_16, %eq3A : i32
    %jit3A_18 = arith.constant 1 : i32
    %select_n3A_19 = arith.select %eq3A_17, %jit3A_18, %jit3A_16 : i32
    %rem3A_20 = arith.remsi %select_n3A, %select_n3A_19 : i32
    %ne3A_21 = arith.constant 0 : i32
    %ne3A_22 = arith.cmpi ne, %rem3A_20, %ne3A_21 : i32
    %lt3A = arith.constant 0 : i32
    %lt3A_23 = arith.cmpi slt, %rem3A_20, %lt3A : i32
    %lt3A_24 = arith.constant 0 : i32
    %lt3A_25 = arith.cmpi slt, %select_n3A_19, %lt3A_24 : i32
    %ne3A_26 = arith.xori %lt3A_23, %lt3A_25 : i1
    %and3A_27 = arith.andi %ne3A_26, %ne3A_22 : i1
    %add3A = arith.addi %rem3A_20, %select_n3A_19 : i32
    %select_n3A_28 = arith.select %and3A_27, %add3A, %rem3A_20 : i32
    %c0_i32 = arith.constant 0 : i32
    %c0_i32_29 = arith.constant 0 : i32
    %c0_i32_30 = arith.constant 0 : i32
    return %select_n3A_28, %c0_i32, %c0_i32_29 : i32, i32, i32
  }
  func.func @transform_2(%arg0: i32, %arg1: i32) -> (i32, i32, i32) {
    %jit3A = arith.constant 2 : i32
    %div3A = arith.divsi %arg0, %jit3A : i32
    %sign3A = arith.constant 0 : i32
    %sign3A_0 = arith.cmpi sgt, %arg0, %sign3A : i32
    %sign3A_1 = arith.extui %sign3A_0 : i1 to i32
    %sign3A_2 = arith.constant 0 : i32
    %sign3A_3 = arith.cmpi slt, %arg0, %sign3A_2 : i32
    %sign3A_4 = arith.extui %sign3A_3 : i1 to i32
    %sign3A_5 = arith.subi %sign3A_1, %sign3A_4 : i32
    %sign3A_6 = arith.constant 0 : i32
    %sign3A_7 = arith.cmpi sgt, %jit3A, %sign3A_6 : i32
    %sign3A_8 = arith.extui %sign3A_7 : i1 to i32
    %sign3A_9 = arith.constant 0 : i32
    %sign3A_10 = arith.cmpi slt, %jit3A, %sign3A_9 : i32
    %sign3A_11 = arith.extui %sign3A_10 : i1 to i32
    %sign3A_12 = arith.subi %sign3A_8, %sign3A_11 : i32
    %ne3A = arith.cmpi ne, %sign3A_5, %sign3A_12 : i32
    %rem3A = arith.remsi %arg0, %jit3A : i32
    %ne3A_13 = arith.constant 0 : i32
    %ne3A_14 = arith.cmpi ne, %rem3A, %ne3A_13 : i32
    %and3A = arith.andi %ne3A, %ne3A_14 : i1
    %sub3A = arith.constant 1 : i32
    %sub3A_15 = arith.subi %div3A, %sub3A : i32
    %select_n3A = arith.select %and3A, %sub3A_15, %div3A : i32
    %jit3A_16 = arith.constant 4 : i32
    %eq3A = arith.constant 0 : i32
    %eq3A_17 = arith.cmpi eq, %jit3A_16, %eq3A : i32
    %jit3A_18 = arith.constant 1 : i32
    %select_n3A_19 = arith.select %eq3A_17, %jit3A_18, %jit3A_16 : i32
    %rem3A_20 = arith.remsi %select_n3A, %select_n3A_19 : i32
    %ne3A_21 = arith.constant 0 : i32
    %ne3A_22 = arith.cmpi ne, %rem3A_20, %ne3A_21 : i32
    %lt3A = arith.constant 0 : i32
    %lt3A_23 = arith.cmpi slt, %rem3A_20, %lt3A : i32
    %lt3A_24 = arith.constant 0 : i32
    %lt3A_25 = arith.cmpi slt, %select_n3A_19, %lt3A_24 : i32
    %ne3A_26 = arith.xori %lt3A_23, %lt3A_25 : i1
    %and3A_27 = arith.andi %ne3A_26, %ne3A_22 : i1
    %add3A = arith.addi %rem3A_20, %select_n3A_19 : i32
    %select_n3A_28 = arith.select %and3A_27, %add3A, %rem3A_20 : i32
    %c0_i32 = arith.constant 0 : i32
    %c0_i32_29 = arith.constant 0 : i32
    %c0_i32_30 = arith.constant 0 : i32
    return %select_n3A_28, %c0_i32, %c0_i32_29 : i32, i32, i32
  }
  func.func @transform_3(%arg0: i32, %arg1: i32) -> (i32, i32, i32) {
    %c0_i32 = arith.constant 0 : i32
    %c0_i32_0 = arith.constant 0 : i32
    %c0_i32_1 = arith.constant 0 : i32
    return %arg0, %c0_i32, %c0_i32_0 : i32, i32, i32
  }
  func.func @transform_4(%arg0: i32, %arg1: i32) -> (i32, i32, i32) {
    %c0_i32 = arith.constant 0 : i32
    %c0_i32_0 = arith.constant 0 : i32
    %c0_i32_1 = arith.constant 0 : i32
    return %arg0, %c0_i32, %c0_i32_0 : i32, i32, i32
  }
}

module attributes {stable_mosaic.version = 14 : i64} {
  func.func @_interp_kernel(%arg0: i32, %arg1: i32, %arg2: memref<1x32x64x64xf32, #tpu.memory_space<vmem>>, %arg3: memref<128x64xf32, #tpu.memory_space<vmem>>, %arg4: memref<128x64xf32, #tpu.memory_space<vmem>>, %arg5: memref<1x32x128x128xf32, #tpu.memory_space<vmem>>, %arg6: memref<1x128x128xf32, #tpu.memory_space<vmem>>) attributes {dimension_semantics = [#tpu.dimension_semantics<arbitrary>, #tpu.dimension_semantics<arbitrary>], iteration_bounds = array<i64: 4, 8>, scalar_prefetch = 0 : i64, scratch_operands = 0 : i64, tpu.core_type = #tpu.core_type<tc>, window_params = [{transform_indices = @transform_0, window_bounds = array<i64: 1, 32, 64, 64>}, {pipeline_mode = #tpu.pipeline_mode<synchronous>, transform_indices = @transform_1, window_bounds = array<i64: 128, 64>}, {pipeline_mode = #tpu.pipeline_mode<synchronous>, transform_indices = @transform_2, window_bounds = array<i64: 128, 64>}, {transform_indices = @transform_3, window_bounds = array<i64: 1, 32, 128, 128>}, {transform_indices = @transform_4, window_bounds = array<i64: 1, 128, 128>}]} {
    %get3A = arith.constant 0 : index
    %get3A_0 = arith.constant 0 : index
    %get3A_1 = arith.constant 0 : index
    %get3A_2 = arith.constant 0 : index
    %get3A_3 = vector.load %arg2[%get3A, %get3A_0, %get3A_1, %get3A_2] : memref<1x32x64x64xf32, #tpu.memory_space<vmem>>, vector<1x32x64x64xf32>
    %get3A_4 = vector.shape_cast %get3A_3 : vector<1x32x64x64xf32> to vector<32x64x64xf32>
    %get3A_5 = arith.constant 0 : index
    %get3A_6 = arith.constant 0 : index
    %get3A_7 = vector.load %arg4[%get3A_5, %get3A_6] : memref<128x64xf32, #tpu.memory_space<vmem>>, vector<128x64xf32>
    %dot_general3A = arith.constant dense<0.000000e+00> : vector<32x64x128xf32>
    %dot_general3A_8 = tpu.matmul %get3A_4, %get3A_7, %dot_general3A {dimension_numbers = #tpu.dot_dimension_numbers<[2], [1], [0, 1], [0], [0, 0, 0, 1, 1, 0], [], []>, transpose_lhs_hint = false} : vector<32x64x64xf32>, vector<128x64xf32>, vector<32x64x128xf32> -> vector<32x64x128xf32>
    %get3A_9 = arith.constant 0 : index
    %get3A_10 = arith.constant 0 : index
    %get3A_11 = vector.load %arg3[%get3A_9, %get3A_10] : memref<128x64xf32, #tpu.memory_space<vmem>>, vector<128x64xf32>
    %broadcast_in_dim3A = vector.shape_cast %get3A_11 : vector<128x64xf32> to vector<1x128x64xf32>
    %broadcast_in_dim3A_12 = vector.shape_cast %broadcast_in_dim3A : vector<1x128x64xf32> to vector<1x128x64xf32>
    %broadcast_in_dim3A_13 = vector.broadcast %broadcast_in_dim3A_12 : vector<1x128x64xf32> to vector<32x128x64xf32>
    %dot_general3A_14 = arith.constant dense<0.000000e+00> : vector<32x128x128xf32>
    %dot_general3A_15 = tpu.matmul %broadcast_in_dim3A_13, %dot_general3A_8, %dot_general3A_14 {dimension_numbers = #tpu.dot_dimension_numbers<[2], [1], [1], [2], [0, 0, 0, 1, 1, 2], [0], [0]>, transpose_lhs_hint = false} : vector<32x128x64xf32>, vector<32x64x128xf32>, vector<32x128x128xf32> -> vector<32x128x128xf32>
    %swap3A = arith.constant 0 : index
    %swap3A_16 = arith.constant 0 : index
    %swap3A_17 = arith.constant 0 : index
    %swap3A_18 = arith.constant 0 : index
    %swap3A_19 = vector.load %arg5[%swap3A, %swap3A_16, %swap3A_17, %swap3A_18] : memref<1x32x128x128xf32, #tpu.memory_space<vmem>>, vector<1x32x128x128xf32>
    %swap3A_20 = vector.shape_cast %swap3A_19 : vector<1x32x128x128xf32> to vector<32x128x128xf32>
    %swap3A_21 = vector.shape_cast %dot_general3A_15 : vector<32x128x128xf32> to vector<1x32x128x128xf32>
    tpu.vector_store %arg5[%swap3A, %swap3A_16, %swap3A_17, %swap3A_18], %swap3A_21 {strides = array<i32>} : memref<1x32x128x128xf32, #tpu.memory_space<vmem>>, vector<1x32x128x128xf32>,
    %mul3A = arith.mulf %dot_general3A_15, %dot_general3A_15 : vector<32x128x128xf32>
    %reduce_sum3A = arith.constant dense<0.000000e+00> : vector<128x128xf32>
    %reduce_sum3A_22 = vector.multi_reduction <add>, %mul3A, %reduce_sum3A [0] : vector<32x128x128xf32> to vector<128x128xf32>
    %eq3A = arith.constant 0 : i32
    %eq3A_23 = arith.cmpi eq, %arg1, %eq3A : i32
    %convert_element_type3A = arith.extui %eq3A_23 : i1 to i32
    %cond3A = arith.constant 0 : i32
    %cond3A_24 = arith.cmpi ne, %convert_element_type3A, %cond3A : i32
    scf.if %cond3A_24 {
      %swap3A_29 = arith.constant 0 : index
      %swap3A_30 = arith.constant 0 : index
      %swap3A_31 = arith.constant 0 : index
      %swap3A_32 = vector.load %arg6[%swap3A_29, %swap3A_30, %swap3A_31] : memref<1x128x128xf32, #tpu.memory_space<vmem>>, vector<1x128x128xf32>
      %swap3A_33 = vector.shape_cast %swap3A_32 : vector<1x128x128xf32> to vector<128x128xf32>
      %swap3A_34 = vector.shape_cast %reduce_sum3A_22 : vector<128x128xf32> to vector<1x128x128xf32>
      tpu.vector_store %arg6[%swap3A_29, %swap3A_30, %swap3A_31], %swap3A_34 {strides = array<i32>} : memref<1x128x128xf32, #tpu.memory_space<vmem>>, vector<1x128x128xf32>,
    } else {
    }
    %ne3A = arith.constant 0 : i32
    %ne3A_25 = arith.cmpi ne, %arg1, %ne3A : i32
    %convert_element_type3A_26 = arith.extui %ne3A_25 : i1 to i32
    %cond3A_27 = arith.constant 0 : i32
    %cond3A_28 = arith.cmpi ne, %convert_element_type3A_26, %cond3A_27 : i32
    scf.if %cond3A_28 {
      %get3A_29 = arith.constant 0 : index
      %get3A_30 = arith.constant 0 : index
      %get3A_31 = arith.constant 0 : index
      %get3A_32 = vector.load %arg6[%get3A_29, %get3A_30, %get3A_31] : memref<1x128x128xf32, #tpu.memory_space<vmem>>, vector<1x128x128xf32>
      %get3A_33 = vector.shape_cast %get3A_32 : vector<1x128x128xf32> to vector<128x128xf32>
      %add3A = arith.addf %get3A_33, %reduce_sum3A_22 : vector<128x128xf32>
      %swap3A_34 = arith.constant 0 : index
      %swap3A_35 = arith.constant 0 : index
      %swap3A_36 = arith.constant 0 : index
      %swap3A_37 = vector.load %arg6[%swap3A_34, %swap3A_35, %swap3A_36] : memref<1x128x128xf32, #tpu.memory_space<vmem>>, vector<1x128x128xf32>
      %swap3A_38 = vector.shape_cast %swap3A_37 : vector<1x128x128xf32> to vector<128x128xf32>
      %swap3A_39 = vector.shape_cast %add3A : vector<128x128xf32> to vector<1x128x128xf32>
      tpu.vector_store %arg6[%swap3A_34, %swap3A_35, %swap3A_36], %swap3A_39 {strides = array<i32>} : memref<1x128x128xf32, #tpu.memory_space<vmem>>, vector<1x128x128xf32>,
    } else {
    }
    return
  }
  func.func @transform_0(%arg0: i32, %arg1: i32) -> (i32, i32, i32, i32) {
    %c0_i32 = arith.constant 0 : i32
    %c0_i32_0 = arith.constant 0 : i32
    %c0_i32_1 = arith.constant 0 : i32
    return %arg0, %arg1, %c0_i32, %c0_i32_0 : i32, i32, i32, i32
  }
  func.func @transform_1(%arg0: i32, %arg1: i32) -> (i32, i32) {
    %c0_i32 = arith.constant 0 : i32
    %c0_i32_0 = arith.constant 0 : i32
    %c0_i32_1 = arith.constant 0 : i32
    return %c0_i32, %c0_i32_0 : i32, i32
  }
  func.func @transform_2(%arg0: i32, %arg1: i32) -> (i32, i32) {
    %c0_i32 = arith.constant 0 : i32
    %c0_i32_0 = arith.constant 0 : i32
    %c0_i32_1 = arith.constant 0 : i32
    return %c0_i32, %c0_i32_0 : i32, i32
  }
  func.func @transform_3(%arg0: i32, %arg1: i32) -> (i32, i32, i32, i32) {
    %c0_i32 = arith.constant 0 : i32
    %c0_i32_0 = arith.constant 0 : i32
    %c0_i32_1 = arith.constant 0 : i32
    return %arg0, %arg1, %c0_i32, %c0_i32_0 : i32, i32, i32, i32
  }
  func.func @transform_4(%arg0: i32, %arg1: i32) -> (i32, i32, i32) {
    %c0_i32 = arith.constant 0 : i32
    %c0_i32_0 = arith.constant 0 : i32
    %c0_i32_1 = arith.constant 0 : i32
    return %arg0, %c0_i32, %c0_i32_0 : i32, i32, i32
  }
}

module attributes {stable_mosaic.version = 14 : i64} {
  func.func @_select_kernel(%arg0: i32, %arg1: i32, %arg2: memref<1x175x2048xi32, #tpu.memory_space<vmem>>, %arg3: memref<1x1x16384xi32, #tpu.memory_space<vmem>>, %arg4: memref<1x1x16384xi32, #tpu.memory_space<vmem>>, %arg5: memref<1x175x1xi32, #tpu.memory_space<vmem>>, %arg6: memref<1x175x1xi32, #tpu.memory_space<vmem>>, %arg7: memref<1x175x1xi32, #tpu.memory_space<vmem>>, %arg8: memref<1x175x1xi32, #tpu.memory_space<vmem>>, %arg9: memref<1x175x1xi32, #tpu.memory_space<vmem>>, %arg10: memref<1x175x1xi32, #tpu.memory_space<vmem>>, %arg11: memref<175x1xi32, #tpu.memory_space<vmem>>, %arg12: memref<175x1xi32, #tpu.memory_space<vmem>>, %arg13: memref<175x1xi32, #tpu.memory_space<vmem>>, %arg14: memref<175x1xi32, #tpu.memory_space<vmem>>) attributes {dimension_semantics = [#tpu.dimension_semantics<arbitrary>, #tpu.dimension_semantics<arbitrary>], iteration_bounds = array<i64: 152, 8>, scalar_prefetch = 0 : i64, scratch_operands = 4 : i64, tpu.core_type = #tpu.core_type<tc>, window_params = [{transform_indices = @transform_0, window_bounds = array<i64: 1, 175, 2048>}, {transform_indices = @transform_1, window_bounds = array<i64: 1, 1, 16384>}, {transform_indices = @transform_2, window_bounds = array<i64: 1, 1, 16384>}, {transform_indices = @transform_3, window_bounds = array<i64: 1, 175, 1>}, {transform_indices = @transform_4, window_bounds = array<i64: 1, 175, 1>}, {transform_indices = @transform_5, window_bounds = array<i64: 1, 175, 1>}, {transform_indices = @transform_6, window_bounds = array<i64: 1, 175, 1>}, {transform_indices = @transform_7, window_bounds = array<i64: 1, 175, 1>}, {transform_indices = @transform_8, window_bounds = array<i64: 1, 175, 1>}]} {
    %mul3A = arith.constant 2048 : i32
    %mul3A_0 = arith.muli %arg1, %mul3A : i32
    %jit3A = arith.constant 8 : i32
    %div3A = arith.divsi %arg0, %jit3A : i32
    %sign3A = arith.constant 0 : i32
    %sign3A_1 = arith.cmpi sgt, %arg0, %sign3A : i32
    %sign3A_2 = arith.extui %sign3A_1 : i1 to i32
    %sign3A_3 = arith.constant 0 : i32
    %sign3A_4 = arith.cmpi slt, %arg0, %sign3A_3 : i32
    %sign3A_5 = arith.extui %sign3A_4 : i1 to i32
    %sign3A_6 = arith.subi %sign3A_2, %sign3A_5 : i32
    %sign3A_7 = arith.constant 0 : i32
    %sign3A_8 = arith.cmpi sgt, %jit3A, %sign3A_7 : i32
    %sign3A_9 = arith.extui %sign3A_8 : i1 to i32
    %sign3A_10 = arith.constant 0 : i32
    %sign3A_11 = arith.cmpi slt, %jit3A, %sign3A_10 : i32
    %sign3A_12 = arith.extui %sign3A_11 : i1 to i32
    %sign3A_13 = arith.subi %sign3A_9, %sign3A_12 : i32
    %ne3A = arith.cmpi ne, %sign3A_6, %sign3A_13 : i32
    %rem3A = arith.remsi %arg0, %jit3A : i32
    %ne3A_14 = arith.constant 0 : i32
    %ne3A_15 = arith.cmpi ne, %rem3A, %ne3A_14 : i32
    %and3A = arith.andi %ne3A, %ne3A_15 : i1
    %sub3A = arith.constant 1 : i32
    %sub3A_16 = arith.subi %div3A, %sub3A : i32
    %select_n3A = arith.select %and3A, %sub3A_16, %div3A : i32
    %jit3A_17 = arith.constant 2 : i32
    %eq3A = arith.constant 0 : i32
    %eq3A_18 = arith.cmpi eq, %jit3A_17, %eq3A : i32
    %jit3A_19 = arith.constant 1 : i32
    %select_n3A_20 = arith.select %eq3A_18, %jit3A_19, %jit3A_17 : i32
    %rem3A_21 = arith.remsi %arg0, %select_n3A_20 : i32
    %ne3A_22 = arith.constant 0 : i32
    %ne3A_23 = arith.cmpi ne, %rem3A_21, %ne3A_22 : i32
    %lt3A = arith.constant 0 : i32
    %lt3A_24 = arith.cmpi slt, %rem3A_21, %lt3A : i32
    %lt3A_25 = arith.constant 0 : i32
    %lt3A_26 = arith.cmpi slt, %select_n3A_20, %lt3A_25 : i32
    %ne3A_27 = arith.xori %lt3A_24, %lt3A_26 : i1
    %and3A_28 = arith.andi %ne3A_27, %ne3A_23 : i1
    %add3A = arith.addi %rem3A_21, %select_n3A_20 : i32
    %select_n3A_29 = arith.select %and3A_28, %add3A, %rem3A_21 : i32
    %get3A = arith.constant 0 : index
    %get3A_30 = arith.constant 0 : index
    %get3A_31 = arith.index_cast %mul3A_0 : i32 to index
    %get3A_32 = vector.load %arg3[%get3A, %get3A_30, %get3A_31] : memref<1x1x16384xi32, #tpu.memory_space<vmem>>, vector<1x1x2048xi32>
    %get3A_33 = vector.shape_cast %get3A_32 : vector<1x1x2048xi32> to vector<1x2048xi32>
    %get3A_34 = arith.constant 0 : index
    %get3A_35 = arith.constant 0 : index
    %get3A_36 = arith.index_cast %mul3A_0 : i32 to index
    %get3A_37 = vector.load %arg4[%get3A_34, %get3A_35, %get3A_36] : memref<1x1x16384xi32, #tpu.memory_space<vmem>>, vector<1x1x2048xi32>
    %get3A_38 = vector.shape_cast %get3A_37 : vector<1x1x2048xi32> to vector<1x2048xi32>
    %eq3A_39 = vector.broadcast %select_n3A : i32 to vector<1x2048xi32>
    %eq3A_40 = arith.cmpi eq, %get3A_33, %eq3A_39 : vector<1x2048xi32>
    %eq3A_41 = vector.broadcast %select_n3A : i32 to vector<1x2048xi32>
    %eq3A_42 = arith.cmpi eq, %get3A_38, %eq3A_41 : vector<1x2048xi32>
    %and3A_43 = arith.andi %eq3A_40, %eq3A_42 : vector<1x2048xi1>
    %not3A = arith.constant dense<true> : vector<1x2048xi1>
    %not3A_44 = arith.xori %eq3A_40, %not3A : vector<1x2048xi1>
    %not3A_45 = arith.constant dense<true> : vector<1x2048xi1>
    %not3A_46 = arith.xori %eq3A_42, %not3A_45 : vector<1x2048xi1>
    %and3A_47 = arith.andi %not3A_44, %not3A_46 : vector<1x2048xi1>
    %eq3A_48 = arith.constant 0 : i32
    %eq3A_49 = arith.cmpi eq, %select_n3A_29, %eq3A_48 : i32
    %convert_element_type3A = arith.extui %and3A_43 : vector<1x2048xi1> to vector<1x2048xi32>
    %convert_element_type3A_50 = arith.extui %and3A_47 : vector<1x2048xi1> to vector<1x2048xi32>
    %select_n3A_51 = arith.select %eq3A_49, %convert_element_type3A, %convert_element_type3A_50 : vector<1x2048xi32>
    %get3A_52 = arith.constant 0 : index
    %get3A_53 = arith.constant 0 : index
    %get3A_54 = arith.constant 0 : index
    %get3A_55 = vector.load %arg2[%get3A_52, %get3A_53, %get3A_54] : memref<1x175x2048xi32, #tpu.memory_space<vmem>>, vector<1x175x2048xi32>
    %get3A_56 = vector.shape_cast %get3A_55 : vector<1x175x2048xi32> to vector<175x2048xi32>
    %shift_right_logical3A = arith.constant 9 : i32
    %shift_right_logical3A_57 = vector.broadcast %shift_right_logical3A : i32 to vector<175x2048xi32>
    %shift_right_logical3A_58 = arith.shrui %get3A_56, %shift_right_logical3A_57 : vector<175x2048xi32>
    %gt3A = arith.constant 0 : i32
    %gt3A_59 = vector.broadcast %gt3A : i32 to vector<1x2048xi32>
    %gt3A_60 = arith.cmpi sgt, %select_n3A_51, %gt3A_59 : vector<1x2048xi32>
    %get3A_61 = arith.constant 0 : index
    %get3A_62 = arith.constant 0 : index
    %get3A_63 = arith.constant 0 : index
    %get3A_64 = vector.load %arg6[%get3A_61, %get3A_62, %get3A_63] : memref<1x175x1xi32, #tpu.memory_space<vmem>>, vector<1x175x1xi32>
    %get3A_65 = vector.shape_cast %get3A_64 : vector<1x175x1xi32> to vector<175x1xi32>
    %gt3A_66 = arith.constant 0 : i32
    %gt3A_67 = vector.broadcast %gt3A_66 : i32 to vector<175x1xi32>
    %gt3A_68 = arith.cmpi sgt, %get3A_65, %gt3A_67 : vector<175x1xi32>
    %or3A = vector.broadcast %gt3A_60 : vector<1x2048xi1> to vector<175x2048xi1>
    %or3A_69 = vector.broadcast %gt3A_68 : vector<175x1xi1> to vector<175x2048xi1>
    %or3A_70 = arith.ori %or3A, %or3A_69 : vector<175x2048xi1>
    %get3A_71 = arith.constant 0 : index
    %get3A_72 = arith.constant 0 : index
    %get3A_73 = arith.constant 0 : index
    %get3A_74 = vector.load %arg5[%get3A_71, %get3A_72, %get3A_73] : memref<1x175x1xi32, #tpu.memory_space<vmem>>, vector<1x175x1xi32>
    %get3A_75 = vector.shape_cast %get3A_74 : vector<1x175x1xi32> to vector<175x1xi32>
    %ge3A = vector.broadcast %get3A_75 : vector<175x1xi32> to vector<175x2048xi32>
    %ge3A_76 = arith.cmpi sge, %shift_right_logical3A_58, %ge3A : vector<175x2048xi32>
    %and3A_77 = arith.andi %or3A_70, %ge3A_76 : vector<175x2048xi1>
    %iota3A = tpu.iota {dimensions = array<i32: 1>} : vector<175x2048xi32>
    %add3A_78 = vector.broadcast %mul3A_0 : i32 to vector<175x2048xi32>
    %add3A_79 = arith.addi %iota3A, %add3A_78 : vector<175x2048xi32>
    %jit3A_80 = arith.constant 16384 : i32
    %broadcast_in_dim3A = vector.broadcast %jit3A_80 : i32 to vector<175x2048xi32>
    %select_n3A_81 = arith.select %and3A_77, %add3A_79, %broadcast_in_dim3A : vector<175x2048xi1>, vector<175x2048xi32>
    %reduce_min3A = arith.constant dense<2147483647> : vector<175xi32>
    %reduce_min3A_82 = vector.multi_reduction <minsi>, %select_n3A_81, %reduce_min3A [1] : vector<175x2048xi32> to vector<175xi32>
    %broadcast_in_dim3A_83 = vector.shape_cast %reduce_min3A_82 : vector<175xi32> to vector<175x1xi32>
    %eq3A_84 = vector.broadcast %broadcast_in_dim3A_83 : vector<175x1xi32> to vector<175x2048xi32>
    %eq3A_85 = arith.cmpi eq, %select_n3A_81, %eq3A_84 : vector<175x2048xi32>
    %jit3A_86 = arith.constant 16384 : i32
    %broadcast_in_dim3A_87 = vector.broadcast %jit3A_86 : i32 to vector<175x2048xi32>
    %select_n3A_88 = arith.select %eq3A_85, %broadcast_in_dim3A_87, %select_n3A_81 : vector<175x2048xi1>, vector<175x2048xi32>
    %reduce_min3A_89 = arith.constant dense<2147483647> : vector<175xi32>
    %reduce_min3A_90 = vector.multi_reduction <minsi>, %select_n3A_88, %reduce_min3A_89 [1] : vector<175x2048xi32> to vector<175xi32>
    %broadcast_in_dim3A_91 = vector.shape_cast %reduce_min3A_90 : vector<175xi32> to vector<175x1xi32>
    %eq3A_92 = vector.broadcast %broadcast_in_dim3A_91 : vector<175x1xi32> to vector<175x2048xi32>
    %eq3A_93 = arith.cmpi eq, %select_n3A_88, %eq3A_92 : vector<175x2048xi32>
    %jit3A_94 = arith.constant 16384 : i32
    %broadcast_in_dim3A_95 = vector.broadcast %jit3A_94 : i32 to vector<175x2048xi32>
    %select_n3A_96 = arith.select %eq3A_93, %broadcast_in_dim3A_95, %select_n3A_88 : vector<175x2048xi1>, vector<175x2048xi32>
    %reduce_min3A_97 = arith.constant dense<2147483647> : vector<175xi32>
    %reduce_min3A_98 = vector.multi_reduction <minsi>, %select_n3A_96, %reduce_min3A_97 [1] : vector<175x2048xi32> to vector<175xi32>
    %broadcast_in_dim3A_99 = vector.shape_cast %reduce_min3A_98 : vector<175xi32> to vector<175x1xi32>
    %eq3A_100 = vector.broadcast %broadcast_in_dim3A_99 : vector<175x1xi32> to vector<175x2048xi32>
    %eq3A_101 = arith.cmpi eq, %select_n3A_96, %eq3A_100 : vector<175x2048xi32>
    %jit3A_102 = arith.constant 16384 : i32
    %broadcast_in_dim3A_103 = vector.broadcast %jit3A_102 : i32 to vector<175x2048xi32>
    %select_n3A_104 = arith.select %eq3A_101, %broadcast_in_dim3A_103, %select_n3A_96 : vector<175x2048xi1>, vector<175x2048xi32>
    %reduce_min3A_105 = arith.constant dense<2147483647> : vector<175xi32>
    %reduce_min3A_106 = vector.multi_reduction <minsi>, %select_n3A_104, %reduce_min3A_105 [1] : vector<175x2048xi32> to vector<175xi32>
    %broadcast_in_dim3A_107 = vector.shape_cast %reduce_min3A_106 : vector<175xi32> to vector<175x1xi32>
    %eq3A_108 = arith.constant 0 : i32
    %eq3A_109 = arith.cmpi eq, %arg1, %eq3A_108 : i32
    %convert_element_type3A_110 = arith.extui %eq3A_109 : i1 to i32
    %cond3A = arith.constant 0 : i32
    %cond3A_111 = arith.cmpi ne, %convert_element_type3A_110, %cond3A : i32
    scf.if %cond3A_111 {
      %swap3A = arith.constant 0 : index
      %swap3A_122 = arith.constant 0 : index
      %swap3A_123 = vector.load %arg11[%swap3A, %swap3A_122] : memref<175x1xi32, #tpu.memory_space<vmem>>, vector<175x1xi32>
      tpu.vector_store %arg11[%swap3A, %swap3A_122], %broadcast_in_dim3A_83 {strides = array<i32>} : memref<175x1xi32, #tpu.memory_space<vmem>>, vector<175x1xi32>,
      %swap3A_124 = arith.constant 0 : index
      %swap3A_125 = arith.constant 0 : index
      %swap3A_126 = vector.load %arg12[%swap3A_124, %swap3A_125] : memref<175x1xi32, #tpu.memory_space<vmem>>, vector<175x1xi32>
      tpu.vector_store %arg12[%swap3A_124, %swap3A_125], %broadcast_in_dim3A_91 {strides = array<i32>} : memref<175x1xi32, #tpu.memory_space<vmem>>, vector<175x1xi32>,
      %swap3A_127 = arith.constant 0 : index
      %swap3A_128 = arith.constant 0 : index
      %swap3A_129 = vector.load %arg13[%swap3A_127, %swap3A_128] : memref<175x1xi32, #tpu.memory_space<vmem>>, vector<175x1xi32>
      tpu.vector_store %arg13[%swap3A_127, %swap3A_128], %broadcast_in_dim3A_99 {strides = array<i32>} : memref<175x1xi32, #tpu.memory_space<vmem>>, vector<175x1xi32>,
      %swap3A_130 = arith.constant 0 : index
      %swap3A_131 = arith.constant 0 : index
      %swap3A_132 = vector.load %arg14[%swap3A_130, %swap3A_131] : memref<175x1xi32, #tpu.memory_space<vmem>>, vector<175x1xi32>
      tpu.vector_store %arg14[%swap3A_130, %swap3A_131], %broadcast_in_dim3A_107 {strides = array<i32>} : memref<175x1xi32, #tpu.memory_space<vmem>>, vector<175x1xi32>,
    } else {
    }
    %ne3A_112 = arith.constant 0 : i32
    %ne3A_113 = arith.cmpi ne, %arg1, %ne3A_112 : i32
    %convert_element_type3A_114 = arith.extui %ne3A_113 : i1 to i32
    %cond3A_115 = arith.constant 0 : i32
    %cond3A_116 = arith.cmpi ne, %convert_element_type3A_114, %cond3A_115 : i32
    scf.if %cond3A_116 {
      %get3A_122 = arith.constant 0 : index
      %get3A_123 = arith.constant 0 : index
      %get3A_124 = vector.load %arg11[%get3A_122, %get3A_123] : memref<175x1xi32, #tpu.memory_space<vmem>>, vector<175x1xi32>
      %get3A_125 = arith.constant 0 : index
      %get3A_126 = arith.constant 0 : index
      %get3A_127 = vector.load %arg12[%get3A_125, %get3A_126] : memref<175x1xi32, #tpu.memory_space<vmem>>, vector<175x1xi32>
      %get3A_128 = arith.constant 0 : index
      %get3A_129 = arith.constant 0 : index
      %get3A_130 = vector.load %arg13[%get3A_128, %get3A_129] : memref<175x1xi32, #tpu.memory_space<vmem>>, vector<175x1xi32>
      %get3A_131 = arith.constant 0 : index
      %get3A_132 = arith.constant 0 : index
      %get3A_133 = vector.load %arg14[%get3A_131, %get3A_132] : memref<175x1xi32, #tpu.memory_space<vmem>>, vector<175x1xi32>
      %lt3A_134 = arith.constant 16384 : i32
      %lt3A_135 = vector.broadcast %lt3A_134 : i32 to vector<175x1xi32>
      %lt3A_136 = arith.cmpi slt, %get3A_124, %lt3A_135 : vector<175x1xi32>
      %lt3A_137 = arith.constant 16384 : i32
      %lt3A_138 = vector.broadcast %lt3A_137 : i32 to vector<175x1xi32>
      %lt3A_139 = arith.cmpi slt, %get3A_127, %lt3A_138 : vector<175x1xi32>
      %lt3A_140 = arith.constant 16384 : i32
      %lt3A_141 = vector.broadcast %lt3A_140 : i32 to vector<175x1xi32>
      %lt3A_142 = arith.cmpi slt, %get3A_130, %lt3A_141 : vector<175x1xi32>
      %select_n3A_143 = arith.select %lt3A_136, %broadcast_in_dim3A_83, %broadcast_in_dim3A_91 : vector<175x1xi1>, vector<175x1xi32>
      %select_n3A_144 = arith.select %lt3A_139, %get3A_127, %select_n3A_143 : vector<175x1xi1>, vector<175x1xi32>
      %swap3A = arith.constant 0 : index
      %swap3A_145 = arith.constant 0 : index
      %swap3A_146 = vector.load %arg12[%swap3A, %swap3A_145] : memref<175x1xi32, #tpu.memory_space<vmem>>, vector<175x1xi32>
      tpu.vector_store %arg12[%swap3A, %swap3A_145], %select_n3A_144 {strides = array<i32>} : memref<175x1xi32, #tpu.memory_space<vmem>>, vector<175x1xi32>,
      %select_n3A_147 = arith.select %lt3A_136, %broadcast_in_dim3A_91, %broadcast_in_dim3A_99 : vector<175x1xi1>, vector<175x1xi32>
      %select_n3A_148 = arith.select %lt3A_139, %broadcast_in_dim3A_83, %select_n3A_147 : vector<175x1xi1>, vector<175x1xi32>
      %select_n3A_149 = arith.select %lt3A_142, %get3A_130, %select_n3A_148 : vector<175x1xi1>, vector<175x1xi32>
      %swap3A_150 = arith.constant 0 : index
      %swap3A_151 = arith.constant 0 : index
      %swap3A_152 = vector.load %arg13[%swap3A_150, %swap3A_151] : memref<175x1xi32, #tpu.memory_space<vmem>>, vector<175x1xi32>
      tpu.vector_store %arg13[%swap3A_150, %swap3A_151], %select_n3A_149 {strides = array<i32>} : memref<175x1xi32, #tpu.memory_space<vmem>>, vector<175x1xi32>,
      %lt3A_153 = arith.constant 16384 : i32
      %lt3A_154 = vector.broadcast %lt3A_153 : i32 to vector<175x1xi32>
      %lt3A_155 = arith.cmpi slt, %get3A_133, %lt3A_154 : vector<175x1xi32>
      %select_n3A_156 = arith.select %lt3A_136, %broadcast_in_dim3A_99, %broadcast_in_dim3A_107 : vector<175x1xi1>, vector<175x1xi32>
      %select_n3A_157 = arith.select %lt3A_139, %broadcast_in_dim3A_91, %select_n3A_156 : vector<175x1xi1>, vector<175x1xi32>
      %select_n3A_158 = arith.select %lt3A_142, %broadcast_in_dim3A_83, %select_n3A_157 : vector<175x1xi1>, vector<175x1xi32>
      %select_n3A_159 = arith.select %lt3A_155, %get3A_133, %select_n3A_158 : vector<175x1xi1>, vector<175x1xi32>
      %swap3A_160 = arith.constant 0 : index
      %swap3A_161 = arith.constant 0 : index
      %swap3A_162 = vector.load %arg14[%swap3A_160, %swap3A_161] : memref<175x1xi32, #tpu.memory_space<vmem>>, vector<175x1xi32>
      tpu.vector_store %arg14[%swap3A_160, %swap3A_161], %select_n3A_159 {strides = array<i32>} : memref<175x1xi32, #tpu.memory_space<vmem>>, vector<175x1xi32>,
      %select_n3A_163 = arith.select %lt3A_136, %get3A_124, %broadcast_in_dim3A_83 : vector<175x1xi1>, vector<175x1xi32>
      %swap3A_164 = arith.constant 0 : index
      %swap3A_165 = arith.constant 0 : index
      %swap3A_166 = vector.load %arg11[%swap3A_164, %swap3A_165] : memref<175x1xi32, #tpu.memory_space<vmem>>, vector<175x1xi32>
      tpu.vector_store %arg11[%swap3A_164, %swap3A_165], %select_n3A_163 {strides = array<i32>} : memref<175x1xi32, #tpu.memory_space<vmem>>, vector<175x1xi32>,
    } else {
    }
    %eq3A_117 = arith.constant 7 : i32
    %eq3A_118 = arith.cmpi eq, %arg1, %eq3A_117 : i32
    %convert_element_type3A_119 = arith.extui %eq3A_118 : i1 to i32
    %cond3A_120 = arith.constant 0 : i32
    %cond3A_121 = arith.cmpi ne, %convert_element_type3A_119, %cond3A_120 : i32
    scf.if %cond3A_121 {
      %get3A_122 = arith.constant 0 : index
      %get3A_123 = arith.constant 0 : index
      %get3A_124 = vector.load %arg11[%get3A_122, %get3A_123] : memref<175x1xi32, #tpu.memory_space<vmem>>, vector<175x1xi32>
      %swap3A = arith.constant 0 : index
      %swap3A_125 = arith.constant 0 : index
      %swap3A_126 = arith.constant 0 : index
      %swap3A_127 = vector.load %arg7[%swap3A, %swap3A_125, %swap3A_126] : memref<1x175x1xi32, #tpu.memory_space<vmem>>, vector<1x175x1xi32>
      %swap3A_128 = vector.shape_cast %swap3A_127 : vector<1x175x1xi32> to vector<175x1xi32>
      %swap3A_129 = vector.shape_cast %get3A_124 : vector<175x1xi32> to vector<1x175x1xi32>
      tpu.vector_store %arg7[%swap3A, %swap3A_125, %swap3A_126], %swap3A_129 {strides = array<i32>} : memref<1x175x1xi32, #tpu.memory_space<vmem>>, vector<1x175x1xi32>,
      %get3A_130 = arith.constant 0 : index
      %get3A_131 = arith.constant 0 : index
      %get3A_132 = vector.load %arg12[%get3A_130, %get3A_131] : memref<175x1xi32, #tpu.memory_space<vmem>>, vector<175x1xi32>
      %swap3A_133 = arith.constant 0 : index
      %swap3A_134 = arith.constant 0 : index
      %swap3A_135 = arith.constant 0 : index
      %swap3A_136 = vector.load %arg8[%swap3A_133, %swap3A_134, %swap3A_135] : memref<1x175x1xi32, #tpu.memory_space<vmem>>, vector<1x175x1xi32>
      %swap3A_137 = vector.shape_cast %swap3A_136 : vector<1x175x1xi32> to vector<175x1xi32>
      %swap3A_138 = vector.shape_cast %get3A_132 : vector<175x1xi32> to vector<1x175x1xi32>
      tpu.vector_store %arg8[%swap3A_133, %swap3A_134, %swap3A_135], %swap3A_138 {strides = array<i32>} : memref<1x175x1xi32, #tpu.memory_space<vmem>>, vector<1x175x1xi32>,
      %get3A_139 = arith.constant 0 : index
      %get3A_140 = arith.constant 0 : index
      %get3A_141 = vector.load %arg13[%get3A_139, %get3A_140] : memref<175x1xi32, #tpu.memory_space<vmem>>, vector<175x1xi32>
      %swap3A_142 = arith.constant 0 : index
      %swap3A_143 = arith.constant 0 : index
      %swap3A_144 = arith.constant 0 : index
      %swap3A_145 = vector.load %arg9[%swap3A_142, %swap3A_143, %swap3A_144] : memref<1x175x1xi32, #tpu.memory_space<vmem>>, vector<1x175x1xi32>
      %swap3A_146 = vector.shape_cast %swap3A_145 : vector<1x175x1xi32> to vector<175x1xi32>
      %swap3A_147 = vector.shape_cast %get3A_141 : vector<175x1xi32> to vector<1x175x1xi32>
      tpu.vector_store %arg9[%swap3A_142, %swap3A_143, %swap3A_144], %swap3A_147 {strides = array<i32>} : memref<1x175x1xi32, #tpu.memory_space<vmem>>, vector<1x175x1xi32>,
      %get3A_148 = arith.constant 0 : index
      %get3A_149 = arith.constant 0 : index
      %get3A_150 = vector.load %arg14[%get3A_148, %get3A_149] : memref<175x1xi32, #tpu.memory_space<vmem>>, vector<175x1xi32>
      %swap3A_151 = arith.constant 0 : index
      %swap3A_152 = arith.constant 0 : index
      %swap3A_153 = arith.constant 0 : index
      %swap3A_154 = vector.load %arg10[%swap3A_151, %swap3A_152, %swap3A_153] : memref<1x175x1xi32, #tpu.memory_space<vmem>>, vector<1x175x1xi32>
      %swap3A_155 = vector.shape_cast %swap3A_154 : vector<1x175x1xi32> to vector<175x1xi32>
      %swap3A_156 = vector.shape_cast %get3A_150 : vector<175x1xi32> to vector<1x175x1xi32>
      tpu.vector_store %arg10[%swap3A_151, %swap3A_152, %swap3A_153], %swap3A_156 {strides = array<i32>} : memref<1x175x1xi32, #tpu.memory_space<vmem>>, vector<1x175x1xi32>,
    } else {
    }
    return
  }
  func.func @transform_0(%arg0: i32, %arg1: i32) -> (i32, i32, i32) {
    %c0_i32 = arith.constant 0 : i32
    %c0_i32_0 = arith.constant 0 : i32
    return %arg0, %c0_i32, %arg1 : i32, i32, i32
  }
  func.func @transform_1(%arg0: i32, %arg1: i32) -> (i32, i32, i32) {
    %jit3A = arith.constant 2 : i32
    %div3A = arith.divsi %arg0, %jit3A : i32
    %sign3A = arith.constant 0 : i32
    %sign3A_0 = arith.cmpi sgt, %arg0, %sign3A : i32
    %sign3A_1 = arith.extui %sign3A_0 : i1 to i32
    %sign3A_2 = arith.constant 0 : i32
    %sign3A_3 = arith.cmpi slt, %arg0, %sign3A_2 : i32
    %sign3A_4 = arith.extui %sign3A_3 : i1 to i32
    %sign3A_5 = arith.subi %sign3A_1, %sign3A_4 : i32
    %sign3A_6 = arith.constant 0 : i32
    %sign3A_7 = arith.cmpi sgt, %jit3A, %sign3A_6 : i32
    %sign3A_8 = arith.extui %sign3A_7 : i1 to i32
    %sign3A_9 = arith.constant 0 : i32
    %sign3A_10 = arith.cmpi slt, %jit3A, %sign3A_9 : i32
    %sign3A_11 = arith.extui %sign3A_10 : i1 to i32
    %sign3A_12 = arith.subi %sign3A_8, %sign3A_11 : i32
    %ne3A = arith.cmpi ne, %sign3A_5, %sign3A_12 : i32
    %rem3A = arith.remsi %arg0, %jit3A : i32
    %ne3A_13 = arith.constant 0 : i32
    %ne3A_14 = arith.cmpi ne, %rem3A, %ne3A_13 : i32
    %and3A = arith.andi %ne3A, %ne3A_14 : i1
    %sub3A = arith.constant 1 : i32
    %sub3A_15 = arith.subi %div3A, %sub3A : i32
    %select_n3A = arith.select %and3A, %sub3A_15, %div3A : i32
    %jit3A_16 = arith.constant 4 : i32
    %eq3A = arith.constant 0 : i32
    %eq3A_17 = arith.cmpi eq, %jit3A_16, %eq3A : i32
    %jit3A_18 = arith.constant 1 : i32
    %select_n3A_19 = arith.select %eq3A_17, %jit3A_18, %jit3A_16 : i32
    %rem3A_20 = arith.remsi %select_n3A, %select_n3A_19 : i32
    %ne3A_21 = arith.constant 0 : i32
    %ne3A_22 = arith.cmpi ne, %rem3A_20, %ne3A_21 : i32
    %lt3A = arith.constant 0 : i32
    %lt3A_23 = arith.cmpi slt, %rem3A_20, %lt3A : i32
    %lt3A_24 = arith.constant 0 : i32
    %lt3A_25 = arith.cmpi slt, %select_n3A_19, %lt3A_24 : i32
    %ne3A_26 = arith.xori %lt3A_23, %lt3A_25 : i1
    %and3A_27 = arith.andi %ne3A_26, %ne3A_22 : i1
    %add3A = arith.addi %rem3A_20, %select_n3A_19 : i32
    %select_n3A_28 = arith.select %and3A_27, %add3A, %rem3A_20 : i32
    %c0_i32 = arith.constant 0 : i32
    %c0_i32_29 = arith.constant 0 : i32
    %c0_i32_30 = arith.constant 0 : i32
    return %select_n3A_28, %c0_i32, %c0_i32_29 : i32, i32, i32
  }
  func.func @transform_2(%arg0: i32, %arg1: i32) -> (i32, i32, i32) {
    %jit3A = arith.constant 2 : i32
    %div3A = arith.divsi %arg0, %jit3A : i32
    %sign3A = arith.constant 0 : i32
    %sign3A_0 = arith.cmpi sgt, %arg0, %sign3A : i32
    %sign3A_1 = arith.extui %sign3A_0 : i1 to i32
    %sign3A_2 = arith.constant 0 : i32
    %sign3A_3 = arith.cmpi slt, %arg0, %sign3A_2 : i32
    %sign3A_4 = arith.extui %sign3A_3 : i1 to i32
    %sign3A_5 = arith.subi %sign3A_1, %sign3A_4 : i32
    %sign3A_6 = arith.constant 0 : i32
    %sign3A_7 = arith.cmpi sgt, %jit3A, %sign3A_6 : i32
    %sign3A_8 = arith.extui %sign3A_7 : i1 to i32
    %sign3A_9 = arith.constant 0 : i32
    %sign3A_10 = arith.cmpi slt, %jit3A, %sign3A_9 : i32
    %sign3A_11 = arith.extui %sign3A_10 : i1 to i32
    %sign3A_12 = arith.subi %sign3A_8, %sign3A_11 : i32
    %ne3A = arith.cmpi ne, %sign3A_5, %sign3A_12 : i32
    %rem3A = arith.remsi %arg0, %jit3A : i32
    %ne3A_13 = arith.constant 0 : i32
    %ne3A_14 = arith.cmpi ne, %rem3A, %ne3A_13 : i32
    %and3A = arith.andi %ne3A, %ne3A_14 : i1
    %sub3A = arith.constant 1 : i32
    %sub3A_15 = arith.subi %div3A, %sub3A : i32
    %select_n3A = arith.select %and3A, %sub3A_15, %div3A : i32
    %jit3A_16 = arith.constant 4 : i32
    %eq3A = arith.constant 0 : i32
    %eq3A_17 = arith.cmpi eq, %jit3A_16, %eq3A : i32
    %jit3A_18 = arith.constant 1 : i32
    %select_n3A_19 = arith.select %eq3A_17, %jit3A_18, %jit3A_16 : i32
    %rem3A_20 = arith.remsi %select_n3A, %select_n3A_19 : i32
    %ne3A_21 = arith.constant 0 : i32
    %ne3A_22 = arith.cmpi ne, %rem3A_20, %ne3A_21 : i32
    %lt3A = arith.constant 0 : i32
    %lt3A_23 = arith.cmpi slt, %rem3A_20, %lt3A : i32
    %lt3A_24 = arith.constant 0 : i32
    %lt3A_25 = arith.cmpi slt, %select_n3A_19, %lt3A_24 : i32
    %ne3A_26 = arith.xori %lt3A_23, %lt3A_25 : i1
    %and3A_27 = arith.andi %ne3A_26, %ne3A_22 : i1
    %add3A = arith.addi %rem3A_20, %select_n3A_19 : i32
    %select_n3A_28 = arith.select %and3A_27, %add3A, %rem3A_20 : i32
    %c0_i32 = arith.constant 0 : i32
    %c0_i32_29 = arith.constant 0 : i32
    %c0_i32_30 = arith.constant 0 : i32
    return %select_n3A_28, %c0_i32, %c0_i32_29 : i32, i32, i32
  }
  func.func @transform_3(%arg0: i32, %arg1: i32) -> (i32, i32, i32) {
    %c0_i32 = arith.constant 0 : i32
    %c0_i32_0 = arith.constant 0 : i32
    %c0_i32_1 = arith.constant 0 : i32
    return %arg0, %c0_i32, %c0_i32_0 : i32, i32, i32
  }
  func.func @transform_4(%arg0: i32, %arg1: i32) -> (i32, i32, i32) {
    %c0_i32 = arith.constant 0 : i32
    %c0_i32_0 = arith.constant 0 : i32
    %c0_i32_1 = arith.constant 0 : i32
    return %arg0, %c0_i32, %c0_i32_0 : i32, i32, i32
  }
  func.func @transform_5(%arg0: i32, %arg1: i32) -> (i32, i32, i32) {
    %c0_i32 = arith.constant 0 : i32
    %c0_i32_0 = arith.constant 0 : i32
    %c0_i32_1 = arith.constant 0 : i32
    return %arg0, %c0_i32, %c0_i32_0 : i32, i32, i32
  }
  func.func @transform_6(%arg0: i32, %arg1: i32) -> (i32, i32, i32) {
    %c0_i32 = arith.constant 0 : i32
    %c0_i32_0 = arith.constant 0 : i32
    %c0_i32_1 = arith.constant 0 : i32
    return %arg0, %c0_i32, %c0_i32_0 : i32, i32, i32
  }
  func.func @transform_7(%arg0: i32, %arg1: i32) -> (i32, i32, i32) {
    %c0_i32 = arith.constant 0 : i32
    %c0_i32_0 = arith.constant 0 : i32
    %c0_i32_1 = arith.constant 0 : i32
    return %arg0, %c0_i32, %c0_i32_0 : i32, i32, i32
  }
  func.func @transform_8(%arg0: i32, %arg1: i32) -> (i32, i32, i32) {
    %c0_i32 = arith.constant 0 : i32
    %c0_i32_0 = arith.constant 0 : i32
    %c0_i32_1 = arith.constant 0 : i32
    return %arg0, %c0_i32, %c0_i32_0 : i32, i32, i32
  }
}

module attributes {stable_mosaic.version = 14 : i64} {
  func.func @_select_kernel(%arg0: i32, %arg1: i32, %arg2: memref<1x75x2048xi32, #tpu.memory_space<vmem>>, %arg3: memref<1x1x16384xi32, #tpu.memory_space<vmem>>, %arg4: memref<1x1x16384xi32, #tpu.memory_space<vmem>>, %arg5: memref<1x75x1xi32, #tpu.memory_space<vmem>>, %arg6: memref<1x75x1xi32, #tpu.memory_space<vmem>>, %arg7: memref<1x75x1xi32, #tpu.memory_space<vmem>>, %arg8: memref<1x75x1xi32, #tpu.memory_space<vmem>>, %arg9: memref<1x75x1xi32, #tpu.memory_space<vmem>>, %arg10: memref<1x75x1xi32, #tpu.memory_space<vmem>>, %arg11: memref<75x1xi32, #tpu.memory_space<vmem>>, %arg12: memref<75x1xi32, #tpu.memory_space<vmem>>, %arg13: memref<75x1xi32, #tpu.memory_space<vmem>>, %arg14: memref<75x1xi32, #tpu.memory_space<vmem>>) attributes {dimension_semantics = [#tpu.dimension_semantics<arbitrary>, #tpu.dimension_semantics<arbitrary>], iteration_bounds = array<i64: 152, 8>, scalar_prefetch = 0 : i64, scratch_operands = 4 : i64, tpu.core_type = #tpu.core_type<tc>, window_params = [{transform_indices = @transform_0, window_bounds = array<i64: 1, 75, 2048>}, {transform_indices = @transform_1, window_bounds = array<i64: 1, 1, 16384>}, {transform_indices = @transform_2, window_bounds = array<i64: 1, 1, 16384>}, {transform_indices = @transform_3, window_bounds = array<i64: 1, 75, 1>}, {transform_indices = @transform_4, window_bounds = array<i64: 1, 75, 1>}, {transform_indices = @transform_5, window_bounds = array<i64: 1, 75, 1>}, {transform_indices = @transform_6, window_bounds = array<i64: 1, 75, 1>}, {transform_indices = @transform_7, window_bounds = array<i64: 1, 75, 1>}, {transform_indices = @transform_8, window_bounds = array<i64: 1, 75, 1>}]} {
    %mul3A = arith.constant 2048 : i32
    %mul3A_0 = arith.muli %arg1, %mul3A : i32
    %jit3A = arith.constant 8 : i32
    %div3A = arith.divsi %arg0, %jit3A : i32
    %sign3A = arith.constant 0 : i32
    %sign3A_1 = arith.cmpi sgt, %arg0, %sign3A : i32
    %sign3A_2 = arith.extui %sign3A_1 : i1 to i32
    %sign3A_3 = arith.constant 0 : i32
    %sign3A_4 = arith.cmpi slt, %arg0, %sign3A_3 : i32
    %sign3A_5 = arith.extui %sign3A_4 : i1 to i32
    %sign3A_6 = arith.subi %sign3A_2, %sign3A_5 : i32
    %sign3A_7 = arith.constant 0 : i32
    %sign3A_8 = arith.cmpi sgt, %jit3A, %sign3A_7 : i32
    %sign3A_9 = arith.extui %sign3A_8 : i1 to i32
    %sign3A_10 = arith.constant 0 : i32
    %sign3A_11 = arith.cmpi slt, %jit3A, %sign3A_10 : i32
    %sign3A_12 = arith.extui %sign3A_11 : i1 to i32
    %sign3A_13 = arith.subi %sign3A_9, %sign3A_12 : i32
    %ne3A = arith.cmpi ne, %sign3A_6, %sign3A_13 : i32
    %rem3A = arith.remsi %arg0, %jit3A : i32
    %ne3A_14 = arith.constant 0 : i32
    %ne3A_15 = arith.cmpi ne, %rem3A, %ne3A_14 : i32
    %and3A = arith.andi %ne3A, %ne3A_15 : i1
    %sub3A = arith.constant 1 : i32
    %sub3A_16 = arith.subi %div3A, %sub3A : i32
    %select_n3A = arith.select %and3A, %sub3A_16, %div3A : i32
    %jit3A_17 = arith.constant 2 : i32
    %eq3A = arith.constant 0 : i32
    %eq3A_18 = arith.cmpi eq, %jit3A_17, %eq3A : i32
    %jit3A_19 = arith.constant 1 : i32
    %select_n3A_20 = arith.select %eq3A_18, %jit3A_19, %jit3A_17 : i32
    %rem3A_21 = arith.remsi %arg0, %select_n3A_20 : i32
    %ne3A_22 = arith.constant 0 : i32
    %ne3A_23 = arith.cmpi ne, %rem3A_21, %ne3A_22 : i32
    %lt3A = arith.constant 0 : i32
    %lt3A_24 = arith.cmpi slt, %rem3A_21, %lt3A : i32
    %lt3A_25 = arith.constant 0 : i32
    %lt3A_26 = arith.cmpi slt, %select_n3A_20, %lt3A_25 : i32
    %ne3A_27 = arith.xori %lt3A_24, %lt3A_26 : i1
    %and3A_28 = arith.andi %ne3A_27, %ne3A_23 : i1
    %add3A = arith.addi %rem3A_21, %select_n3A_20 : i32
    %select_n3A_29 = arith.select %and3A_28, %add3A, %rem3A_21 : i32
    %get3A = arith.constant 0 : index
    %get3A_30 = arith.constant 0 : index
    %get3A_31 = arith.index_cast %mul3A_0 : i32 to index
    %get3A_32 = vector.load %arg3[%get3A, %get3A_30, %get3A_31] : memref<1x1x16384xi32, #tpu.memory_space<vmem>>, vector<1x1x2048xi32>
    %get3A_33 = vector.shape_cast %get3A_32 : vector<1x1x2048xi32> to vector<1x2048xi32>
    %get3A_34 = arith.constant 0 : index
    %get3A_35 = arith.constant 0 : index
    %get3A_36 = arith.index_cast %mul3A_0 : i32 to index
    %get3A_37 = vector.load %arg4[%get3A_34, %get3A_35, %get3A_36] : memref<1x1x16384xi32, #tpu.memory_space<vmem>>, vector<1x1x2048xi32>
    %get3A_38 = vector.shape_cast %get3A_37 : vector<1x1x2048xi32> to vector<1x2048xi32>
    %eq3A_39 = vector.broadcast %select_n3A : i32 to vector<1x2048xi32>
    %eq3A_40 = arith.cmpi eq, %get3A_33, %eq3A_39 : vector<1x2048xi32>
    %eq3A_41 = vector.broadcast %select_n3A : i32 to vector<1x2048xi32>
    %eq3A_42 = arith.cmpi eq, %get3A_38, %eq3A_41 : vector<1x2048xi32>
    %not3A = arith.constant dense<true> : vector<1x2048xi1>
    %not3A_43 = arith.xori %eq3A_42, %not3A : vector<1x2048xi1>
    %and3A_44 = arith.andi %eq3A_40, %not3A_43 : vector<1x2048xi1>
    %not3A_45 = arith.constant dense<true> : vector<1x2048xi1>
    %not3A_46 = arith.xori %eq3A_40, %not3A_45 : vector<1x2048xi1>
    %and3A_47 = arith.andi %not3A_46, %eq3A_42 : vector<1x2048xi1>
    %eq3A_48 = arith.constant 0 : i32
    %eq3A_49 = arith.cmpi eq, %select_n3A_29, %eq3A_48 : i32
    %convert_element_type3A = arith.extui %and3A_44 : vector<1x2048xi1> to vector<1x2048xi32>
    %convert_element_type3A_50 = arith.extui %and3A_47 : vector<1x2048xi1> to vector<1x2048xi32>
    %select_n3A_51 = arith.select %eq3A_49, %convert_element_type3A, %convert_element_type3A_50 : vector<1x2048xi32>
    %get3A_52 = arith.constant 0 : index
    %get3A_53 = arith.constant 0 : index
    %get3A_54 = arith.constant 0 : index
    %get3A_55 = vector.load %arg2[%get3A_52, %get3A_53, %get3A_54] : memref<1x75x2048xi32, #tpu.memory_space<vmem>>, vector<1x75x2048xi32>
    %get3A_56 = vector.shape_cast %get3A_55 : vector<1x75x2048xi32> to vector<75x2048xi32>
    %shift_right_logical3A = arith.constant 9 : i32
    %shift_right_logical3A_57 = vector.broadcast %shift_right_logical3A : i32 to vector<75x2048xi32>
    %shift_right_logical3A_58 = arith.shrui %get3A_56, %shift_right_logical3A_57 : vector<75x2048xi32>
    %gt3A = arith.constant 0 : i32
    %gt3A_59 = vector.broadcast %gt3A : i32 to vector<1x2048xi32>
    %gt3A_60 = arith.cmpi sgt, %select_n3A_51, %gt3A_59 : vector<1x2048xi32>
    %get3A_61 = arith.constant 0 : index
    %get3A_62 = arith.constant 0 : index
    %get3A_63 = arith.constant 0 : index
    %get3A_64 = vector.load %arg6[%get3A_61, %get3A_62, %get3A_63] : memref<1x75x1xi32, #tpu.memory_space<vmem>>, vector<1x75x1xi32>
    %get3A_65 = vector.shape_cast %get3A_64 : vector<1x75x1xi32> to vector<75x1xi32>
    %gt3A_66 = arith.constant 0 : i32
    %gt3A_67 = vector.broadcast %gt3A_66 : i32 to vector<75x1xi32>
    %gt3A_68 = arith.cmpi sgt, %get3A_65, %gt3A_67 : vector<75x1xi32>
    %or3A = vector.broadcast %gt3A_60 : vector<1x2048xi1> to vector<75x2048xi1>
    %or3A_69 = vector.broadcast %gt3A_68 : vector<75x1xi1> to vector<75x2048xi1>
    %or3A_70 = arith.ori %or3A, %or3A_69 : vector<75x2048xi1>
    %get3A_71 = arith.constant 0 : index
    %get3A_72 = arith.constant 0 : index
    %get3A_73 = arith.constant 0 : index
    %get3A_74 = vector.load %arg5[%get3A_71, %get3A_72, %get3A_73] : memref<1x75x1xi32, #tpu.memory_space<vmem>>, vector<1x75x1xi32>
    %get3A_75 = vector.shape_cast %get3A_74 : vector<1x75x1xi32> to vector<75x1xi32>
    %ge3A = vector.broadcast %get3A_75 : vector<75x1xi32> to vector<75x2048xi32>
    %ge3A_76 = arith.cmpi sge, %shift_right_logical3A_58, %ge3A : vector<75x2048xi32>
    %and3A_77 = arith.andi %or3A_70, %ge3A_76 : vector<75x2048xi1>
    %iota3A = tpu.iota {dimensions = array<i32: 1>} : vector<75x2048xi32>
    %add3A_78 = vector.broadcast %mul3A_0 : i32 to vector<75x2048xi32>
    %add3A_79 = arith.addi %iota3A, %add3A_78 : vector<75x2048xi32>
    %jit3A_80 = arith.constant 16384 : i32
    %broadcast_in_dim3A = vector.broadcast %jit3A_80 : i32 to vector<75x2048xi32>
    %select_n3A_81 = arith.select %and3A_77, %add3A_79, %broadcast_in_dim3A : vector<75x2048xi1>, vector<75x2048xi32>
    %reduce_min3A = arith.constant dense<2147483647> : vector<75xi32>
    %reduce_min3A_82 = vector.multi_reduction <minsi>, %select_n3A_81, %reduce_min3A [1] : vector<75x2048xi32> to vector<75xi32>
    %broadcast_in_dim3A_83 = vector.shape_cast %reduce_min3A_82 : vector<75xi32> to vector<75x1xi32>
    %eq3A_84 = vector.broadcast %broadcast_in_dim3A_83 : vector<75x1xi32> to vector<75x2048xi32>
    %eq3A_85 = arith.cmpi eq, %select_n3A_81, %eq3A_84 : vector<75x2048xi32>
    %jit3A_86 = arith.constant 16384 : i32
    %broadcast_in_dim3A_87 = vector.broadcast %jit3A_86 : i32 to vector<75x2048xi32>
    %select_n3A_88 = arith.select %eq3A_85, %broadcast_in_dim3A_87, %select_n3A_81 : vector<75x2048xi1>, vector<75x2048xi32>
    %reduce_min3A_89 = arith.constant dense<2147483647> : vector<75xi32>
    %reduce_min3A_90 = vector.multi_reduction <minsi>, %select_n3A_88, %reduce_min3A_89 [1] : vector<75x2048xi32> to vector<75xi32>
    %broadcast_in_dim3A_91 = vector.shape_cast %reduce_min3A_90 : vector<75xi32> to vector<75x1xi32>
    %eq3A_92 = vector.broadcast %broadcast_in_dim3A_91 : vector<75x1xi32> to vector<75x2048xi32>
    %eq3A_93 = arith.cmpi eq, %select_n3A_88, %eq3A_92 : vector<75x2048xi32>
    %jit3A_94 = arith.constant 16384 : i32
    %broadcast_in_dim3A_95 = vector.broadcast %jit3A_94 : i32 to vector<75x2048xi32>
    %select_n3A_96 = arith.select %eq3A_93, %broadcast_in_dim3A_95, %select_n3A_88 : vector<75x2048xi1>, vector<75x2048xi32>
    %reduce_min3A_97 = arith.constant dense<2147483647> : vector<75xi32>
    %reduce_min3A_98 = vector.multi_reduction <minsi>, %select_n3A_96, %reduce_min3A_97 [1] : vector<75x2048xi32> to vector<75xi32>
    %broadcast_in_dim3A_99 = vector.shape_cast %reduce_min3A_98 : vector<75xi32> to vector<75x1xi32>
    %eq3A_100 = vector.broadcast %broadcast_in_dim3A_99 : vector<75x1xi32> to vector<75x2048xi32>
    %eq3A_101 = arith.cmpi eq, %select_n3A_96, %eq3A_100 : vector<75x2048xi32>
    %jit3A_102 = arith.constant 16384 : i32
    %broadcast_in_dim3A_103 = vector.broadcast %jit3A_102 : i32 to vector<75x2048xi32>
    %select_n3A_104 = arith.select %eq3A_101, %broadcast_in_dim3A_103, %select_n3A_96 : vector<75x2048xi1>, vector<75x2048xi32>
    %reduce_min3A_105 = arith.constant dense<2147483647> : vector<75xi32>
    %reduce_min3A_106 = vector.multi_reduction <minsi>, %select_n3A_104, %reduce_min3A_105 [1] : vector<75x2048xi32> to vector<75xi32>
    %broadcast_in_dim3A_107 = vector.shape_cast %reduce_min3A_106 : vector<75xi32> to vector<75x1xi32>
    %eq3A_108 = arith.constant 0 : i32
    %eq3A_109 = arith.cmpi eq, %arg1, %eq3A_108 : i32
    %convert_element_type3A_110 = arith.extui %eq3A_109 : i1 to i32
    %cond3A = arith.constant 0 : i32
    %cond3A_111 = arith.cmpi ne, %convert_element_type3A_110, %cond3A : i32
    scf.if %cond3A_111 {
      %swap3A = arith.constant 0 : index
      %swap3A_122 = arith.constant 0 : index
      %swap3A_123 = vector.load %arg11[%swap3A, %swap3A_122] : memref<75x1xi32, #tpu.memory_space<vmem>>, vector<75x1xi32>
      tpu.vector_store %arg11[%swap3A, %swap3A_122], %broadcast_in_dim3A_83 {strides = array<i32>} : memref<75x1xi32, #tpu.memory_space<vmem>>, vector<75x1xi32>,
      %swap3A_124 = arith.constant 0 : index
      %swap3A_125 = arith.constant 0 : index
      %swap3A_126 = vector.load %arg12[%swap3A_124, %swap3A_125] : memref<75x1xi32, #tpu.memory_space<vmem>>, vector<75x1xi32>
      tpu.vector_store %arg12[%swap3A_124, %swap3A_125], %broadcast_in_dim3A_91 {strides = array<i32>} : memref<75x1xi32, #tpu.memory_space<vmem>>, vector<75x1xi32>,
      %swap3A_127 = arith.constant 0 : index
      %swap3A_128 = arith.constant 0 : index
      %swap3A_129 = vector.load %arg13[%swap3A_127, %swap3A_128] : memref<75x1xi32, #tpu.memory_space<vmem>>, vector<75x1xi32>
      tpu.vector_store %arg13[%swap3A_127, %swap3A_128], %broadcast_in_dim3A_99 {strides = array<i32>} : memref<75x1xi32, #tpu.memory_space<vmem>>, vector<75x1xi32>,
      %swap3A_130 = arith.constant 0 : index
      %swap3A_131 = arith.constant 0 : index
      %swap3A_132 = vector.load %arg14[%swap3A_130, %swap3A_131] : memref<75x1xi32, #tpu.memory_space<vmem>>, vector<75x1xi32>
      tpu.vector_store %arg14[%swap3A_130, %swap3A_131], %broadcast_in_dim3A_107 {strides = array<i32>} : memref<75x1xi32, #tpu.memory_space<vmem>>, vector<75x1xi32>,
    } else {
    }
    %ne3A_112 = arith.constant 0 : i32
    %ne3A_113 = arith.cmpi ne, %arg1, %ne3A_112 : i32
    %convert_element_type3A_114 = arith.extui %ne3A_113 : i1 to i32
    %cond3A_115 = arith.constant 0 : i32
    %cond3A_116 = arith.cmpi ne, %convert_element_type3A_114, %cond3A_115 : i32
    scf.if %cond3A_116 {
      %get3A_122 = arith.constant 0 : index
      %get3A_123 = arith.constant 0 : index
      %get3A_124 = vector.load %arg11[%get3A_122, %get3A_123] : memref<75x1xi32, #tpu.memory_space<vmem>>, vector<75x1xi32>
      %get3A_125 = arith.constant 0 : index
      %get3A_126 = arith.constant 0 : index
      %get3A_127 = vector.load %arg12[%get3A_125, %get3A_126] : memref<75x1xi32, #tpu.memory_space<vmem>>, vector<75x1xi32>
      %get3A_128 = arith.constant 0 : index
      %get3A_129 = arith.constant 0 : index
      %get3A_130 = vector.load %arg13[%get3A_128, %get3A_129] : memref<75x1xi32, #tpu.memory_space<vmem>>, vector<75x1xi32>
      %get3A_131 = arith.constant 0 : index
      %get3A_132 = arith.constant 0 : index
      %get3A_133 = vector.load %arg14[%get3A_131, %get3A_132] : memref<75x1xi32, #tpu.memory_space<vmem>>, vector<75x1xi32>
      %lt3A_134 = arith.constant 16384 : i32
      %lt3A_135 = vector.broadcast %lt3A_134 : i32 to vector<75x1xi32>
      %lt3A_136 = arith.cmpi slt, %get3A_124, %lt3A_135 : vector<75x1xi32>
      %lt3A_137 = arith.constant 16384 : i32
      %lt3A_138 = vector.broadcast %lt3A_137 : i32 to vector<75x1xi32>
      %lt3A_139 = arith.cmpi slt, %get3A_127, %lt3A_138 : vector<75x1xi32>
      %lt3A_140 = arith.constant 16384 : i32
      %lt3A_141 = vector.broadcast %lt3A_140 : i32 to vector<75x1xi32>
      %lt3A_142 = arith.cmpi slt, %get3A_130, %lt3A_141 : vector<75x1xi32>
      %select_n3A_143 = arith.select %lt3A_136, %broadcast_in_dim3A_83, %broadcast_in_dim3A_91 : vector<75x1xi1>, vector<75x1xi32>
      %select_n3A_144 = arith.select %lt3A_139, %get3A_127, %select_n3A_143 : vector<75x1xi1>, vector<75x1xi32>
      %swap3A = arith.constant 0 : index
      %swap3A_145 = arith.constant 0 : index
      %swap3A_146 = vector.load %arg12[%swap3A, %swap3A_145] : memref<75x1xi32, #tpu.memory_space<vmem>>, vector<75x1xi32>
      tpu.vector_store %arg12[%swap3A, %swap3A_145], %select_n3A_144 {strides = array<i32>} : memref<75x1xi32, #tpu.memory_space<vmem>>, vector<75x1xi32>,
      %select_n3A_147 = arith.select %lt3A_136, %broadcast_in_dim3A_91, %broadcast_in_dim3A_99 : vector<75x1xi1>, vector<75x1xi32>
      %select_n3A_148 = arith.select %lt3A_139, %broadcast_in_dim3A_83, %select_n3A_147 : vector<75x1xi1>, vector<75x1xi32>
      %select_n3A_149 = arith.select %lt3A_142, %get3A_130, %select_n3A_148 : vector<75x1xi1>, vector<75x1xi32>
      %swap3A_150 = arith.constant 0 : index
      %swap3A_151 = arith.constant 0 : index
      %swap3A_152 = vector.load %arg13[%swap3A_150, %swap3A_151] : memref<75x1xi32, #tpu.memory_space<vmem>>, vector<75x1xi32>
      tpu.vector_store %arg13[%swap3A_150, %swap3A_151], %select_n3A_149 {strides = array<i32>} : memref<75x1xi32, #tpu.memory_space<vmem>>, vector<75x1xi32>,
      %lt3A_153 = arith.constant 16384 : i32
      %lt3A_154 = vector.broadcast %lt3A_153 : i32 to vector<75x1xi32>
      %lt3A_155 = arith.cmpi slt, %get3A_133, %lt3A_154 : vector<75x1xi32>
      %select_n3A_156 = arith.select %lt3A_136, %broadcast_in_dim3A_99, %broadcast_in_dim3A_107 : vector<75x1xi1>, vector<75x1xi32>
      %select_n3A_157 = arith.select %lt3A_139, %broadcast_in_dim3A_91, %select_n3A_156 : vector<75x1xi1>, vector<75x1xi32>
      %select_n3A_158 = arith.select %lt3A_142, %broadcast_in_dim3A_83, %select_n3A_157 : vector<75x1xi1>, vector<75x1xi32>
      %select_n3A_159 = arith.select %lt3A_155, %get3A_133, %select_n3A_158 : vector<75x1xi1>, vector<75x1xi32>
      %swap3A_160 = arith.constant 0 : index
      %swap3A_161 = arith.constant 0 : index
      %swap3A_162 = vector.load %arg14[%swap3A_160, %swap3A_161] : memref<75x1xi32, #tpu.memory_space<vmem>>, vector<75x1xi32>
      tpu.vector_store %arg14[%swap3A_160, %swap3A_161], %select_n3A_159 {strides = array<i32>} : memref<75x1xi32, #tpu.memory_space<vmem>>, vector<75x1xi32>,
      %select_n3A_163 = arith.select %lt3A_136, %get3A_124, %broadcast_in_dim3A_83 : vector<75x1xi1>, vector<75x1xi32>
      %swap3A_164 = arith.constant 0 : index
      %swap3A_165 = arith.constant 0 : index
      %swap3A_166 = vector.load %arg11[%swap3A_164, %swap3A_165] : memref<75x1xi32, #tpu.memory_space<vmem>>, vector<75x1xi32>
      tpu.vector_store %arg11[%swap3A_164, %swap3A_165], %select_n3A_163 {strides = array<i32>} : memref<75x1xi32, #tpu.memory_space<vmem>>, vector<75x1xi32>,
    } else {
    }
    %eq3A_117 = arith.constant 7 : i32
    %eq3A_118 = arith.cmpi eq, %arg1, %eq3A_117 : i32
    %convert_element_type3A_119 = arith.extui %eq3A_118 : i1 to i32
    %cond3A_120 = arith.constant 0 : i32
    %cond3A_121 = arith.cmpi ne, %convert_element_type3A_119, %cond3A_120 : i32
    scf.if %cond3A_121 {
      %get3A_122 = arith.constant 0 : index
      %get3A_123 = arith.constant 0 : index
      %get3A_124 = vector.load %arg11[%get3A_122, %get3A_123] : memref<75x1xi32, #tpu.memory_space<vmem>>, vector<75x1xi32>
      %swap3A = arith.constant 0 : index
      %swap3A_125 = arith.constant 0 : index
      %swap3A_126 = arith.constant 0 : index
      %swap3A_127 = vector.load %arg7[%swap3A, %swap3A_125, %swap3A_126] : memref<1x75x1xi32, #tpu.memory_space<vmem>>, vector<1x75x1xi32>
      %swap3A_128 = vector.shape_cast %swap3A_127 : vector<1x75x1xi32> to vector<75x1xi32>
      %swap3A_129 = vector.shape_cast %get3A_124 : vector<75x1xi32> to vector<1x75x1xi32>
      tpu.vector_store %arg7[%swap3A, %swap3A_125, %swap3A_126], %swap3A_129 {strides = array<i32>} : memref<1x75x1xi32, #tpu.memory_space<vmem>>, vector<1x75x1xi32>,
      %get3A_130 = arith.constant 0 : index
      %get3A_131 = arith.constant 0 : index
      %get3A_132 = vector.load %arg12[%get3A_130, %get3A_131] : memref<75x1xi32, #tpu.memory_space<vmem>>, vector<75x1xi32>
      %swap3A_133 = arith.constant 0 : index
      %swap3A_134 = arith.constant 0 : index
      %swap3A_135 = arith.constant 0 : index
      %swap3A_136 = vector.load %arg8[%swap3A_133, %swap3A_134, %swap3A_135] : memref<1x75x1xi32, #tpu.memory_space<vmem>>, vector<1x75x1xi32>
      %swap3A_137 = vector.shape_cast %swap3A_136 : vector<1x75x1xi32> to vector<75x1xi32>
      %swap3A_138 = vector.shape_cast %get3A_132 : vector<75x1xi32> to vector<1x75x1xi32>
      tpu.vector_store %arg8[%swap3A_133, %swap3A_134, %swap3A_135], %swap3A_138 {strides = array<i32>} : memref<1x75x1xi32, #tpu.memory_space<vmem>>, vector<1x75x1xi32>,
      %get3A_139 = arith.constant 0 : index
      %get3A_140 = arith.constant 0 : index
      %get3A_141 = vector.load %arg13[%get3A_139, %get3A_140] : memref<75x1xi32, #tpu.memory_space<vmem>>, vector<75x1xi32>
      %swap3A_142 = arith.constant 0 : index
      %swap3A_143 = arith.constant 0 : index
      %swap3A_144 = arith.constant 0 : index
      %swap3A_145 = vector.load %arg9[%swap3A_142, %swap3A_143, %swap3A_144] : memref<1x75x1xi32, #tpu.memory_space<vmem>>, vector<1x75x1xi32>
      %swap3A_146 = vector.shape_cast %swap3A_145 : vector<1x75x1xi32> to vector<75x1xi32>
      %swap3A_147 = vector.shape_cast %get3A_141 : vector<75x1xi32> to vector<1x75x1xi32>
      tpu.vector_store %arg9[%swap3A_142, %swap3A_143, %swap3A_144], %swap3A_147 {strides = array<i32>} : memref<1x75x1xi32, #tpu.memory_space<vmem>>, vector<1x75x1xi32>,
      %get3A_148 = arith.constant 0 : index
      %get3A_149 = arith.constant 0 : index
      %get3A_150 = vector.load %arg14[%get3A_148, %get3A_149] : memref<75x1xi32, #tpu.memory_space<vmem>>, vector<75x1xi32>
      %swap3A_151 = arith.constant 0 : index
      %swap3A_152 = arith.constant 0 : index
      %swap3A_153 = arith.constant 0 : index
      %swap3A_154 = vector.load %arg10[%swap3A_151, %swap3A_152, %swap3A_153] : memref<1x75x1xi32, #tpu.memory_space<vmem>>, vector<1x75x1xi32>
      %swap3A_155 = vector.shape_cast %swap3A_154 : vector<1x75x1xi32> to vector<75x1xi32>
      %swap3A_156 = vector.shape_cast %get3A_150 : vector<75x1xi32> to vector<1x75x1xi32>
      tpu.vector_store %arg10[%swap3A_151, %swap3A_152, %swap3A_153], %swap3A_156 {strides = array<i32>} : memref<1x75x1xi32, #tpu.memory_space<vmem>>, vector<1x75x1xi32>,
    } else {
    }
    return
  }
  func.func @transform_0(%arg0: i32, %arg1: i32) -> (i32, i32, i32) {
    %c0_i32 = arith.constant 0 : i32
    %c0_i32_0 = arith.constant 0 : i32
    return %arg0, %c0_i32, %arg1 : i32, i32, i32
  }
  func.func @transform_1(%arg0: i32, %arg1: i32) -> (i32, i32, i32) {
    %jit3A = arith.constant 2 : i32
    %div3A = arith.divsi %arg0, %jit3A : i32
    %sign3A = arith.constant 0 : i32
    %sign3A_0 = arith.cmpi sgt, %arg0, %sign3A : i32
    %sign3A_1 = arith.extui %sign3A_0 : i1 to i32
    %sign3A_2 = arith.constant 0 : i32
    %sign3A_3 = arith.cmpi slt, %arg0, %sign3A_2 : i32
    %sign3A_4 = arith.extui %sign3A_3 : i1 to i32
    %sign3A_5 = arith.subi %sign3A_1, %sign3A_4 : i32
    %sign3A_6 = arith.constant 0 : i32
    %sign3A_7 = arith.cmpi sgt, %jit3A, %sign3A_6 : i32
    %sign3A_8 = arith.extui %sign3A_7 : i1 to i32
    %sign3A_9 = arith.constant 0 : i32
    %sign3A_10 = arith.cmpi slt, %jit3A, %sign3A_9 : i32
    %sign3A_11 = arith.extui %sign3A_10 : i1 to i32
    %sign3A_12 = arith.subi %sign3A_8, %sign3A_11 : i32
    %ne3A = arith.cmpi ne, %sign3A_5, %sign3A_12 : i32
    %rem3A = arith.remsi %arg0, %jit3A : i32
    %ne3A_13 = arith.constant 0 : i32
    %ne3A_14 = arith.cmpi ne, %rem3A, %ne3A_13 : i32
    %and3A = arith.andi %ne3A, %ne3A_14 : i1
    %sub3A = arith.constant 1 : i32
    %sub3A_15 = arith.subi %div3A, %sub3A : i32
    %select_n3A = arith.select %and3A, %sub3A_15, %div3A : i32
    %jit3A_16 = arith.constant 4 : i32
    %eq3A = arith.constant 0 : i32
    %eq3A_17 = arith.cmpi eq, %jit3A_16, %eq3A : i32
    %jit3A_18 = arith.constant 1 : i32
    %select_n3A_19 = arith.select %eq3A_17, %jit3A_18, %jit3A_16 : i32
    %rem3A_20 = arith.remsi %select_n3A, %select_n3A_19 : i32
    %ne3A_21 = arith.constant 0 : i32
    %ne3A_22 = arith.cmpi ne, %rem3A_20, %ne3A_21 : i32
    %lt3A = arith.constant 0 : i32
    %lt3A_23 = arith.cmpi slt, %rem3A_20, %lt3A : i32
    %lt3A_24 = arith.constant 0 : i32
    %lt3A_25 = arith.cmpi slt, %select_n3A_19, %lt3A_24 : i32
    %ne3A_26 = arith.xori %lt3A_23, %lt3A_25 : i1
    %and3A_27 = arith.andi %ne3A_26, %ne3A_22 : i1
    %add3A = arith.addi %rem3A_20, %select_n3A_19 : i32
    %select_n3A_28 = arith.select %and3A_27, %add3A, %rem3A_20 : i32
    %c0_i32 = arith.constant 0 : i32
    %c0_i32_29 = arith.constant 0 : i32
    %c0_i32_30 = arith.constant 0 : i32
    return %select_n3A_28, %c0_i32, %c0_i32_29 : i32, i32, i32
  }
  func.func @transform_2(%arg0: i32, %arg1: i32) -> (i32, i32, i32) {
    %jit3A = arith.constant 2 : i32
    %div3A = arith.divsi %arg0, %jit3A : i32
    %sign3A = arith.constant 0 : i32
    %sign3A_0 = arith.cmpi sgt, %arg0, %sign3A : i32
    %sign3A_1 = arith.extui %sign3A_0 : i1 to i32
    %sign3A_2 = arith.constant 0 : i32
    %sign3A_3 = arith.cmpi slt, %arg0, %sign3A_2 : i32
    %sign3A_4 = arith.extui %sign3A_3 : i1 to i32
    %sign3A_5 = arith.subi %sign3A_1, %sign3A_4 : i32
    %sign3A_6 = arith.constant 0 : i32
    %sign3A_7 = arith.cmpi sgt, %jit3A, %sign3A_6 : i32
    %sign3A_8 = arith.extui %sign3A_7 : i1 to i32
    %sign3A_9 = arith.constant 0 : i32
    %sign3A_10 = arith.cmpi slt, %jit3A, %sign3A_9 : i32
    %sign3A_11 = arith.extui %sign3A_10 : i1 to i32
    %sign3A_12 = arith.subi %sign3A_8, %sign3A_11 : i32
    %ne3A = arith.cmpi ne, %sign3A_5, %sign3A_12 : i32
    %rem3A = arith.remsi %arg0, %jit3A : i32
    %ne3A_13 = arith.constant 0 : i32
    %ne3A_14 = arith.cmpi ne, %rem3A, %ne3A_13 : i32
    %and3A = arith.andi %ne3A, %ne3A_14 : i1
    %sub3A = arith.constant 1 : i32
    %sub3A_15 = arith.subi %div3A, %sub3A : i32
    %select_n3A = arith.select %and3A, %sub3A_15, %div3A : i32
    %jit3A_16 = arith.constant 4 : i32
    %eq3A = arith.constant 0 : i32
    %eq3A_17 = arith.cmpi eq, %jit3A_16, %eq3A : i32
    %jit3A_18 = arith.constant 1 : i32
    %select_n3A_19 = arith.select %eq3A_17, %jit3A_18, %jit3A_16 : i32
    %rem3A_20 = arith.remsi %select_n3A, %select_n3A_19 : i32
    %ne3A_21 = arith.constant 0 : i32
    %ne3A_22 = arith.cmpi ne, %rem3A_20, %ne3A_21 : i32
    %lt3A = arith.constant 0 : i32
    %lt3A_23 = arith.cmpi slt, %rem3A_20, %lt3A : i32
    %lt3A_24 = arith.constant 0 : i32
    %lt3A_25 = arith.cmpi slt, %select_n3A_19, %lt3A_24 : i32
    %ne3A_26 = arith.xori %lt3A_23, %lt3A_25 : i1
    %and3A_27 = arith.andi %ne3A_26, %ne3A_22 : i1
    %add3A = arith.addi %rem3A_20, %select_n3A_19 : i32
    %select_n3A_28 = arith.select %and3A_27, %add3A, %rem3A_20 : i32
    %c0_i32 = arith.constant 0 : i32
    %c0_i32_29 = arith.constant 0 : i32
    %c0_i32_30 = arith.constant 0 : i32
    return %select_n3A_28, %c0_i32, %c0_i32_29 : i32, i32, i32
  }
  func.func @transform_3(%arg0: i32, %arg1: i32) -> (i32, i32, i32) {
    %c0_i32 = arith.constant 0 : i32
    %c0_i32_0 = arith.constant 0 : i32
    %c0_i32_1 = arith.constant 0 : i32
    return %arg0, %c0_i32, %c0_i32_0 : i32, i32, i32
  }
  func.func @transform_4(%arg0: i32, %arg1: i32) -> (i32, i32, i32) {
    %c0_i32 = arith.constant 0 : i32
    %c0_i32_0 = arith.constant 0 : i32
    %c0_i32_1 = arith.constant 0 : i32
    return %arg0, %c0_i32, %c0_i32_0 : i32, i32, i32
  }
  func.func @transform_5(%arg0: i32, %arg1: i32) -> (i32, i32, i32) {
    %c0_i32 = arith.constant 0 : i32
    %c0_i32_0 = arith.constant 0 : i32
    %c0_i32_1 = arith.constant 0 : i32
    return %arg0, %c0_i32, %c0_i32_0 : i32, i32, i32
  }
  func.func @transform_6(%arg0: i32, %arg1: i32) -> (i32, i32, i32) {
    %c0_i32 = arith.constant 0 : i32
    %c0_i32_0 = arith.constant 0 : i32
    %c0_i32_1 = arith.constant 0 : i32
    return %arg0, %c0_i32, %c0_i32_0 : i32, i32, i32
  }
  func.func @transform_7(%arg0: i32, %arg1: i32) -> (i32, i32, i32) {
    %c0_i32 = arith.constant 0 : i32
    %c0_i32_0 = arith.constant 0 : i32
    %c0_i32_1 = arith.constant 0 : i32
    return %arg0, %c0_i32, %c0_i32_0 : i32, i32, i32
  }
  func.func @transform_8(%arg0: i32, %arg1: i32) -> (i32, i32, i32) {
    %c0_i32 = arith.constant 0 : i32
    %c0_i32_0 = arith.constant 0 : i32
    %c0_i32_1 = arith.constant 0 : i32
    return %arg0, %c0_i32, %c0_i32_0 : i32, i32, i32
  }
}

module attributes {stable_mosaic.version = 14 : i64} {
  func.func @_hist_kernel(%arg0: i32, %arg1: memref<1x175x1xi32, #tpu.memory_space<vmem>>, %arg2: memref<1x1x16384xf32, #tpu.memory_space<vmem>>, %arg3: memref<1x1x16384xf32, #tpu.memory_space<vmem>>) attributes {dimension_semantics = [#tpu.dimension_semantics<arbitrary>], iteration_bounds = array<i64: 152>, scalar_prefetch = 0 : i64, scratch_operands = 0 : i64, tpu.core_type = #tpu.core_type<tc>, window_params = [{transform_indices = @transform_0, window_bounds = array<i64: 1, 175, 1>}, {transform_indices = @transform_1, window_bounds = array<i64: 1, 1, 16384>}, {transform_indices = @transform_2, window_bounds = array<i64: 1, 1, 16384>}]} {
    %get3A = arith.constant 0 : index
    %get3A_0 = arith.constant 0 : index
    %get3A_1 = arith.constant 0 : index
    %get3A_2 = vector.load %arg1[%get3A, %get3A_0, %get3A_1] : memref<1x175x1xi32, #tpu.memory_space<vmem>>, vector<1x175x1xi32>
    %get3A_3 = vector.shape_cast %get3A_2 : vector<1x175x1xi32> to vector<175x1xi32>
    %iota3A = tpu.iota {dimensions = array<i32: 1>} : vector<175x2048xi32>
    %add3A = arith.constant 0 : i32
    %add3A_4 = vector.broadcast %add3A : i32 to vector<175x2048xi32>
    %add3A_5 = arith.addi %iota3A, %add3A_4 : vector<175x2048xi32>
    %eq3A = vector.broadcast %get3A_3 : vector<175x1xi32> to vector<175x2048xi32>
    %eq3A_6 = arith.cmpi eq, %eq3A, %add3A_5 : vector<175x2048xi32>
    %jit3A = arith.constant 1.000000e+00 : f32
    %jit3A_7 = arith.constant 0.000000e+00 : f32
    %broadcast_in_dim3A = vector.broadcast %jit3A : f32 to vector<175x2048xf32>
    %broadcast_in_dim3A_8 = vector.broadcast %jit3A_7 : f32 to vector<175x2048xf32>
    %select_n3A = arith.select %eq3A_6, %broadcast_in_dim3A, %broadcast_in_dim3A_8 : vector<175x2048xi1>, vector<175x2048xf32>
    %reduce_sum3A = arith.constant dense<0.000000e+00> : vector<2048xf32>
    %reduce_sum3A_9 = vector.multi_reduction <add>, %select_n3A, %reduce_sum3A [0] : vector<175x2048xf32> to vector<2048xf32>
    %broadcast_in_dim3A_10 = vector.shape_cast %reduce_sum3A_9 : vector<2048xf32> to vector<1x2048xf32>
    %get3A_11 = arith.constant 0 : index
    %get3A_12 = arith.constant 0 : index
    %get3A_13 = arith.constant 0 : index
    %get3A_14 = vector.load %arg2[%get3A_11, %get3A_12, %get3A_13] : memref<1x1x16384xf32, #tpu.memory_space<vmem>>, vector<1x1x2048xf32>
    %get3A_15 = vector.shape_cast %get3A_14 : vector<1x1x2048xf32> to vector<1x2048xf32>
    %sqrt3A = math.sqrt %get3A_15 : vector<1x2048xf32>
    %add3A_16 = arith.constant 9.99999997E-7 : f32
    %add3A_17 = vector.broadcast %add3A_16 : f32 to vector<1x2048xf32>
    %add3A_18 = arith.addf %add3A_17, %sqrt3A : vector<1x2048xf32>
    %div3A = arith.constant 1.000000e+00 : f32
    %div3A_19 = vector.broadcast %div3A : f32 to vector<1x2048xf32>
    %div3A_20 = arith.divf %div3A_19, %add3A_18 : vector<1x2048xf32>
    %mul3A = arith.mulf %broadcast_in_dim3A_10, %div3A_20 : vector<1x2048xf32>
    %swap3A = arith.constant 0 : index
    %swap3A_21 = arith.constant 0 : index
    %swap3A_22 = arith.constant 0 : index
    %swap3A_23 = vector.load %arg3[%swap3A, %swap3A_21, %swap3A_22] : memref<1x1x16384xf32, #tpu.memory_space<vmem>>, vector<1x1x2048xf32>
    %swap3A_24 = vector.shape_cast %swap3A_23 : vector<1x1x2048xf32> to vector<1x2048xf32>
    %swap3A_25 = vector.shape_cast %mul3A : vector<1x2048xf32> to vector<1x1x2048xf32>
    tpu.vector_store %arg3[%swap3A, %swap3A_21, %swap3A_22], %swap3A_25 {strides = array<i32>} : memref<1x1x16384xf32, #tpu.memory_space<vmem>>, vector<1x1x2048xf32>,
    %iota3A_26 = tpu.iota {dimensions = array<i32: 1>} : vector<175x2048xi32>
    %add3A_27 = arith.constant 2048 : i32
    %add3A_28 = vector.broadcast %add3A_27 : i32 to vector<175x2048xi32>
    %add3A_29 = arith.addi %iota3A_26, %add3A_28 : vector<175x2048xi32>
    %eq3A_30 = vector.broadcast %get3A_3 : vector<175x1xi32> to vector<175x2048xi32>
    %eq3A_31 = arith.cmpi eq, %eq3A_30, %add3A_29 : vector<175x2048xi32>
    %jit3A_32 = arith.constant 1.000000e+00 : f32
    %jit3A_33 = arith.constant 0.000000e+00 : f32
    %broadcast_in_dim3A_34 = vector.broadcast %jit3A_32 : f32 to vector<175x2048xf32>
    %broadcast_in_dim3A_35 = vector.broadcast %jit3A_33 : f32 to vector<175x2048xf32>
    %select_n3A_36 = arith.select %eq3A_31, %broadcast_in_dim3A_34, %broadcast_in_dim3A_35 : vector<175x2048xi1>, vector<175x2048xf32>
    %reduce_sum3A_37 = arith.constant dense<0.000000e+00> : vector<2048xf32>
    %reduce_sum3A_38 = vector.multi_reduction <add>, %select_n3A_36, %reduce_sum3A_37 [0] : vector<175x2048xf32> to vector<2048xf32>
    %broadcast_in_dim3A_39 = vector.shape_cast %reduce_sum3A_38 : vector<2048xf32> to vector<1x2048xf32>
    %get3A_40 = arith.constant 0 : index
    %get3A_41 = arith.constant 0 : index
    %get3A_42 = arith.constant 2048 : index
    %get3A_43 = vector.load %arg2[%get3A_40, %get3A_41, %get3A_42] : memref<1x1x16384xf32, #tpu.memory_space<vmem>>, vector<1x1x2048xf32>
    %get3A_44 = vector.shape_cast %get3A_43 : vector<1x1x2048xf32> to vector<1x2048xf32>
    %sqrt3A_45 = math.sqrt %get3A_44 : vector<1x2048xf32>
    %add3A_46 = arith.constant 9.99999997E-7 : f32
    %add3A_47 = vector.broadcast %add3A_46 : f32 to vector<1x2048xf32>
    %add3A_48 = arith.addf %add3A_47, %sqrt3A_45 : vector<1x2048xf32>
    %div3A_49 = arith.constant 1.000000e+00 : f32
    %div3A_50 = vector.broadcast %div3A_49 : f32 to vector<1x2048xf32>
    %div3A_51 = arith.divf %div3A_50, %add3A_48 : vector<1x2048xf32>
    %mul3A_52 = arith.mulf %broadcast_in_dim3A_39, %div3A_51 : vector<1x2048xf32>
    %swap3A_53 = arith.constant 0 : index
    %swap3A_54 = arith.constant 0 : index
    %swap3A_55 = arith.constant 2048 : index
    %swap3A_56 = vector.load %arg3[%swap3A_53, %swap3A_54, %swap3A_55] : memref<1x1x16384xf32, #tpu.memory_space<vmem>>, vector<1x1x2048xf32>
    %swap3A_57 = vector.shape_cast %swap3A_56 : vector<1x1x2048xf32> to vector<1x2048xf32>
    %swap3A_58 = vector.shape_cast %mul3A_52 : vector<1x2048xf32> to vector<1x1x2048xf32>
    tpu.vector_store %arg3[%swap3A_53, %swap3A_54, %swap3A_55], %swap3A_58 {strides = array<i32>} : memref<1x1x16384xf32, #tpu.memory_space<vmem>>, vector<1x1x2048xf32>,
    %iota3A_59 = tpu.iota {dimensions = array<i32: 1>} : vector<175x2048xi32>
    %add3A_60 = arith.constant 4096 : i32
    %add3A_61 = vector.broadcast %add3A_60 : i32 to vector<175x2048xi32>
    %add3A_62 = arith.addi %iota3A_59, %add3A_61 : vector<175x2048xi32>
    %eq3A_63 = vector.broadcast %get3A_3 : vector<175x1xi32> to vector<175x2048xi32>
    %eq3A_64 = arith.cmpi eq, %eq3A_63, %add3A_62 : vector<175x2048xi32>
    %jit3A_65 = arith.constant 1.000000e+00 : f32
    %jit3A_66 = arith.constant 0.000000e+00 : f32
    %broadcast_in_dim3A_67 = vector.broadcast %jit3A_65 : f32 to vector<175x2048xf32>
    %broadcast_in_dim3A_68 = vector.broadcast %jit3A_66 : f32 to vector<175x2048xf32>
    %select_n3A_69 = arith.select %eq3A_64, %broadcast_in_dim3A_67, %broadcast_in_dim3A_68 : vector<175x2048xi1>, vector<175x2048xf32>
    %reduce_sum3A_70 = arith.constant dense<0.000000e+00> : vector<2048xf32>
    %reduce_sum3A_71 = vector.multi_reduction <add>, %select_n3A_69, %reduce_sum3A_70 [0] : vector<175x2048xf32> to vector<2048xf32>
    %broadcast_in_dim3A_72 = vector.shape_cast %reduce_sum3A_71 : vector<2048xf32> to vector<1x2048xf32>
    %get3A_73 = arith.constant 0 : index
    %get3A_74 = arith.constant 0 : index
    %get3A_75 = arith.constant 4096 : index
    %get3A_76 = vector.load %arg2[%get3A_73, %get3A_74, %get3A_75] : memref<1x1x16384xf32, #tpu.memory_space<vmem>>, vector<1x1x2048xf32>
    %get3A_77 = vector.shape_cast %get3A_76 : vector<1x1x2048xf32> to vector<1x2048xf32>
    %sqrt3A_78 = math.sqrt %get3A_77 : vector<1x2048xf32>
    %add3A_79 = arith.constant 9.99999997E-7 : f32
    %add3A_80 = vector.broadcast %add3A_79 : f32 to vector<1x2048xf32>
    %add3A_81 = arith.addf %add3A_80, %sqrt3A_78 : vector<1x2048xf32>
    %div3A_82 = arith.constant 1.000000e+00 : f32
    %div3A_83 = vector.broadcast %div3A_82 : f32 to vector<1x2048xf32>
    %div3A_84 = arith.divf %div3A_83, %add3A_81 : vector<1x2048xf32>
    %mul3A_85 = arith.mulf %broadcast_in_dim3A_72, %div3A_84 : vector<1x2048xf32>
    %swap3A_86 = arith.constant 0 : index
    %swap3A_87 = arith.constant 0 : index
    %swap3A_88 = arith.constant 4096 : index
    %swap3A_89 = vector.load %arg3[%swap3A_86, %swap3A_87, %swap3A_88] : memref<1x1x16384xf32, #tpu.memory_space<vmem>>, vector<1x1x2048xf32>
    %swap3A_90 = vector.shape_cast %swap3A_89 : vector<1x1x2048xf32> to vector<1x2048xf32>
    %swap3A_91 = vector.shape_cast %mul3A_85 : vector<1x2048xf32> to vector<1x1x2048xf32>
    tpu.vector_store %arg3[%swap3A_86, %swap3A_87, %swap3A_88], %swap3A_91 {strides = array<i32>} : memref<1x1x16384xf32, #tpu.memory_space<vmem>>, vector<1x1x2048xf32>,
    %iota3A_92 = tpu.iota {dimensions = array<i32: 1>} : vector<175x2048xi32>
    %add3A_93 = arith.constant 6144 : i32
    %add3A_94 = vector.broadcast %add3A_93 : i32 to vector<175x2048xi32>
    %add3A_95 = arith.addi %iota3A_92, %add3A_94 : vector<175x2048xi32>
    %eq3A_96 = vector.broadcast %get3A_3 : vector<175x1xi32> to vector<175x2048xi32>
    %eq3A_97 = arith.cmpi eq, %eq3A_96, %add3A_95 : vector<175x2048xi32>
    %jit3A_98 = arith.constant 1.000000e+00 : f32
    %jit3A_99 = arith.constant 0.000000e+00 : f32
    %broadcast_in_dim3A_100 = vector.broadcast %jit3A_98 : f32 to vector<175x2048xf32>
    %broadcast_in_dim3A_101 = vector.broadcast %jit3A_99 : f32 to vector<175x2048xf32>
    %select_n3A_102 = arith.select %eq3A_97, %broadcast_in_dim3A_100, %broadcast_in_dim3A_101 : vector<175x2048xi1>, vector<175x2048xf32>
    %reduce_sum3A_103 = arith.constant dense<0.000000e+00> : vector<2048xf32>
    %reduce_sum3A_104 = vector.multi_reduction <add>, %select_n3A_102, %reduce_sum3A_103 [0] : vector<175x2048xf32> to vector<2048xf32>
    %broadcast_in_dim3A_105 = vector.shape_cast %reduce_sum3A_104 : vector<2048xf32> to vector<1x2048xf32>
    %get3A_106 = arith.constant 0 : index
    %get3A_107 = arith.constant 0 : index
    %get3A_108 = arith.constant 6144 : index
    %get3A_109 = vector.load %arg2[%get3A_106, %get3A_107, %get3A_108] : memref<1x1x16384xf32, #tpu.memory_space<vmem>>, vector<1x1x2048xf32>
    %get3A_110 = vector.shape_cast %get3A_109 : vector<1x1x2048xf32> to vector<1x2048xf32>
    %sqrt3A_111 = math.sqrt %get3A_110 : vector<1x2048xf32>
    %add3A_112 = arith.constant 9.99999997E-7 : f32
    %add3A_113 = vector.broadcast %add3A_112 : f32 to vector<1x2048xf32>
    %add3A_114 = arith.addf %add3A_113, %sqrt3A_111 : vector<1x2048xf32>
    %div3A_115 = arith.constant 1.000000e+00 : f32
    %div3A_116 = vector.broadcast %div3A_115 : f32 to vector<1x2048xf32>
    %div3A_117 = arith.divf %div3A_116, %add3A_114 : vector<1x2048xf32>
    %mul3A_118 = arith.mulf %broadcast_in_dim3A_105, %div3A_117 : vector<1x2048xf32>
    %swap3A_119 = arith.constant 0 : index
    %swap3A_120 = arith.constant 0 : index
    %swap3A_121 = arith.constant 6144 : index
    %swap3A_122 = vector.load %arg3[%swap3A_119, %swap3A_120, %swap3A_121] : memref<1x1x16384xf32, #tpu.memory_space<vmem>>, vector<1x1x2048xf32>
    %swap3A_123 = vector.shape_cast %swap3A_122 : vector<1x1x2048xf32> to vector<1x2048xf32>
    %swap3A_124 = vector.shape_cast %mul3A_118 : vector<1x2048xf32> to vector<1x1x2048xf32>
    tpu.vector_store %arg3[%swap3A_119, %swap3A_120, %swap3A_121], %swap3A_124 {strides = array<i32>} : memref<1x1x16384xf32, #tpu.memory_space<vmem>>, vector<1x1x2048xf32>,
    %iota3A_125 = tpu.iota {dimensions = array<i32: 1>} : vector<175x2048xi32>
    %add3A_126 = arith.constant 8192 : i32
    %add3A_127 = vector.broadcast %add3A_126 : i32 to vector<175x2048xi32>
    %add3A_128 = arith.addi %iota3A_125, %add3A_127 : vector<175x2048xi32>
    %eq3A_129 = vector.broadcast %get3A_3 : vector<175x1xi32> to vector<175x2048xi32>
    %eq3A_130 = arith.cmpi eq, %eq3A_129, %add3A_128 : vector<175x2048xi32>
    %jit3A_131 = arith.constant 1.000000e+00 : f32
    %jit3A_132 = arith.constant 0.000000e+00 : f32
    %broadcast_in_dim3A_133 = vector.broadcast %jit3A_131 : f32 to vector<175x2048xf32>
    %broadcast_in_dim3A_134 = vector.broadcast %jit3A_132 : f32 to vector<175x2048xf32>
    %select_n3A_135 = arith.select %eq3A_130, %broadcast_in_dim3A_133, %broadcast_in_dim3A_134 : vector<175x2048xi1>, vector<175x2048xf32>
    %reduce_sum3A_136 = arith.constant dense<0.000000e+00> : vector<2048xf32>
    %reduce_sum3A_137 = vector.multi_reduction <add>, %select_n3A_135, %reduce_sum3A_136 [0] : vector<175x2048xf32> to vector<2048xf32>
    %broadcast_in_dim3A_138 = vector.shape_cast %reduce_sum3A_137 : vector<2048xf32> to vector<1x2048xf32>
    %get3A_139 = arith.constant 0 : index
    %get3A_140 = arith.constant 0 : index
    %get3A_141 = arith.constant 8192 : index
    %get3A_142 = vector.load %arg2[%get3A_139, %get3A_140, %get3A_141] : memref<1x1x16384xf32, #tpu.memory_space<vmem>>, vector<1x1x2048xf32>
    %get3A_143 = vector.shape_cast %get3A_142 : vector<1x1x2048xf32> to vector<1x2048xf32>
    %sqrt3A_144 = math.sqrt %get3A_143 : vector<1x2048xf32>
    %add3A_145 = arith.constant 9.99999997E-7 : f32
    %add3A_146 = vector.broadcast %add3A_145 : f32 to vector<1x2048xf32>
    %add3A_147 = arith.addf %add3A_146, %sqrt3A_144 : vector<1x2048xf32>
    %div3A_148 = arith.constant 1.000000e+00 : f32
    %div3A_149 = vector.broadcast %div3A_148 : f32 to vector<1x2048xf32>
    %div3A_150 = arith.divf %div3A_149, %add3A_147 : vector<1x2048xf32>
    %mul3A_151 = arith.mulf %broadcast_in_dim3A_138, %div3A_150 : vector<1x2048xf32>
    %swap3A_152 = arith.constant 0 : index
    %swap3A_153 = arith.constant 0 : index
    %swap3A_154 = arith.constant 8192 : index
    %swap3A_155 = vector.load %arg3[%swap3A_152, %swap3A_153, %swap3A_154] : memref<1x1x16384xf32, #tpu.memory_space<vmem>>, vector<1x1x2048xf32>
    %swap3A_156 = vector.shape_cast %swap3A_155 : vector<1x1x2048xf32> to vector<1x2048xf32>
    %swap3A_157 = vector.shape_cast %mul3A_151 : vector<1x2048xf32> to vector<1x1x2048xf32>
    tpu.vector_store %arg3[%swap3A_152, %swap3A_153, %swap3A_154], %swap3A_157 {strides = array<i32>} : memref<1x1x16384xf32, #tpu.memory_space<vmem>>, vector<1x1x2048xf32>,
    %iota3A_158 = tpu.iota {dimensions = array<i32: 1>} : vector<175x2048xi32>
    %add3A_159 = arith.constant 10240 : i32
    %add3A_160 = vector.broadcast %add3A_159 : i32 to vector<175x2048xi32>
    %add3A_161 = arith.addi %iota3A_158, %add3A_160 : vector<175x2048xi32>
    %eq3A_162 = vector.broadcast %get3A_3 : vector<175x1xi32> to vector<175x2048xi32>
    %eq3A_163 = arith.cmpi eq, %eq3A_162, %add3A_161 : vector<175x2048xi32>
    %jit3A_164 = arith.constant 1.000000e+00 : f32
    %jit3A_165 = arith.constant 0.000000e+00 : f32
    %broadcast_in_dim3A_166 = vector.broadcast %jit3A_164 : f32 to vector<175x2048xf32>
    %broadcast_in_dim3A_167 = vector.broadcast %jit3A_165 : f32 to vector<175x2048xf32>
    %select_n3A_168 = arith.select %eq3A_163, %broadcast_in_dim3A_166, %broadcast_in_dim3A_167 : vector<175x2048xi1>, vector<175x2048xf32>
    %reduce_sum3A_169 = arith.constant dense<0.000000e+00> : vector<2048xf32>
    %reduce_sum3A_170 = vector.multi_reduction <add>, %select_n3A_168, %reduce_sum3A_169 [0] : vector<175x2048xf32> to vector<2048xf32>
    %broadcast_in_dim3A_171 = vector.shape_cast %reduce_sum3A_170 : vector<2048xf32> to vector<1x2048xf32>
    %get3A_172 = arith.constant 0 : index
    %get3A_173 = arith.constant 0 : index
    %get3A_174 = arith.constant 10240 : index
    %get3A_175 = vector.load %arg2[%get3A_172, %get3A_173, %get3A_174] : memref<1x1x16384xf32, #tpu.memory_space<vmem>>, vector<1x1x2048xf32>
    %get3A_176 = vector.shape_cast %get3A_175 : vector<1x1x2048xf32> to vector<1x2048xf32>
    %sqrt3A_177 = math.sqrt %get3A_176 : vector<1x2048xf32>
    %add3A_178 = arith.constant 9.99999997E-7 : f32
    %add3A_179 = vector.broadcast %add3A_178 : f32 to vector<1x2048xf32>
    %add3A_180 = arith.addf %add3A_179, %sqrt3A_177 : vector<1x2048xf32>
    %div3A_181 = arith.constant 1.000000e+00 : f32
    %div3A_182 = vector.broadcast %div3A_181 : f32 to vector<1x2048xf32>
    %div3A_183 = arith.divf %div3A_182, %add3A_180 : vector<1x2048xf32>
    %mul3A_184 = arith.mulf %broadcast_in_dim3A_171, %div3A_183 : vector<1x2048xf32>
    %swap3A_185 = arith.constant 0 : index
    %swap3A_186 = arith.constant 0 : index
    %swap3A_187 = arith.constant 10240 : index
    %swap3A_188 = vector.load %arg3[%swap3A_185, %swap3A_186, %swap3A_187] : memref<1x1x16384xf32, #tpu.memory_space<vmem>>, vector<1x1x2048xf32>
    %swap3A_189 = vector.shape_cast %swap3A_188 : vector<1x1x2048xf32> to vector<1x2048xf32>
    %swap3A_190 = vector.shape_cast %mul3A_184 : vector<1x2048xf32> to vector<1x1x2048xf32>
    tpu.vector_store %arg3[%swap3A_185, %swap3A_186, %swap3A_187], %swap3A_190 {strides = array<i32>} : memref<1x1x16384xf32, #tpu.memory_space<vmem>>, vector<1x1x2048xf32>,
    %iota3A_191 = tpu.iota {dimensions = array<i32: 1>} : vector<175x2048xi32>
    %add3A_192 = arith.constant 12288 : i32
    %add3A_193 = vector.broadcast %add3A_192 : i32 to vector<175x2048xi32>
    %add3A_194 = arith.addi %iota3A_191, %add3A_193 : vector<175x2048xi32>
    %eq3A_195 = vector.broadcast %get3A_3 : vector<175x1xi32> to vector<175x2048xi32>
    %eq3A_196 = arith.cmpi eq, %eq3A_195, %add3A_194 : vector<175x2048xi32>
    %jit3A_197 = arith.constant 1.000000e+00 : f32
    %jit3A_198 = arith.constant 0.000000e+00 : f32
    %broadcast_in_dim3A_199 = vector.broadcast %jit3A_197 : f32 to vector<175x2048xf32>
    %broadcast_in_dim3A_200 = vector.broadcast %jit3A_198 : f32 to vector<175x2048xf32>
    %select_n3A_201 = arith.select %eq3A_196, %broadcast_in_dim3A_199, %broadcast_in_dim3A_200 : vector<175x2048xi1>, vector<175x2048xf32>
    %reduce_sum3A_202 = arith.constant dense<0.000000e+00> : vector<2048xf32>
    %reduce_sum3A_203 = vector.multi_reduction <add>, %select_n3A_201, %reduce_sum3A_202 [0] : vector<175x2048xf32> to vector<2048xf32>
    %broadcast_in_dim3A_204 = vector.shape_cast %reduce_sum3A_203 : vector<2048xf32> to vector<1x2048xf32>
    %get3A_205 = arith.constant 0 : index
    %get3A_206 = arith.constant 0 : index
    %get3A_207 = arith.constant 12288 : index
    %get3A_208 = vector.load %arg2[%get3A_205, %get3A_206, %get3A_207] : memref<1x1x16384xf32, #tpu.memory_space<vmem>>, vector<1x1x2048xf32>
    %get3A_209 = vector.shape_cast %get3A_208 : vector<1x1x2048xf32> to vector<1x2048xf32>
    %sqrt3A_210 = math.sqrt %get3A_209 : vector<1x2048xf32>
    %add3A_211 = arith.constant 9.99999997E-7 : f32
    %add3A_212 = vector.broadcast %add3A_211 : f32 to vector<1x2048xf32>
    %add3A_213 = arith.addf %add3A_212, %sqrt3A_210 : vector<1x2048xf32>
    %div3A_214 = arith.constant 1.000000e+00 : f32
    %div3A_215 = vector.broadcast %div3A_214 : f32 to vector<1x2048xf32>
    %div3A_216 = arith.divf %div3A_215, %add3A_213 : vector<1x2048xf32>
    %mul3A_217 = arith.mulf %broadcast_in_dim3A_204, %div3A_216 : vector<1x2048xf32>
    %swap3A_218 = arith.constant 0 : index
    %swap3A_219 = arith.constant 0 : index
    %swap3A_220 = arith.constant 12288 : index
    %swap3A_221 = vector.load %arg3[%swap3A_218, %swap3A_219, %swap3A_220] : memref<1x1x16384xf32, #tpu.memory_space<vmem>>, vector<1x1x2048xf32>
    %swap3A_222 = vector.shape_cast %swap3A_221 : vector<1x1x2048xf32> to vector<1x2048xf32>
    %swap3A_223 = vector.shape_cast %mul3A_217 : vector<1x2048xf32> to vector<1x1x2048xf32>
    tpu.vector_store %arg3[%swap3A_218, %swap3A_219, %swap3A_220], %swap3A_223 {strides = array<i32>} : memref<1x1x16384xf32, #tpu.memory_space<vmem>>, vector<1x1x2048xf32>,
    %iota3A_224 = tpu.iota {dimensions = array<i32: 1>} : vector<175x2048xi32>
    %add3A_225 = arith.constant 14336 : i32
    %add3A_226 = vector.broadcast %add3A_225 : i32 to vector<175x2048xi32>
    %add3A_227 = arith.addi %iota3A_224, %add3A_226 : vector<175x2048xi32>
    %eq3A_228 = vector.broadcast %get3A_3 : vector<175x1xi32> to vector<175x2048xi32>
    %eq3A_229 = arith.cmpi eq, %eq3A_228, %add3A_227 : vector<175x2048xi32>
    %jit3A_230 = arith.constant 1.000000e+00 : f32
    %jit3A_231 = arith.constant 0.000000e+00 : f32
    %broadcast_in_dim3A_232 = vector.broadcast %jit3A_230 : f32 to vector<175x2048xf32>
    %broadcast_in_dim3A_233 = vector.broadcast %jit3A_231 : f32 to vector<175x2048xf32>
    %select_n3A_234 = arith.select %eq3A_229, %broadcast_in_dim3A_232, %broadcast_in_dim3A_233 : vector<175x2048xi1>, vector<175x2048xf32>
    %reduce_sum3A_235 = arith.constant dense<0.000000e+00> : vector<2048xf32>
    %reduce_sum3A_236 = vector.multi_reduction <add>, %select_n3A_234, %reduce_sum3A_235 [0] : vector<175x2048xf32> to vector<2048xf32>
    %broadcast_in_dim3A_237 = vector.shape_cast %reduce_sum3A_236 : vector<2048xf32> to vector<1x2048xf32>
    %get3A_238 = arith.constant 0 : index
    %get3A_239 = arith.constant 0 : index
    %get3A_240 = arith.constant 14336 : index
    %get3A_241 = vector.load %arg2[%get3A_238, %get3A_239, %get3A_240] : memref<1x1x16384xf32, #tpu.memory_space<vmem>>, vector<1x1x2048xf32>
    %get3A_242 = vector.shape_cast %get3A_241 : vector<1x1x2048xf32> to vector<1x2048xf32>
    %sqrt3A_243 = math.sqrt %get3A_242 : vector<1x2048xf32>
    %add3A_244 = arith.constant 9.99999997E-7 : f32
    %add3A_245 = vector.broadcast %add3A_244 : f32 to vector<1x2048xf32>
    %add3A_246 = arith.addf %add3A_245, %sqrt3A_243 : vector<1x2048xf32>
    %div3A_247 = arith.constant 1.000000e+00 : f32
    %div3A_248 = vector.broadcast %div3A_247 : f32 to vector<1x2048xf32>
    %div3A_249 = arith.divf %div3A_248, %add3A_246 : vector<1x2048xf32>
    %mul3A_250 = arith.mulf %broadcast_in_dim3A_237, %div3A_249 : vector<1x2048xf32>
    %swap3A_251 = arith.constant 0 : index
    %swap3A_252 = arith.constant 0 : index
    %swap3A_253 = arith.constant 14336 : index
    %swap3A_254 = vector.load %arg3[%swap3A_251, %swap3A_252, %swap3A_253] : memref<1x1x16384xf32, #tpu.memory_space<vmem>>, vector<1x1x2048xf32>
    %swap3A_255 = vector.shape_cast %swap3A_254 : vector<1x1x2048xf32> to vector<1x2048xf32>
    %swap3A_256 = vector.shape_cast %mul3A_250 : vector<1x2048xf32> to vector<1x1x2048xf32>
    tpu.vector_store %arg3[%swap3A_251, %swap3A_252, %swap3A_253], %swap3A_256 {strides = array<i32>} : memref<1x1x16384xf32, #tpu.memory_space<vmem>>, vector<1x1x2048xf32>,
    return
  }
  func.func @transform_0(%arg0: i32) -> (i32, i32, i32) {
    %c0_i32 = arith.constant 0 : i32
    %c0_i32_0 = arith.constant 0 : i32
    %c0_i32_1 = arith.constant 0 : i32
    return %arg0, %c0_i32, %c0_i32_0 : i32, i32, i32
  }
  func.func @transform_1(%arg0: i32) -> (i32, i32, i32) {
    %jit3A = arith.constant 2 : i32
    %div3A = arith.divsi %arg0, %jit3A : i32
    %sign3A = arith.constant 0 : i32
    %sign3A_0 = arith.cmpi sgt, %arg0, %sign3A : i32
    %sign3A_1 = arith.extui %sign3A_0 : i1 to i32
    %sign3A_2 = arith.constant 0 : i32
    %sign3A_3 = arith.cmpi slt, %arg0, %sign3A_2 : i32
    %sign3A_4 = arith.extui %sign3A_3 : i1 to i32
    %sign3A_5 = arith.subi %sign3A_1, %sign3A_4 : i32
    %sign3A_6 = arith.constant 0 : i32
    %sign3A_7 = arith.cmpi sgt, %jit3A, %sign3A_6 : i32
    %sign3A_8 = arith.extui %sign3A_7 : i1 to i32
    %sign3A_9 = arith.constant 0 : i32
    %sign3A_10 = arith.cmpi slt, %jit3A, %sign3A_9 : i32
    %sign3A_11 = arith.extui %sign3A_10 : i1 to i32
    %sign3A_12 = arith.subi %sign3A_8, %sign3A_11 : i32
    %ne3A = arith.cmpi ne, %sign3A_5, %sign3A_12 : i32
    %rem3A = arith.remsi %arg0, %jit3A : i32
    %ne3A_13 = arith.constant 0 : i32
    %ne3A_14 = arith.cmpi ne, %rem3A, %ne3A_13 : i32
    %and3A = arith.andi %ne3A, %ne3A_14 : i1
    %sub3A = arith.constant 1 : i32
    %sub3A_15 = arith.subi %div3A, %sub3A : i32
    %select_n3A = arith.select %and3A, %sub3A_15, %div3A : i32
    %jit3A_16 = arith.constant 4 : i32
    %eq3A = arith.constant 0 : i32
    %eq3A_17 = arith.cmpi eq, %jit3A_16, %eq3A : i32
    %jit3A_18 = arith.constant 1 : i32
    %select_n3A_19 = arith.select %eq3A_17, %jit3A_18, %jit3A_16 : i32
    %rem3A_20 = arith.remsi %select_n3A, %select_n3A_19 : i32
    %ne3A_21 = arith.constant 0 : i32
    %ne3A_22 = arith.cmpi ne, %rem3A_20, %ne3A_21 : i32
    %lt3A = arith.constant 0 : i32
    %lt3A_23 = arith.cmpi slt, %rem3A_20, %lt3A : i32
    %lt3A_24 = arith.constant 0 : i32
    %lt3A_25 = arith.cmpi slt, %select_n3A_19, %lt3A_24 : i32
    %ne3A_26 = arith.xori %lt3A_23, %lt3A_25 : i1
    %and3A_27 = arith.andi %ne3A_26, %ne3A_22 : i1
    %add3A = arith.addi %rem3A_20, %select_n3A_19 : i32
    %select_n3A_28 = arith.select %and3A_27, %add3A, %rem3A_20 : i32
    %c0_i32 = arith.constant 0 : i32
    %c0_i32_29 = arith.constant 0 : i32
    %c0_i32_30 = arith.constant 0 : i32
    return %select_n3A_28, %c0_i32, %c0_i32_29 : i32, i32, i32
  }
  func.func @transform_2(%arg0: i32) -> (i32, i32, i32) {
    %c0_i32 = arith.constant 0 : i32
    %c0_i32_0 = arith.constant 0 : i32
    %c0_i32_1 = arith.constant 0 : i32
    return %arg0, %c0_i32, %c0_i32_0 : i32, i32, i32
  }
}

module attributes {stable_mosaic.version = 14 : i64} {
  func.func @_hist_kernel(%arg0: i32, %arg1: memref<1x75x1xi32, #tpu.memory_space<vmem>>, %arg2: memref<1x1x16384xf32, #tpu.memory_space<vmem>>, %arg3: memref<1x1x16384xf32, #tpu.memory_space<vmem>>) attributes {dimension_semantics = [#tpu.dimension_semantics<arbitrary>], iteration_bounds = array<i64: 152>, scalar_prefetch = 0 : i64, scratch_operands = 0 : i64, tpu.core_type = #tpu.core_type<tc>, window_params = [{transform_indices = @transform_0, window_bounds = array<i64: 1, 75, 1>}, {transform_indices = @transform_1, window_bounds = array<i64: 1, 1, 16384>}, {transform_indices = @transform_2, window_bounds = array<i64: 1, 1, 16384>}]} {
    %get3A = arith.constant 0 : index
    %get3A_0 = arith.constant 0 : index
    %get3A_1 = arith.constant 0 : index
    %get3A_2 = vector.load %arg1[%get3A, %get3A_0, %get3A_1] : memref<1x75x1xi32, #tpu.memory_space<vmem>>, vector<1x75x1xi32>
    %get3A_3 = vector.shape_cast %get3A_2 : vector<1x75x1xi32> to vector<75x1xi32>
    %iota3A = tpu.iota {dimensions = array<i32: 1>} : vector<75x2048xi32>
    %add3A = arith.constant 0 : i32
    %add3A_4 = vector.broadcast %add3A : i32 to vector<75x2048xi32>
    %add3A_5 = arith.addi %iota3A, %add3A_4 : vector<75x2048xi32>
    %eq3A = vector.broadcast %get3A_3 : vector<75x1xi32> to vector<75x2048xi32>
    %eq3A_6 = arith.cmpi eq, %eq3A, %add3A_5 : vector<75x2048xi32>
    %jit3A = arith.constant 1.000000e+00 : f32
    %jit3A_7 = arith.constant 0.000000e+00 : f32
    %broadcast_in_dim3A = vector.broadcast %jit3A : f32 to vector<75x2048xf32>
    %broadcast_in_dim3A_8 = vector.broadcast %jit3A_7 : f32 to vector<75x2048xf32>
    %select_n3A = arith.select %eq3A_6, %broadcast_in_dim3A, %broadcast_in_dim3A_8 : vector<75x2048xi1>, vector<75x2048xf32>
    %reduce_sum3A = arith.constant dense<0.000000e+00> : vector<2048xf32>
    %reduce_sum3A_9 = vector.multi_reduction <add>, %select_n3A, %reduce_sum3A [0] : vector<75x2048xf32> to vector<2048xf32>
    %broadcast_in_dim3A_10 = vector.shape_cast %reduce_sum3A_9 : vector<2048xf32> to vector<1x2048xf32>
    %get3A_11 = arith.constant 0 : index
    %get3A_12 = arith.constant 0 : index
    %get3A_13 = arith.constant 0 : index
    %get3A_14 = vector.load %arg2[%get3A_11, %get3A_12, %get3A_13] : memref<1x1x16384xf32, #tpu.memory_space<vmem>>, vector<1x1x2048xf32>
    %get3A_15 = vector.shape_cast %get3A_14 : vector<1x1x2048xf32> to vector<1x2048xf32>
    %sqrt3A = math.sqrt %get3A_15 : vector<1x2048xf32>
    %add3A_16 = arith.constant 9.99999997E-7 : f32
    %add3A_17 = vector.broadcast %add3A_16 : f32 to vector<1x2048xf32>
    %add3A_18 = arith.addf %add3A_17, %sqrt3A : vector<1x2048xf32>
    %div3A = arith.constant 1.000000e+00 : f32
    %div3A_19 = vector.broadcast %div3A : f32 to vector<1x2048xf32>
    %div3A_20 = arith.divf %div3A_19, %add3A_18 : vector<1x2048xf32>
    %mul3A = arith.mulf %broadcast_in_dim3A_10, %div3A_20 : vector<1x2048xf32>
    %swap3A = arith.constant 0 : index
    %swap3A_21 = arith.constant 0 : index
    %swap3A_22 = arith.constant 0 : index
    %swap3A_23 = vector.load %arg3[%swap3A, %swap3A_21, %swap3A_22] : memref<1x1x16384xf32, #tpu.memory_space<vmem>>, vector<1x1x2048xf32>
    %swap3A_24 = vector.shape_cast %swap3A_23 : vector<1x1x2048xf32> to vector<1x2048xf32>
    %swap3A_25 = vector.shape_cast %mul3A : vector<1x2048xf32> to vector<1x1x2048xf32>
    tpu.vector_store %arg3[%swap3A, %swap3A_21, %swap3A_22], %swap3A_25 {strides = array<i32>} : memref<1x1x16384xf32, #tpu.memory_space<vmem>>, vector<1x1x2048xf32>,
    %iota3A_26 = tpu.iota {dimensions = array<i32: 1>} : vector<75x2048xi32>
    %add3A_27 = arith.constant 2048 : i32
    %add3A_28 = vector.broadcast %add3A_27 : i32 to vector<75x2048xi32>
    %add3A_29 = arith.addi %iota3A_26, %add3A_28 : vector<75x2048xi32>
    %eq3A_30 = vector.broadcast %get3A_3 : vector<75x1xi32> to vector<75x2048xi32>
    %eq3A_31 = arith.cmpi eq, %eq3A_30, %add3A_29 : vector<75x2048xi32>
    %jit3A_32 = arith.constant 1.000000e+00 : f32
    %jit3A_33 = arith.constant 0.000000e+00 : f32
    %broadcast_in_dim3A_34 = vector.broadcast %jit3A_32 : f32 to vector<75x2048xf32>
    %broadcast_in_dim3A_35 = vector.broadcast %jit3A_33 : f32 to vector<75x2048xf32>
    %select_n3A_36 = arith.select %eq3A_31, %broadcast_in_dim3A_34, %broadcast_in_dim3A_35 : vector<75x2048xi1>, vector<75x2048xf32>
    %reduce_sum3A_37 = arith.constant dense<0.000000e+00> : vector<2048xf32>
    %reduce_sum3A_38 = vector.multi_reduction <add>, %select_n3A_36, %reduce_sum3A_37 [0] : vector<75x2048xf32> to vector<2048xf32>
    %broadcast_in_dim3A_39 = vector.shape_cast %reduce_sum3A_38 : vector<2048xf32> to vector<1x2048xf32>
    %get3A_40 = arith.constant 0 : index
    %get3A_41 = arith.constant 0 : index
    %get3A_42 = arith.constant 2048 : index
    %get3A_43 = vector.load %arg2[%get3A_40, %get3A_41, %get3A_42] : memref<1x1x16384xf32, #tpu.memory_space<vmem>>, vector<1x1x2048xf32>
    %get3A_44 = vector.shape_cast %get3A_43 : vector<1x1x2048xf32> to vector<1x2048xf32>
    %sqrt3A_45 = math.sqrt %get3A_44 : vector<1x2048xf32>
    %add3A_46 = arith.constant 9.99999997E-7 : f32
    %add3A_47 = vector.broadcast %add3A_46 : f32 to vector<1x2048xf32>
    %add3A_48 = arith.addf %add3A_47, %sqrt3A_45 : vector<1x2048xf32>
    %div3A_49 = arith.constant 1.000000e+00 : f32
    %div3A_50 = vector.broadcast %div3A_49 : f32 to vector<1x2048xf32>
    %div3A_51 = arith.divf %div3A_50, %add3A_48 : vector<1x2048xf32>
    %mul3A_52 = arith.mulf %broadcast_in_dim3A_39, %div3A_51 : vector<1x2048xf32>
    %swap3A_53 = arith.constant 0 : index
    %swap3A_54 = arith.constant 0 : index
    %swap3A_55 = arith.constant 2048 : index
    %swap3A_56 = vector.load %arg3[%swap3A_53, %swap3A_54, %swap3A_55] : memref<1x1x16384xf32, #tpu.memory_space<vmem>>, vector<1x1x2048xf32>
    %swap3A_57 = vector.shape_cast %swap3A_56 : vector<1x1x2048xf32> to vector<1x2048xf32>
    %swap3A_58 = vector.shape_cast %mul3A_52 : vector<1x2048xf32> to vector<1x1x2048xf32>
    tpu.vector_store %arg3[%swap3A_53, %swap3A_54, %swap3A_55], %swap3A_58 {strides = array<i32>} : memref<1x1x16384xf32, #tpu.memory_space<vmem>>, vector<1x1x2048xf32>,
    %iota3A_59 = tpu.iota {dimensions = array<i32: 1>} : vector<75x2048xi32>
    %add3A_60 = arith.constant 4096 : i32
    %add3A_61 = vector.broadcast %add3A_60 : i32 to vector<75x2048xi32>
    %add3A_62 = arith.addi %iota3A_59, %add3A_61 : vector<75x2048xi32>
    %eq3A_63 = vector.broadcast %get3A_3 : vector<75x1xi32> to vector<75x2048xi32>
    %eq3A_64 = arith.cmpi eq, %eq3A_63, %add3A_62 : vector<75x2048xi32>
    %jit3A_65 = arith.constant 1.000000e+00 : f32
    %jit3A_66 = arith.constant 0.000000e+00 : f32
    %broadcast_in_dim3A_67 = vector.broadcast %jit3A_65 : f32 to vector<75x2048xf32>
    %broadcast_in_dim3A_68 = vector.broadcast %jit3A_66 : f32 to vector<75x2048xf32>
    %select_n3A_69 = arith.select %eq3A_64, %broadcast_in_dim3A_67, %broadcast_in_dim3A_68 : vector<75x2048xi1>, vector<75x2048xf32>
    %reduce_sum3A_70 = arith.constant dense<0.000000e+00> : vector<2048xf32>
    %reduce_sum3A_71 = vector.multi_reduction <add>, %select_n3A_69, %reduce_sum3A_70 [0] : vector<75x2048xf32> to vector<2048xf32>
    %broadcast_in_dim3A_72 = vector.shape_cast %reduce_sum3A_71 : vector<2048xf32> to vector<1x2048xf32>
    %get3A_73 = arith.constant 0 : index
    %get3A_74 = arith.constant 0 : index
    %get3A_75 = arith.constant 4096 : index
    %get3A_76 = vector.load %arg2[%get3A_73, %get3A_74, %get3A_75] : memref<1x1x16384xf32, #tpu.memory_space<vmem>>, vector<1x1x2048xf32>
    %get3A_77 = vector.shape_cast %get3A_76 : vector<1x1x2048xf32> to vector<1x2048xf32>
    %sqrt3A_78 = math.sqrt %get3A_77 : vector<1x2048xf32>
    %add3A_79 = arith.constant 9.99999997E-7 : f32
    %add3A_80 = vector.broadcast %add3A_79 : f32 to vector<1x2048xf32>
    %add3A_81 = arith.addf %add3A_80, %sqrt3A_78 : vector<1x2048xf32>
    %div3A_82 = arith.constant 1.000000e+00 : f32
    %div3A_83 = vector.broadcast %div3A_82 : f32 to vector<1x2048xf32>
    %div3A_84 = arith.divf %div3A_83, %add3A_81 : vector<1x2048xf32>
    %mul3A_85 = arith.mulf %broadcast_in_dim3A_72, %div3A_84 : vector<1x2048xf32>
    %swap3A_86 = arith.constant 0 : index
    %swap3A_87 = arith.constant 0 : index
    %swap3A_88 = arith.constant 4096 : index
    %swap3A_89 = vector.load %arg3[%swap3A_86, %swap3A_87, %swap3A_88] : memref<1x1x16384xf32, #tpu.memory_space<vmem>>, vector<1x1x2048xf32>
    %swap3A_90 = vector.shape_cast %swap3A_89 : vector<1x1x2048xf32> to vector<1x2048xf32>
    %swap3A_91 = vector.shape_cast %mul3A_85 : vector<1x2048xf32> to vector<1x1x2048xf32>
    tpu.vector_store %arg3[%swap3A_86, %swap3A_87, %swap3A_88], %swap3A_91 {strides = array<i32>} : memref<1x1x16384xf32, #tpu.memory_space<vmem>>, vector<1x1x2048xf32>,
    %iota3A_92 = tpu.iota {dimensions = array<i32: 1>} : vector<75x2048xi32>
    %add3A_93 = arith.constant 6144 : i32
    %add3A_94 = vector.broadcast %add3A_93 : i32 to vector<75x2048xi32>
    %add3A_95 = arith.addi %iota3A_92, %add3A_94 : vector<75x2048xi32>
    %eq3A_96 = vector.broadcast %get3A_3 : vector<75x1xi32> to vector<75x2048xi32>
    %eq3A_97 = arith.cmpi eq, %eq3A_96, %add3A_95 : vector<75x2048xi32>
    %jit3A_98 = arith.constant 1.000000e+00 : f32
    %jit3A_99 = arith.constant 0.000000e+00 : f32
    %broadcast_in_dim3A_100 = vector.broadcast %jit3A_98 : f32 to vector<75x2048xf32>
    %broadcast_in_dim3A_101 = vector.broadcast %jit3A_99 : f32 to vector<75x2048xf32>
    %select_n3A_102 = arith.select %eq3A_97, %broadcast_in_dim3A_100, %broadcast_in_dim3A_101 : vector<75x2048xi1>, vector<75x2048xf32>
    %reduce_sum3A_103 = arith.constant dense<0.000000e+00> : vector<2048xf32>
    %reduce_sum3A_104 = vector.multi_reduction <add>, %select_n3A_102, %reduce_sum3A_103 [0] : vector<75x2048xf32> to vector<2048xf32>
    %broadcast_in_dim3A_105 = vector.shape_cast %reduce_sum3A_104 : vector<2048xf32> to vector<1x2048xf32>
    %get3A_106 = arith.constant 0 : index
    %get3A_107 = arith.constant 0 : index
    %get3A_108 = arith.constant 6144 : index
    %get3A_109 = vector.load %arg2[%get3A_106, %get3A_107, %get3A_108] : memref<1x1x16384xf32, #tpu.memory_space<vmem>>, vector<1x1x2048xf32>
    %get3A_110 = vector.shape_cast %get3A_109 : vector<1x1x2048xf32> to vector<1x2048xf32>
    %sqrt3A_111 = math.sqrt %get3A_110 : vector<1x2048xf32>
    %add3A_112 = arith.constant 9.99999997E-7 : f32
    %add3A_113 = vector.broadcast %add3A_112 : f32 to vector<1x2048xf32>
    %add3A_114 = arith.addf %add3A_113, %sqrt3A_111 : vector<1x2048xf32>
    %div3A_115 = arith.constant 1.000000e+00 : f32
    %div3A_116 = vector.broadcast %div3A_115 : f32 to vector<1x2048xf32>
    %div3A_117 = arith.divf %div3A_116, %add3A_114 : vector<1x2048xf32>
    %mul3A_118 = arith.mulf %broadcast_in_dim3A_105, %div3A_117 : vector<1x2048xf32>
    %swap3A_119 = arith.constant 0 : index
    %swap3A_120 = arith.constant 0 : index
    %swap3A_121 = arith.constant 6144 : index
    %swap3A_122 = vector.load %arg3[%swap3A_119, %swap3A_120, %swap3A_121] : memref<1x1x16384xf32, #tpu.memory_space<vmem>>, vector<1x1x2048xf32>
    %swap3A_123 = vector.shape_cast %swap3A_122 : vector<1x1x2048xf32> to vector<1x2048xf32>
    %swap3A_124 = vector.shape_cast %mul3A_118 : vector<1x2048xf32> to vector<1x1x2048xf32>
    tpu.vector_store %arg3[%swap3A_119, %swap3A_120, %swap3A_121], %swap3A_124 {strides = array<i32>} : memref<1x1x16384xf32, #tpu.memory_space<vmem>>, vector<1x1x2048xf32>,
    %iota3A_125 = tpu.iota {dimensions = array<i32: 1>} : vector<75x2048xi32>
    %add3A_126 = arith.constant 8192 : i32
    %add3A_127 = vector.broadcast %add3A_126 : i32 to vector<75x2048xi32>
    %add3A_128 = arith.addi %iota3A_125, %add3A_127 : vector<75x2048xi32>
    %eq3A_129 = vector.broadcast %get3A_3 : vector<75x1xi32> to vector<75x2048xi32>
    %eq3A_130 = arith.cmpi eq, %eq3A_129, %add3A_128 : vector<75x2048xi32>
    %jit3A_131 = arith.constant 1.000000e+00 : f32
    %jit3A_132 = arith.constant 0.000000e+00 : f32
    %broadcast_in_dim3A_133 = vector.broadcast %jit3A_131 : f32 to vector<75x2048xf32>
    %broadcast_in_dim3A_134 = vector.broadcast %jit3A_132 : f32 to vector<75x2048xf32>
    %select_n3A_135 = arith.select %eq3A_130, %broadcast_in_dim3A_133, %broadcast_in_dim3A_134 : vector<75x2048xi1>, vector<75x2048xf32>
    %reduce_sum3A_136 = arith.constant dense<0.000000e+00> : vector<2048xf32>
    %reduce_sum3A_137 = vector.multi_reduction <add>, %select_n3A_135, %reduce_sum3A_136 [0] : vector<75x2048xf32> to vector<2048xf32>
    %broadcast_in_dim3A_138 = vector.shape_cast %reduce_sum3A_137 : vector<2048xf32> to vector<1x2048xf32>
    %get3A_139 = arith.constant 0 : index
    %get3A_140 = arith.constant 0 : index
    %get3A_141 = arith.constant 8192 : index
    %get3A_142 = vector.load %arg2[%get3A_139, %get3A_140, %get3A_141] : memref<1x1x16384xf32, #tpu.memory_space<vmem>>, vector<1x1x2048xf32>
    %get3A_143 = vector.shape_cast %get3A_142 : vector<1x1x2048xf32> to vector<1x2048xf32>
    %sqrt3A_144 = math.sqrt %get3A_143 : vector<1x2048xf32>
    %add3A_145 = arith.constant 9.99999997E-7 : f32
    %add3A_146 = vector.broadcast %add3A_145 : f32 to vector<1x2048xf32>
    %add3A_147 = arith.addf %add3A_146, %sqrt3A_144 : vector<1x2048xf32>
    %div3A_148 = arith.constant 1.000000e+00 : f32
    %div3A_149 = vector.broadcast %div3A_148 : f32 to vector<1x2048xf32>
    %div3A_150 = arith.divf %div3A_149, %add3A_147 : vector<1x2048xf32>
    %mul3A_151 = arith.mulf %broadcast_in_dim3A_138, %div3A_150 : vector<1x2048xf32>
    %swap3A_152 = arith.constant 0 : index
    %swap3A_153 = arith.constant 0 : index
    %swap3A_154 = arith.constant 8192 : index
    %swap3A_155 = vector.load %arg3[%swap3A_152, %swap3A_153, %swap3A_154] : memref<1x1x16384xf32, #tpu.memory_space<vmem>>, vector<1x1x2048xf32>
    %swap3A_156 = vector.shape_cast %swap3A_155 : vector<1x1x2048xf32> to vector<1x2048xf32>
    %swap3A_157 = vector.shape_cast %mul3A_151 : vector<1x2048xf32> to vector<1x1x2048xf32>
    tpu.vector_store %arg3[%swap3A_152, %swap3A_153, %swap3A_154], %swap3A_157 {strides = array<i32>} : memref<1x1x16384xf32, #tpu.memory_space<vmem>>, vector<1x1x2048xf32>,
    %iota3A_158 = tpu.iota {dimensions = array<i32: 1>} : vector<75x2048xi32>
    %add3A_159 = arith.constant 10240 : i32
    %add3A_160 = vector.broadcast %add3A_159 : i32 to vector<75x2048xi32>
    %add3A_161 = arith.addi %iota3A_158, %add3A_160 : vector<75x2048xi32>
    %eq3A_162 = vector.broadcast %get3A_3 : vector<75x1xi32> to vector<75x2048xi32>
    %eq3A_163 = arith.cmpi eq, %eq3A_162, %add3A_161 : vector<75x2048xi32>
    %jit3A_164 = arith.constant 1.000000e+00 : f32
    %jit3A_165 = arith.constant 0.000000e+00 : f32
    %broadcast_in_dim3A_166 = vector.broadcast %jit3A_164 : f32 to vector<75x2048xf32>
    %broadcast_in_dim3A_167 = vector.broadcast %jit3A_165 : f32 to vector<75x2048xf32>
    %select_n3A_168 = arith.select %eq3A_163, %broadcast_in_dim3A_166, %broadcast_in_dim3A_167 : vector<75x2048xi1>, vector<75x2048xf32>
    %reduce_sum3A_169 = arith.constant dense<0.000000e+00> : vector<2048xf32>
    %reduce_sum3A_170 = vector.multi_reduction <add>, %select_n3A_168, %reduce_sum3A_169 [0] : vector<75x2048xf32> to vector<2048xf32>
    %broadcast_in_dim3A_171 = vector.shape_cast %reduce_sum3A_170 : vector<2048xf32> to vector<1x2048xf32>
    %get3A_172 = arith.constant 0 : index
    %get3A_173 = arith.constant 0 : index
    %get3A_174 = arith.constant 10240 : index
    %get3A_175 = vector.load %arg2[%get3A_172, %get3A_173, %get3A_174] : memref<1x1x16384xf32, #tpu.memory_space<vmem>>, vector<1x1x2048xf32>
    %get3A_176 = vector.shape_cast %get3A_175 : vector<1x1x2048xf32> to vector<1x2048xf32>
    %sqrt3A_177 = math.sqrt %get3A_176 : vector<1x2048xf32>
    %add3A_178 = arith.constant 9.99999997E-7 : f32
    %add3A_179 = vector.broadcast %add3A_178 : f32 to vector<1x2048xf32>
    %add3A_180 = arith.addf %add3A_179, %sqrt3A_177 : vector<1x2048xf32>
    %div3A_181 = arith.constant 1.000000e+00 : f32
    %div3A_182 = vector.broadcast %div3A_181 : f32 to vector<1x2048xf32>
    %div3A_183 = arith.divf %div3A_182, %add3A_180 : vector<1x2048xf32>
    %mul3A_184 = arith.mulf %broadcast_in_dim3A_171, %div3A_183 : vector<1x2048xf32>
    %swap3A_185 = arith.constant 0 : index
    %swap3A_186 = arith.constant 0 : index
    %swap3A_187 = arith.constant 10240 : index
    %swap3A_188 = vector.load %arg3[%swap3A_185, %swap3A_186, %swap3A_187] : memref<1x1x16384xf32, #tpu.memory_space<vmem>>, vector<1x1x2048xf32>
    %swap3A_189 = vector.shape_cast %swap3A_188 : vector<1x1x2048xf32> to vector<1x2048xf32>
    %swap3A_190 = vector.shape_cast %mul3A_184 : vector<1x2048xf32> to vector<1x1x2048xf32>
    tpu.vector_store %arg3[%swap3A_185, %swap3A_186, %swap3A_187], %swap3A_190 {strides = array<i32>} : memref<1x1x16384xf32, #tpu.memory_space<vmem>>, vector<1x1x2048xf32>,
    %iota3A_191 = tpu.iota {dimensions = array<i32: 1>} : vector<75x2048xi32>
    %add3A_192 = arith.constant 12288 : i32
    %add3A_193 = vector.broadcast %add3A_192 : i32 to vector<75x2048xi32>
    %add3A_194 = arith.addi %iota3A_191, %add3A_193 : vector<75x2048xi32>
    %eq3A_195 = vector.broadcast %get3A_3 : vector<75x1xi32> to vector<75x2048xi32>
    %eq3A_196 = arith.cmpi eq, %eq3A_195, %add3A_194 : vector<75x2048xi32>
    %jit3A_197 = arith.constant 1.000000e+00 : f32
    %jit3A_198 = arith.constant 0.000000e+00 : f32
    %broadcast_in_dim3A_199 = vector.broadcast %jit3A_197 : f32 to vector<75x2048xf32>
    %broadcast_in_dim3A_200 = vector.broadcast %jit3A_198 : f32 to vector<75x2048xf32>
    %select_n3A_201 = arith.select %eq3A_196, %broadcast_in_dim3A_199, %broadcast_in_dim3A_200 : vector<75x2048xi1>, vector<75x2048xf32>
    %reduce_sum3A_202 = arith.constant dense<0.000000e+00> : vector<2048xf32>
    %reduce_sum3A_203 = vector.multi_reduction <add>, %select_n3A_201, %reduce_sum3A_202 [0] : vector<75x2048xf32> to vector<2048xf32>
    %broadcast_in_dim3A_204 = vector.shape_cast %reduce_sum3A_203 : vector<2048xf32> to vector<1x2048xf32>
    %get3A_205 = arith.constant 0 : index
    %get3A_206 = arith.constant 0 : index
    %get3A_207 = arith.constant 12288 : index
    %get3A_208 = vector.load %arg2[%get3A_205, %get3A_206, %get3A_207] : memref<1x1x16384xf32, #tpu.memory_space<vmem>>, vector<1x1x2048xf32>
    %get3A_209 = vector.shape_cast %get3A_208 : vector<1x1x2048xf32> to vector<1x2048xf32>
    %sqrt3A_210 = math.sqrt %get3A_209 : vector<1x2048xf32>
    %add3A_211 = arith.constant 9.99999997E-7 : f32
    %add3A_212 = vector.broadcast %add3A_211 : f32 to vector<1x2048xf32>
    %add3A_213 = arith.addf %add3A_212, %sqrt3A_210 : vector<1x2048xf32>
    %div3A_214 = arith.constant 1.000000e+00 : f32
    %div3A_215 = vector.broadcast %div3A_214 : f32 to vector<1x2048xf32>
    %div3A_216 = arith.divf %div3A_215, %add3A_213 : vector<1x2048xf32>
    %mul3A_217 = arith.mulf %broadcast_in_dim3A_204, %div3A_216 : vector<1x2048xf32>
    %swap3A_218 = arith.constant 0 : index
    %swap3A_219 = arith.constant 0 : index
    %swap3A_220 = arith.constant 12288 : index
    %swap3A_221 = vector.load %arg3[%swap3A_218, %swap3A_219, %swap3A_220] : memref<1x1x16384xf32, #tpu.memory_space<vmem>>, vector<1x1x2048xf32>
    %swap3A_222 = vector.shape_cast %swap3A_221 : vector<1x1x2048xf32> to vector<1x2048xf32>
    %swap3A_223 = vector.shape_cast %mul3A_217 : vector<1x2048xf32> to vector<1x1x2048xf32>
    tpu.vector_store %arg3[%swap3A_218, %swap3A_219, %swap3A_220], %swap3A_223 {strides = array<i32>} : memref<1x1x16384xf32, #tpu.memory_space<vmem>>, vector<1x1x2048xf32>,
    %iota3A_224 = tpu.iota {dimensions = array<i32: 1>} : vector<75x2048xi32>
    %add3A_225 = arith.constant 14336 : i32
    %add3A_226 = vector.broadcast %add3A_225 : i32 to vector<75x2048xi32>
    %add3A_227 = arith.addi %iota3A_224, %add3A_226 : vector<75x2048xi32>
    %eq3A_228 = vector.broadcast %get3A_3 : vector<75x1xi32> to vector<75x2048xi32>
    %eq3A_229 = arith.cmpi eq, %eq3A_228, %add3A_227 : vector<75x2048xi32>
    %jit3A_230 = arith.constant 1.000000e+00 : f32
    %jit3A_231 = arith.constant 0.000000e+00 : f32
    %broadcast_in_dim3A_232 = vector.broadcast %jit3A_230 : f32 to vector<75x2048xf32>
    %broadcast_in_dim3A_233 = vector.broadcast %jit3A_231 : f32 to vector<75x2048xf32>
    %select_n3A_234 = arith.select %eq3A_229, %broadcast_in_dim3A_232, %broadcast_in_dim3A_233 : vector<75x2048xi1>, vector<75x2048xf32>
    %reduce_sum3A_235 = arith.constant dense<0.000000e+00> : vector<2048xf32>
    %reduce_sum3A_236 = vector.multi_reduction <add>, %select_n3A_234, %reduce_sum3A_235 [0] : vector<75x2048xf32> to vector<2048xf32>
    %broadcast_in_dim3A_237 = vector.shape_cast %reduce_sum3A_236 : vector<2048xf32> to vector<1x2048xf32>
    %get3A_238 = arith.constant 0 : index
    %get3A_239 = arith.constant 0 : index
    %get3A_240 = arith.constant 14336 : index
    %get3A_241 = vector.load %arg2[%get3A_238, %get3A_239, %get3A_240] : memref<1x1x16384xf32, #tpu.memory_space<vmem>>, vector<1x1x2048xf32>
    %get3A_242 = vector.shape_cast %get3A_241 : vector<1x1x2048xf32> to vector<1x2048xf32>
    %sqrt3A_243 = math.sqrt %get3A_242 : vector<1x2048xf32>
    %add3A_244 = arith.constant 9.99999997E-7 : f32
    %add3A_245 = vector.broadcast %add3A_244 : f32 to vector<1x2048xf32>
    %add3A_246 = arith.addf %add3A_245, %sqrt3A_243 : vector<1x2048xf32>
    %div3A_247 = arith.constant 1.000000e+00 : f32
    %div3A_248 = vector.broadcast %div3A_247 : f32 to vector<1x2048xf32>
    %div3A_249 = arith.divf %div3A_248, %add3A_246 : vector<1x2048xf32>
    %mul3A_250 = arith.mulf %broadcast_in_dim3A_237, %div3A_249 : vector<1x2048xf32>
    %swap3A_251 = arith.constant 0 : index
    %swap3A_252 = arith.constant 0 : index
    %swap3A_253 = arith.constant 14336 : index
    %swap3A_254 = vector.load %arg3[%swap3A_251, %swap3A_252, %swap3A_253] : memref<1x1x16384xf32, #tpu.memory_space<vmem>>, vector<1x1x2048xf32>
    %swap3A_255 = vector.shape_cast %swap3A_254 : vector<1x1x2048xf32> to vector<1x2048xf32>
    %swap3A_256 = vector.shape_cast %mul3A_250 : vector<1x2048xf32> to vector<1x1x2048xf32>
    tpu.vector_store %arg3[%swap3A_251, %swap3A_252, %swap3A_253], %swap3A_256 {strides = array<i32>} : memref<1x1x16384xf32, #tpu.memory_space<vmem>>, vector<1x1x2048xf32>,
    return
  }
  func.func @transform_0(%arg0: i32) -> (i32, i32, i32) {
    %c0_i32 = arith.constant 0 : i32
    %c0_i32_0 = arith.constant 0 : i32
    %c0_i32_1 = arith.constant 0 : i32
    return %arg0, %c0_i32, %c0_i32_0 : i32, i32, i32
  }
  func.func @transform_1(%arg0: i32) -> (i32, i32, i32) {
    %jit3A = arith.constant 2 : i32
    %div3A = arith.divsi %arg0, %jit3A : i32
    %sign3A = arith.constant 0 : i32
    %sign3A_0 = arith.cmpi sgt, %arg0, %sign3A : i32
    %sign3A_1 = arith.extui %sign3A_0 : i1 to i32
    %sign3A_2 = arith.constant 0 : i32
    %sign3A_3 = arith.cmpi slt, %arg0, %sign3A_2 : i32
    %sign3A_4 = arith.extui %sign3A_3 : i1 to i32
    %sign3A_5 = arith.subi %sign3A_1, %sign3A_4 : i32
    %sign3A_6 = arith.constant 0 : i32
    %sign3A_7 = arith.cmpi sgt, %jit3A, %sign3A_6 : i32
    %sign3A_8 = arith.extui %sign3A_7 : i1 to i32
    %sign3A_9 = arith.constant 0 : i32
    %sign3A_10 = arith.cmpi slt, %jit3A, %sign3A_9 : i32
    %sign3A_11 = arith.extui %sign3A_10 : i1 to i32
    %sign3A_12 = arith.subi %sign3A_8, %sign3A_11 : i32
    %ne3A = arith.cmpi ne, %sign3A_5, %sign3A_12 : i32
    %rem3A = arith.remsi %arg0, %jit3A : i32
    %ne3A_13 = arith.constant 0 : i32
    %ne3A_14 = arith.cmpi ne, %rem3A, %ne3A_13 : i32
    %and3A = arith.andi %ne3A, %ne3A_14 : i1
    %sub3A = arith.constant 1 : i32
    %sub3A_15 = arith.subi %div3A, %sub3A : i32
    %select_n3A = arith.select %and3A, %sub3A_15, %div3A : i32
    %jit3A_16 = arith.constant 4 : i32
    %eq3A = arith.constant 0 : i32
    %eq3A_17 = arith.cmpi eq, %jit3A_16, %eq3A : i32
    %jit3A_18 = arith.constant 1 : i32
    %select_n3A_19 = arith.select %eq3A_17, %jit3A_18, %jit3A_16 : i32
    %rem3A_20 = arith.remsi %select_n3A, %select_n3A_19 : i32
    %ne3A_21 = arith.constant 0 : i32
    %ne3A_22 = arith.cmpi ne, %rem3A_20, %ne3A_21 : i32
    %lt3A = arith.constant 0 : i32
    %lt3A_23 = arith.cmpi slt, %rem3A_20, %lt3A : i32
    %lt3A_24 = arith.constant 0 : i32
    %lt3A_25 = arith.cmpi slt, %select_n3A_19, %lt3A_24 : i32
    %ne3A_26 = arith.xori %lt3A_23, %lt3A_25 : i1
    %and3A_27 = arith.andi %ne3A_26, %ne3A_22 : i1
    %add3A = arith.addi %rem3A_20, %select_n3A_19 : i32
    %select_n3A_28 = arith.select %and3A_27, %add3A, %rem3A_20 : i32
    %c0_i32 = arith.constant 0 : i32
    %c0_i32_29 = arith.constant 0 : i32
    %c0_i32_30 = arith.constant 0 : i32
    return %select_n3A_28, %c0_i32, %c0_i32_29 : i32, i32, i32
  }
  func.func @transform_2(%arg0: i32) -> (i32, i32, i32) {
    %c0_i32 = arith.constant 0 : i32
    %c0_i32_0 = arith.constant 0 : i32
    %c0_i32_1 = arith.constant 0 : i32
    return %arg0, %c0_i32, %c0_i32_0 : i32, i32, i32
  }
}

module attributes {stable_mosaic.version = 14 : i64} {
  func.func @_contract_kernel(%arg0: i32, %arg1: i32, %arg2: memref<1x256x2048xf32, #tpu.memory_space<vmem>>, %arg3: memref<19x1x2x2048xf32, #tpu.memory_space<vmem>>, %arg4: memref<19x1x2x2048xf32, #tpu.memory_space<vmem>>, %arg5: memref<1x1xf32, #tpu.memory_space<vmem>>, %arg6: memref<256x76xf32, #tpu.memory_space<vmem>>) attributes {dimension_semantics = [#tpu.dimension_semantics<arbitrary>, #tpu.dimension_semantics<arbitrary>], iteration_bounds = array<i64: 4, 8>, scalar_prefetch = 0 : i64, scratch_operands = 1 : i64, tpu.core_type = #tpu.core_type<tc>, window_params = [{transform_indices = @transform_0, window_bounds = array<i64: 1, 256, 2048>}, {transform_indices = @transform_1, window_bounds = array<i64: 19, 1, 2, 2048>}, {transform_indices = @transform_2, window_bounds = array<i64: 19, 1, 2, 2048>}, {pipeline_mode = #tpu.pipeline_mode<synchronous>, transform_indices = @transform_3, window_bounds = array<i64: 1, 1>}]} {
    %get3A = arith.constant 0 : index
    %get3A_0 = arith.constant 0 : index
    %get3A_1 = arith.constant 0 : index
    %get3A_2 = vector.load %arg2[%get3A, %get3A_0, %get3A_1] : memref<1x256x2048xf32, #tpu.memory_space<vmem>>, vector<1x256x2048xf32>
    %get3A_3 = vector.shape_cast %get3A_2 : vector<1x256x2048xf32> to vector<256x2048xf32>
    %get3A_4 = arith.constant 0 : index
    %get3A_5 = arith.constant 0 : index
    %get3A_6 = arith.constant 0 : index
    %get3A_7 = arith.constant 0 : index
    %get3A_8 = vector.load %arg3[%get3A_4, %get3A_5, %get3A_6, %get3A_7] : memref<19x1x2x2048xf32, #tpu.memory_space<vmem>>, vector<19x1x2x2048xf32>
    %get3A_9 = vector.shape_cast %get3A_8 : vector<19x1x2x2048xf32> to vector<19x2x2048xf32>
    %get3A_10 = arith.constant 0 : index
    %get3A_11 = arith.constant 0 : index
    %get3A_12 = arith.constant 0 : index
    %get3A_13 = arith.constant 0 : index
    %get3A_14 = vector.load %arg4[%get3A_10, %get3A_11, %get3A_12, %get3A_13] : memref<19x1x2x2048xf32, #tpu.memory_space<vmem>>, vector<19x1x2x2048xf32>
    %get3A_15 = vector.shape_cast %get3A_14 : vector<19x1x2x2048xf32> to vector<19x2x2048xf32>
    %slice3A = vector.extract_strided_slice %get3A_9 {offsets = [0, 0, 0], sizes = [19, 1, 2048], strides = [1, 1, 1]} : vector<19x2x2048xf32> to vector<19x1x2048xf32>
    %squeeze3A = vector.shape_cast %slice3A : vector<19x1x2048xf32> to vector<19x2048xf32>
    %slice3A_16 = vector.extract_strided_slice %get3A_9 {offsets = [0, 1, 0], sizes = [19, 1, 2048], strides = [1, 1, 1]} : vector<19x2x2048xf32> to vector<19x1x2048xf32>
    %squeeze3A_17 = vector.shape_cast %slice3A_16 : vector<19x1x2048xf32> to vector<19x2048xf32>
    %slice3A_18 = vector.extract_strided_slice %get3A_15 {offsets = [0, 0, 0], sizes = [19, 1, 2048], strides = [1, 1, 1]} : vector<19x2x2048xf32> to vector<19x1x2048xf32>
    %squeeze3A_19 = vector.shape_cast %slice3A_18 : vector<19x1x2048xf32> to vector<19x2048xf32>
    %slice3A_20 = vector.extract_strided_slice %get3A_15 {offsets = [0, 1, 0], sizes = [19, 1, 2048], strides = [1, 1, 1]} : vector<19x2x2048xf32> to vector<19x1x2048xf32>
    %squeeze3A_21 = vector.shape_cast %slice3A_20 : vector<19x1x2048xf32> to vector<19x2048xf32>
    %concatenate3A = tpu.concatenate %squeeze3A, %squeeze3A_17, %squeeze3A_19, %squeeze3A_21 in 0 : vector<19x2048xf32>, vector<19x2048xf32>, vector<19x2048xf32>, vector<19x2048xf32> -> vector<76x2048xf32>
    %dot_general3A = arith.constant dense<0.000000e+00> : vector<256x76xf32>
    %dot_general3A_22 = tpu.matmul %get3A_3, %concatenate3A, %dot_general3A {dimension_numbers = #tpu.dot_dimension_numbers<[1], [1], [0], [0], [0, 0, 1, 0], [], []>, transpose_lhs_hint = false} : vector<256x2048xf32>, vector<76x2048xf32>, vector<256x76xf32> -> vector<256x76xf32>
    %eq3A = arith.constant 0 : i32
    %eq3A_23 = arith.cmpi eq, %arg0, %eq3A : i32
    %eq3A_24 = arith.constant 0 : i32
    %eq3A_25 = arith.cmpi eq, %arg1, %eq3A_24 : i32
    %and3A = arith.andi %eq3A_23, %eq3A_25 : i1
    %convert_element_type3A = arith.extui %and3A : i1 to i32
    %cond3A = arith.constant 0 : i32
    %cond3A_26 = arith.cmpi ne, %convert_element_type3A, %cond3A : i32
    scf.if %cond3A_26 {
      %swap3A = arith.constant 0 : index
      %swap3A_44 = arith.constant 0 : index
      %swap3A_45 = vector.load %arg6[%swap3A, %swap3A_44] : memref<256x76xf32, #tpu.memory_space<vmem>>, vector<256x76xf32>
      tpu.vector_store %arg6[%swap3A, %swap3A_44], %dot_general3A_22 {strides = array<i32>} : memref<256x76xf32, #tpu.memory_space<vmem>>, vector<256x76xf32>,
    } else {
    }
    %eq3A_27 = arith.constant 0 : i32
    %eq3A_28 = arith.cmpi eq, %arg0, %eq3A_27 : i32
    %eq3A_29 = arith.constant 0 : i32
    %eq3A_30 = arith.cmpi eq, %arg1, %eq3A_29 : i32
    %and3A_31 = arith.andi %eq3A_28, %eq3A_30 : i1
    %not3A = arith.constant true
    %not3A_32 = arith.xori %and3A_31, %not3A : i1
    %convert_element_type3A_33 = arith.extui %not3A_32 : i1 to i32
    %cond3A_34 = arith.constant 0 : i32
    %cond3A_35 = arith.cmpi ne, %convert_element_type3A_33, %cond3A_34 : i32
    scf.if %cond3A_35 {
      %get3A_44 = arith.constant 0 : index
      %get3A_45 = arith.constant 0 : index
      %get3A_46 = vector.load %arg6[%get3A_44, %get3A_45] : memref<256x76xf32, #tpu.memory_space<vmem>>, vector<256x76xf32>
      %add3A = arith.addf %get3A_46, %dot_general3A_22 : vector<256x76xf32>
      %swap3A = arith.constant 0 : index
      %swap3A_47 = arith.constant 0 : index
      %swap3A_48 = vector.load %arg6[%swap3A, %swap3A_47] : memref<256x76xf32, #tpu.memory_space<vmem>>, vector<256x76xf32>
      tpu.vector_store %arg6[%swap3A, %swap3A_47], %add3A {strides = array<i32>} : memref<256x76xf32, #tpu.memory_space<vmem>>, vector<256x76xf32>,
    } else {
    }
    %eq3A_36 = arith.constant 3 : i32
    %eq3A_37 = arith.cmpi eq, %arg0, %eq3A_36 : i32
    %eq3A_38 = arith.constant 7 : i32
    %eq3A_39 = arith.cmpi eq, %arg1, %eq3A_38 : i32
    %and3A_40 = arith.andi %eq3A_37, %eq3A_39 : i1
    %convert_element_type3A_41 = arith.extui %and3A_40 : i1 to i32
    %cond3A_42 = arith.constant 0 : i32
    %cond3A_43 = arith.cmpi ne, %convert_element_type3A_41, %cond3A_42 : i32
    scf.if %cond3A_43 {
      %get3A_44 = arith.constant 0 : index
      %get3A_45 = arith.constant 0 : index
      %get3A_46 = vector.load %arg6[%get3A_44, %get3A_45] : memref<256x76xf32, #tpu.memory_space<vmem>>, vector<256x76xf32>
      %slice3A_47 = vector.extract_strided_slice %get3A_46 {offsets = [0, 57], sizes = [256, 19], strides = [1, 1]} : vector<256x76xf32> to vector<256x19xf32>
      %slice3A_48 = vector.extract_strided_slice %get3A_46 {offsets = [0, 38], sizes = [256, 19], strides = [1, 1]} : vector<256x76xf32> to vector<256x19xf32>
      %sub3A = arith.subf %slice3A_47, %slice3A_48 : vector<256x19xf32>
      %slice3A_49 = vector.extract_strided_slice %get3A_46 {offsets = [0, 0], sizes = [256, 19], strides = [1, 1]} : vector<256x76xf32> to vector<256x19xf32>
      %slice3A_50 = vector.extract_strided_slice %get3A_46 {offsets = [0, 19], sizes = [256, 19], strides = [1, 1]} : vector<256x76xf32> to vector<256x19xf32>
      %sub3A_51 = arith.subf %slice3A_49, %slice3A_50 : vector<256x19xf32>
      %mul3A = arith.mulf %sub3A, %sub3A_51 : vector<256x19xf32>
      %reduce_sum3A = vector.shape_cast %mul3A : vector<256x19xf32> to vector<1x256x19xf32>
      %reduce_sum3A_52 = arith.constant dense<0.000000e+00> : vector<1xf32>
      %reduce_sum3A_53 = vector.multi_reduction <add>, %reduce_sum3A, %reduce_sum3A_52 [1, 2] : vector<1x256x19xf32> to vector<1xf32>
      %reduce_sum3A_54 = vector.shape_cast %reduce_sum3A_53 : vector<1xf32> to vector<1x1x1xf32>
      %reduce_sum3A_55 = vector.extract %reduce_sum3A_54[0, 0, 0] : f32 from vector<1x1x1xf32>
      %broadcast_in_dim3A = vector.broadcast %reduce_sum3A_55 : f32 to vector<1x1xf32>
      %div3A = arith.constant 8.400000e+05 : f32
      %div3A_56 = vector.broadcast %div3A : f32 to vector<1x1xf32>
      %div3A_57 = arith.divf %broadcast_in_dim3A, %div3A_56 : vector<1x1xf32>
      %div3A_58 = arith.constant 1.900000e+01 : f32
      %div3A_59 = vector.broadcast %div3A_58 : f32 to vector<1x1xf32>
      %div3A_60 = arith.divf %div3A_57, %div3A_59 : vector<1x1xf32>
      %swap3A = arith.constant 0 : index
      %swap3A_61 = arith.constant 0 : index
      %swap3A_62 = vector.load %arg5[%swap3A, %swap3A_61] : memref<1x1xf32, #tpu.memory_space<vmem>>, vector<1x1xf32>
      tpu.vector_store %arg5[%swap3A, %swap3A_61], %div3A_60 {strides = array<i32>} : memref<1x1xf32, #tpu.memory_space<vmem>>, vector<1x1xf32>,
    } else {
    }
    return
  }
  func.func @transform_0(%arg0: i32, %arg1: i32) -> (i32, i32, i32) {
    %c0_i32 = arith.constant 0 : i32
    %c0_i32_0 = arith.constant 0 : i32
    return %arg0, %c0_i32, %arg1 : i32, i32, i32
  }
  func.func @transform_1(%arg0: i32, %arg1: i32) -> (i32, i32, i32, i32) {
    %c0_i32 = arith.constant 0 : i32
    %c0_i32_0 = arith.constant 0 : i32
    %c0_i32_1 = arith.constant 0 : i32
    return %c0_i32, %arg0, %c0_i32_0, %arg1 : i32, i32, i32, i32
  }
  func.func @transform_2(%arg0: i32, %arg1: i32) -> (i32, i32, i32, i32) {
    %c0_i32 = arith.constant 0 : i32
    %c0_i32_0 = arith.constant 0 : i32
    %c0_i32_1 = arith.constant 0 : i32
    return %c0_i32, %arg0, %c0_i32_0, %arg1 : i32, i32, i32, i32
  }
  func.func @transform_3(%arg0: i32, %arg1: i32) -> (i32, i32) {
    %c0_i32 = arith.constant 0 : i32
    %c0_i32_0 = arith.constant 0 : i32
    %c0_i32_1 = arith.constant 0 : i32
    return %c0_i32, %c0_i32_0 : i32, i32
  }
}

</mosaic_0001>

<sc_bundles>
// kernel: gather_offload_async_start.1
scs
__scs_entry_jumppad:
0x0: {  	(pc) =	sbr.rel $0x88, $3  }
0x1: {  	(tag) =	ssettag $0x0;
	lr =	simm.s32 $0x1  }
0x2: {  	[smem:$0x3F9E] =	sst lr;
	_ =	strace $0xD0000000  }
0x3: {  	_ = 	snop  }
0x4: {  	_ = 	snop  }
0x5: {  	_ = 	snop  }
0x6: {  	_ = 	snop  }
0x7: {  	_ = 	snop  }
__scs_overlays_trampoline_lowered:
0x8: {  	[smem:$0x3FAD] =	sst s0  }
0x9: {  	[smem:$0x3FAE] =	sst s1  }
0xa: {  	[smem:$0x3FAF] =	sst s2  }
0xb: {  	[smem:$0x3FB0] =	sst s3  }
0xc: {  	[smem:$0x3FB1] =	sst s4  }
0xd: {  	[smem:$0x3FB2] =	sst s5  }
0xe: {  	[smem:$0x3FB3] =	sst s6  }
0xf: {  	[smem:$0x3FB4] =	sst s7  }
0x10: {  	[smem:$0x3FB5] =	sst s8  }
0x11: {  	[smem:$0x3FB6] =	sst s9;
	s0 =	simm.s32 @!p0 $0x0  }
0x12: {  	s1 =	sld [smem:$0x3F9C];
	s0 =	simm.s32 @p0 $0x1  }
0x13: {  	[smem:$0x3FB7] =	sst s0;
	s0 =	simm.s32 @!p1 $0x0  }
0x14: {  	s2 =	sld [smem:$0x3F9B];
	s0 =	simm.s32 @p1 $0x1  }
0x15: {  	[smem:$0x3FB8] =	sst s0;
	s0 =	simm.s32 @!p2 $0x0  }
0x16: {  	s3 =	sld [smem:$0x3FDB];
	s0 =	simm.s32 @p2 $0x1  }
0x17: {  	s4 =	simm.s32 $0x1BF5;
	[smem:$0x3FBA] =	sst s0  }
0x18: {  	s0 =	sld [smem:$0x3F9D];
	_ =	swait.ge [sflag:s4], $0x0  }
0x19: {  	s7 =	sld [smem:$0x3F9E]  }
0x1a: {  	s8 =	sadd.s32 $0xFFFFE003, lr  }
0x1b: {  	s9 =	sadd.s32 $0xFFFFFEF7, lr;
	s5 =	simm.s32 $0xFFFFFFFF;
	p2 =	slt.u32 s8, $0xFFFFF086  }
0x1c: {  	p1 =	slt.u32 s9, $0xF7A;
	s5 =	simm.s32 @!p2 $0x0  }
0x1d: {  	s5 =	simm.s32 @p1 $0x1;
	p0 =	seq.s32 s7, s2  }
0x1e: {  	s7 =	smul.u32 @!p0 $0xF7A, s2;
	p2 =	seq.s32 @!p0 s5, $0x0  }
0x1f: {  	s9 =	smul.u32 $0xF7A, s1;
	s8 =	simm.s32 @!p0 $0x1BF5;
	p2 =	por !p2, p0  }
0x20: {  	[sflag:s8] =	ssyncset.s32 @!p0 $0xFFFFF086;
	s6 =	sadd.s32 @!p0 s3, s7;
	s7 =	simm.s32 @!p0 $0x108  }
0x21: {  	s3 =	sadd.s32 s3, s9;
	s6 =	sadd.s32 @!p0 $0x88, s6;
	s7 =	simm.s32 @p2 $0x1082  }
0x22: {  	[simem:s7], [sflag:s8] =	dma.local @!p0 [hbm:s6], $0xF7A  }
0x23: {  	s9 =	sor.u32 $0xD0000000, s2;
	s6 =	simm.s32 $0x108;
	_ =	swait.ge @!p0 [sflag:s8], $0x0  }
0x24: {  	s3 =	sadd.s32 $0x88, s3;
	s6 =	simm.s32 @!p1 $0x1082;
	[sflag:s4] =	ssyncset.s32 $0xFFFFF086  }
0x25: {  	[simem:s6], [sflag:s4] =	dma.local [hbm:s3], $0xF7A  }
0x26: {  	[smem:$0x3F9E] =	sst s1;
	(tag) =	ssettag s2;
	_ =	strace s9  }
0x27: {  	s1 =	sld [smem:$0x3FAE]  }
0x28: {  	s2 =	sld [smem:$0x3FAF]  }
0x29: {  	s4 =	sld [smem:$0x3FB1]  }
0x2a: {  	p0 =	seq.s32 s5, $0x0;
	s5 =	sld [smem:$0x3FB2]  }
0x2b: {  	s6 =	sld [smem:$0x3FB3]  }
0x2c: {  	s7 =	sld [smem:$0x3FB4]  }
0x2d: {  	s3 =	simm.s32 $0x108;
	s8 =	sld [smem:$0x3FB5]  }
0x2e: {  	s3 =	simm.s32 @!p0 $0x1082;
	s9 =	sld [smem:$0x3FB6]  }
0x2f: {  	lr =	sadd.s32 s0, s3;
	s0 =	sld [smem:$0x3FAD]  }
0x30: {  	s3 =	sld [smem:$0x3FB0]  }
0x31: {  	[smem:$0x3FB9] =	sst s10  }
0x32: {  	s10 =	sld [smem:$0x3FB7];
	_ =	sdelay $0x3  }
0x33: {  	p0 =	seq.s32 s10, $0x1;
	s10 =	sld [smem:$0x3FB9];
	_ =	sdelay $0x3  }
0x34: {  	[smem:$0x3FB9] =	sst s10  }
0x35: {  	s10 =	sld [smem:$0x3FB8];
	_ =	sdelay $0x3  }
0x36: {  	p1 =	seq.s32 s10, $0x1;
	s10 =	sld [smem:$0x3FB9];
	_ =	sdelay $0x3  }
0x37: {  	[smem:$0x3FB9] =	sst s10  }
0x38: {  	s10 =	sld [smem:$0x3FBA]  }
0x39: {  	_ = 	snop;
	(pc) =	sbr.ind lr, $3  }
0x3a: {  	_ = 	snop  }
0x3b: {  	_ = 	snop  }
0x3c: {  	p2 =	seq.s32 s10, $0x1;
	s10 =	sld [smem:$0x3FB9]  }
0x3d: {  	_ =	shalt  }
0x3e: {  	_ =	shalt  }
0x3f: {  	_ =	shalt  }
0x40: {  	_ =	shalt  }
0x41: {  	_ =	shalt  }
0x42: {  	_ =	shalt  }
0x43: {  	_ =	shalt  }
0x44: {  	_ =	shalt  }
0x45: {  	_ =	shalt  }
0x46: {  	_ =	shalt  }
0x47: {  	_ =	shalt  }
0x48: {  	_ =	shalt  }
0x49: {  	_ =	shalt  }
0x4a: {  	_ =	shalt  }
0x4b: {  	_ =	shalt  }
0x4c: {  	_ =	shalt  }
0x4d: {  	_ =	shalt  }
0x4e: {  	_ =	shalt  }
0x4f: {  	_ =	shalt  }
0x50: {  	_ =	shalt  }
0x51: {  	_ =	shalt  }
0x52: {  	_ =	shalt  }
0x53: {  	_ =	shalt  }
0x54: {  	_ =	shalt  }
0x55: {  	_ =	shalt  }
0x56: {  	_ =	shalt  }
0x57: {  	_ =	shalt  }
0x58: {  	_ =	shalt  }
0x59: {  	_ =	shalt  }
0x5a: {  	_ =	shalt  }
0x5b: {  	_ =	shalt  }
0x5c: {  	_ =	shalt  }
0x5d: {  	_ =	shalt  }
0x5e: {  	_ =	shalt  }
0x5f: {  	_ =	shalt  }
0x60: {  	_ =	shalt  }
0x61: {  	_ =	shalt  }
0x62: {  	_ =	shalt  }
0x63: {  	_ =	shalt  }
0x64: {  	_ =	shalt  }
0x65: {  	_ =	shalt  }
0x66: {  	_ =	shalt  }
0x67: {  	_ =	shalt  }
0x68: {  	_ =	shalt  }
0x69: {  	_ =	shalt  }
0x6a: {  	_ =	shalt  }
0x6b: {  	_ =	shalt  }
0x6c: {  	_ =	shalt  }
0x6d: {  	_ =	shalt  }
0x6e: {  	_ =	shalt  }
0x6f: {  	_ =	shalt  }
0x70: {  	_ =	shalt  }
0x71: {  	_ =	shalt  }
0x72: {  	_ =	shalt  }
0x73: {  	_ =	shalt  }
0x74: {  	_ =	shalt  }
0x75: {  	_ =	shalt  }
0x76: {  	_ =	shalt  }
0x77: {  	_ =	shalt  }
0x78: {  	_ =	shalt  }
0x79: {  	_ =	shalt  }
0x7a: {  	_ =	shalt  }
0x7b: {  	_ =	shalt  }
0x7c: {  	_ =	shalt  }
0x7d: {  	_ =	shalt  }
0x7e: {  	_ =	shalt  }
0x7f: {  	_ =	shalt  }
0x80: {  	_ =	shalt  }
0x81: {  	_ =	shalt  }
0x82: {  	_ =	shalt  }
0x83: {  	_ =	shalt  }
0x84: {  	_ =	shalt  }
0x85: {  	_ =	shalt  }
0x86: {  	_ =	shalt  }
0x87: {  	_ =	shalt  }
.Lfunc_end0:
.L_simem_size_0:
called_computation.1_lowered:
.L_overlay_start_0:
0x88: {  	s0 =	sld [smem:$0x3FD9]  }
0x89: {  	s1 =	sld [smem:$0x3FFE];
	_ =	sdelay $0x3  }
0x8a: {  	s0 =	sadd.s32 s1, s0  }
0x8b: {  	[smem:$0x3FC5] =	sst s0  }
0x8c: {  	_ = 	snop  }
0x8d: {  	(tm) =	ssettm $0x1  }
0x8e: {  	s15 =	sld [smem:$0x3FFB];
	_ =	sdelay $0x3  }
0x8f: {  	_ =	strace s15  }
0x90: {  	s0 =	sld [smem:$0x3FFC];
	_ =	sdelay $0x3  }
0x91: {  	_ =	strace s0  }
0x92: {  	s0 =	sld [smem:$0x3FFD];
	_ =	sdelay $0x3  }
0x93: {  	_ =	strace s0  }
0x94: {  	_ =	strace $0x8FFFFFFF  }
0x95: {  	s16 =	sld [smem:$0x3FDB];
	_ =	sdelay $0x1  }
0x96: {  	s17 =	simm.s32 $_scs_section_size  }
0x97: {  	s2 =	simm.s32 $_size__tile_overlayer_lowered;
	s3 =	simm.s32 $_tile_overlayer_lowered  }
0x98: {  	s20 =	simm.s32 $0x1BFF;
	s19 =	sshll.u32 s3, $0x1;
	s0 =	sadd.s32 s17, s16  }
0x99: {  	s4 =	simm.s32 $0x0;
	s18 =	sshll.u32 s2, $0x1;
	s2 =	sadd.s32 s19, s0  }
0x9a: {  	[timem:s4], [sflag:s20] =	dma.local [hbm:s2], s18  }
0x9b: {  	_ =	swait.ge [sflag:s20], s18  }
0x9c: {  	s1 =	ssub.s32 $0x0, s18;
	[sflag:s20] =	ssyncset.done $0x0  }
0x9d: {  	[sflag:s20] =	ssyncadd.s32 s1;
	_ =	sdelay $0x1  }
0x9e: {  	s21 =	simm.s32 $0x1B8B  }
0x9f: {  	_ =	swait.ge [sflag:s21], $0x1  }
0xa0: {  	[sflag:s21] =	ssyncset.done $0x0  }
0xa1: {  	s23 =	simm.s32 $0x1B8E;
	s22 =	sld [smem:$0x3FFE];
	[sflag:s21] =	ssyncadd.s32 $0xFFFFFFFF  }
0xa2: {  	s24 =	simm.s32 $execute0_lowered;
	[smem:$0x3FD2] =	sst s23  }
0xa3: {  	s2 =	sshll.u32 s24, $0x1;
	_ =	strace $0x80000049;
	[dreg:$0x1] =	wrdreg $0xFFFFFFFF  }
0xa4: {  	s25 =	simm.s32 $_size_execute0_lowered;
	s0 =	sadd.s32 s0, s2;
	[dreg:$0x0] =	wrdreg $0x0  }
0xa5: {  	s2 =	sshll.u32 s25, $0x1;
	[dreg:$0x2] =	wrdreg s0  }
0xa6: {  	[dreg:$0x3] =	wrdreg s2  }
0xa7: {  	[dreg:$0x4] =	wrdreg $0xC0  }
0xa8: {  	_ =	task [dreg:s4], $0x5FFFF  }
0xa9: {  	[dreg:$0x1] =	wrdreg $0xFFFFFFFF  }
0xaa: {  	[dreg:$0x0] =	wrdreg $0x60  }
0xab: {  	[dreg:$0x2] =	wrdreg s22  }
0xac: {  	[dreg:$0x3] =	wrdreg $0x9  }
0xad: {  	_ =	task.clear_ibuf [dreg:s4], $0x4FFFF;
	_ =	strace $0x90000049  }
0xae: {  	s26 =	simm.s32 $0x9;
	_ =	strace $0x8000004B  }
0xaf: {  	_ =	swait.ge [sflag:s26], $0x1  }
0xb0: {  	[sflag:s26] =	ssyncadd.s32 $0xFFFFFFFF  }
0xb1: {  	_ =	strace $0x9000004B  }
0xb2: {  	_ =	sfence  }
0xb3: {  	s28 =	sld [smem:$0x0];
	_ =	sdelay $0x1  }
0xb4: {  	s29 =	srdreg.scid  }
0xb5: {  	s30 =	sshll.u32 s29, $0xD;
	s31 =	sshrl.u32 s29, $0x2  }
0xb6: {  	s1 =	sand.u32 $0x1, s29;
	s2 =	sand.u32 $0x4000, s30;
	s0 =	sadd.s32 s31, s28  }
0xb7: {  	s1 =	sor.u32 s2, s1;
	s0 =	sshll.u32 s0, $0x11  }
0xb8: {  	s0 =	sor.u32 s0, s1  }
0xb9: {  	s0 =	sadd.s32 $0x8F2B, s0  }
0xba: {  	[sflag:s0] =	ssyncadd.remote.s32 $0x1  }
0xbb: {  	_ =	sfence.sel $0xFFFF  }
0xbc: {  	[dreg:$0x0] =	wrdreg $0xFFFFFFFF;
	(pc) =	sbr.abs _section_cstart, $3  }
0xbd: {  	[dreg:$0x1] =	wrdreg $0xFFFFFFFF  }
0xbe: {  	_ =	task.clear_ibuf [dreg:s4], $0x2FFFF;
	_ =	strace $0x9FFFFFFF  }
0xbf: {  	(tm) =	ssettm $0x7FFFFFFF  }
tec
execute0_lowered:
.L_overlay_start_1:
0x0: {  	(tag) =	ssettag $0x1  }
0x1: {  	s5 =	rddreg [dreg:$0x0]  }
0x2: {  	s0 =	rddreg [dreg:$0x1]  }
0x3: {  	_ =	strace $0x8000004A;
	s1 =	stileid.u32;
	s6 =	simm.s32 $0x1  }
0x4: {  	s8 =	simm.s32 $0x2;
	s30 =	simm.s32 $0x3;
	s12 =	simm.s32 $0x0  }
0x5: {  	s9 =	simm.s32 $0x0;
	s10 =	simm.s32 $0x0;
	s4 =	sshll.u32 s1, $0x4  }
0x6: {  	s2 =	sadd.s32 $0x8600, s5;
	s3 =	sadd.s32 $0x351A400, s5;
	s7 =	ssub.s32 $0x67E0, s4  }
0x7: {  	s5 =	sadd.s32 $0x357CC00, s5;
	[sflag:s6] =	ssyncpa.u1 $0x0;
	s6 =	sshrl.u32 s7, $0x8  }
0x8: {  	[sflag:s8] =	ssyncpa.u1 $0x0;
	s11 =	smov.u32 s4;
	s31 =	sshll.u32 s6, $0x4  }
0x9: {  	[sflag:s30] =	ssyncpa.u1 $0x0;
	s7 =	sadd.s32 $0x2, s6;
	s8 =	sadd.s32 $0x30, s31  }
.LBB2_1:
0xa: {  	p0 =	sgt.u32 s10, s6  }
0xb: {  	s13 =	sxor.u32 @!p0 $0xFFFFFFFF, s9;
	s14 =	sshrl.u32 @!p0 s11, $0x3  }
0xc: {  	s15 =	sand.u32 @!p0 $0x7, s11;
	s13 =	sand.u32 @!p0 $0x10, s13;
	s14 =	sadd.s32 @!p0 s3, s14  }
0xd: {  	[tilespmem:s13], [sflag:$0x2] =	stream.linear.gather @!p0 [hbm4b:s14+s15], $0x10, $0x38;
	[tilespmem:$0x40] =	vst v63  }
0xe: {  	p0 =	seq.s32 s9, $0x0  }
0xf: {  	p1 =	sge.u32 @!p0 s10, s7  }
0x10: {  	p0 =	por p1, p0  }
0x11: {  	s13 =	simm.s32 @!p0 $0x2  }
0x12: {  	_ =	swait.ge @!p0 [sflag:s13], $0x10  }
0x13: {  	[sflag:s13] =	ssyncset.done @!p0 $0x0  }
0x14: {  	[sflag:s13] =	ssyncadd.s32 @!p0 $0xFFFFFFF0;
	s13 =	sand.u32 @!p0 $0x10, s9  }
0x15: {  	(ifvalue) =	ssetifvalue @!p0 $0x7FFFFFFF;
	v0 =	vld.msk @!p0 [tilespmem:s13+$0x0 ss:$0x1], $0xffff;
	_ =	sdelay $0x4  }
0x16: {  	vm0 =	veq.s32 @!p0 v0, $0x80000000  }
0x17: {  	v1 =	vand.u32 @!p0 $0xFF, v0;
	v2 =	vshrl.u32 @!p0 v0, $0x8;
	v0 =	vshrl.u32 @!p0 v0, $0x10  }
0x18: {  	v2 =	vand.u32 @!p0 $0xFF, v2;
	v0 =	vand.u32 @!p0 $0x3FFF, v0;
	v1 =	vmul.u32 @!p0 $0x2C0000, v1  }
0x19: {  	v2 =	vsel @!p0 vm0, $0xFFFFFFFF, v2;
	v0 =	vsel @!p0 vm0, $0xFFFFFFFF, v0  }
0x1a: {  	v3 =	vand.u32 @!p0 $0x7F, v0;
	v1 =	vsel @!p0 vm0, $0xFFD40000, v1;
	v4 =	vshll.u32 @!p0 v2, $0xE  }
0x1b: {  	v0 =	vshll.u32 @!p0 v0, $0x3;
	v4 =	vand.u32 @!p0 $0xFFFE0000, v4;
	v1 =	vor.u32 @!p0 v1, v3  }
0x1c: {  	v2 =	vshll.u32 @!p0 v2, $0x7;
	v0 =	vand.u32 @!p0 $0xFFFFFC00, v0;
	v1 =	vadd.s32 @!p0 v4, v1  }
0x1d: {  	v2 =	vand.u32 @!p0 $0x380, v2;
	v0 =	vadd.s32 @!p0 v0, v1  }
0x1e: {  	v0 =	vor.u32 @!p0 v2, v0;
	_ =	sdelay $0x3  }
0x1f: {  	s14 =	simm.s32 @!p0 $0x0;
	s13 =	sor.u32 @!p0 $0x20, s13;
	(ifvalue) =	ssetifvalue @!p0 $0x7FFFFFFF;
	vm0 =	vmmov @!p0 $0xffff  }
0x20: {  	[tilespmem:s13], [sflag:$0x1] =	stream.indirect_vreg.gather @!p0 [hbm4b:s2+s14], $0x1, v0, vm0, $0x4038;
	[tilespmem:$0x40] =	vst v63  }
0x21: {  	s14 =	simm.s32 @!p0 $0x1  }
0x22: {  	_ =	swait.ge @!p0 [sflag:s14], $0x10  }
0x23: {  	s15 =	sshrl.u32 @!p0 s12, $0x3;
	[sflag:s14] =	ssyncset.done @!p0 $0x0  }
0x24: {  	s12 =	sand.u32 @!p0 $0x7, s12;
	[sflag:s14] =	ssyncadd.s32 @!p0 $0xFFFFFFF0;
	s14 =	sadd.s32 @!p0 s5, s15  }
0x25: {  	[hbm4b:s14+s12] =	stream.linear.scatter @!p0 [tilespmem:s13], [sflag:$0x3], $0x10, $0x38;
	[tilespmem:$0x40] =	vst v63  }
0x26: {  	s14 =	sadd.s32 $0x100, s11  }
0x27: {  	s9 =	sadd.s32 $0x10, s9;
	p1 =	sgt.s32 s14, $0x67E7  }
0x28: {  	s14 =	smov.u32 @p1 s4;
	p1 =	sne.s32 s8, s9  }
.Ltmp0:
0x29: {  	p0 =	slt.u32 s10, $0x2;
	(pc) =	sbr.rel @p1 .LBB2_1-.Ltmp0, $4  }
0x2a: {  	s13 =	simm.s32 @!p0 $0x3  }
0x2b: {  	_ =	swait.ge @!p0 [sflag:s13], $0x10  }
0x2c: {  	s12 =	smov.u32 s11;
	[sflag:s13] =	ssyncset.done @!p0 $0x0  }
0x2d: {  	s10 =	sadd.s32 $0x1, s10;
	s11 =	smov.u32 s14;
	[sflag:s13] =	ssyncadd.s32 @!p0 $0xFFFFFFF0  }
0x2e: {  	_ =	sfence.sel $0x180000  }
0x2f: {  	s2 =	simm.s32 $0x2;
	[bflag:$0x0] =	sbarrier.arrive $0xFFFF  }
0x30: {  	s30 =	simm.s32 $0x3;
	[sflag:s2] =	ssyncpa.u1 $0x1  }
0x31: {  	s31 =	simm.s32 $0x1;
	[sflag:s30] =	ssyncpa.u1 $0x1  }
0x32: {  	[sflag:s31] =	ssyncpa.u1 $0x1  }
0x33: {  	p0 =	sne.s32 s1, $0x0;
	_ =	strace $0x9000004A  }
0x34: {  	s0 =	sadd.s32 @!p0 $0x100000, s0;
	[bflag:$0x2] =	sbarrier.arrive $0xFFFF  }
0x35: {  	[sflag:s0] =	ssyncadd.tile.s32 @!p0 $0x1;
	_ =	shalt  }
.Lfunc_end2:
_tile_overlayer_lowered:
.L_overlay_start_2:
0x36: {  	(tag) =	ssettag $0x2  }
0x37: {  	s0 =	rddreg [dreg:$0x0];
	s2 =	stileid.u32  }
0x38: {  	s1 =	rddreg [dreg:$0x1];
	p0 =	sne.s32 s2, $0x0  }
0x39: {  	s3 =	rddreg [dreg:$0x2];
	[bflag:$0x3] =	sbarrier.arrive $0xFFFF;
	s2 =	simm.s32 @!p0 $0x1C01  }
0x3a: {  	[timem:s3], [sflag:s2] =	dma.local @!p0 [hbm:s0], s1  }
0x3b: {  	s0 =	simm.s32 @!p0 $0x1  }
0x3c: {  	_ =	swait.ge @!p0 [sflag:s0], s1  }
0x3d: {  	s1 =	ssub.s32 @!p0 $0x0, s1;
	[sflag:s0] =	ssyncset.done @!p0 $0x0  }
0x3e: {  	[sflag:s0] =	ssyncadd.s32 @!p0 s1  }
0x3f: {  	[bflag:$0x3] =	sbarrier.arrive $0xFFFF  }
0x40: {  	_ =	shalt  }

// kernel: gather_offload_async_start.2
scs
__scs_entry_jumppad:
0x0: {  	(pc) =	sbr.rel $0x88, $3  }
0x1: {  	(tag) =	ssettag $0x0;
	lr =	simm.s32 $0x1  }
0x2: {  	[smem:$0x3F9E] =	sst lr;
	_ =	strace $0xD0000000  }
0x3: {  	_ = 	snop  }
0x4: {  	_ = 	snop  }
0x5: {  	_ = 	snop  }
0x6: {  	_ = 	snop  }
0x7: {  	_ = 	snop  }
__scs_overlays_trampoline_lowered:
0x8: {  	[smem:$0x3FAD] =	sst s0  }
0x9: {  	[smem:$0x3FAE] =	sst s1  }
0xa: {  	[smem:$0x3FAF] =	sst s2  }
0xb: {  	[smem:$0x3FB0] =	sst s3  }
0xc: {  	[smem:$0x3FB1] =	sst s4  }
0xd: {  	[smem:$0x3FB2] =	sst s5  }
0xe: {  	[smem:$0x3FB3] =	sst s6  }
0xf: {  	[smem:$0x3FB4] =	sst s7  }
0x10: {  	[smem:$0x3FB5] =	sst s8  }
0x11: {  	[smem:$0x3FB6] =	sst s9;
	s0 =	simm.s32 @!p0 $0x0  }
0x12: {  	s1 =	sld [smem:$0x3F9C];
	s0 =	simm.s32 @p0 $0x1  }
0x13: {  	[smem:$0x3FB7] =	sst s0;
	s0 =	simm.s32 @!p1 $0x0  }
0x14: {  	s2 =	sld [smem:$0x3F9B];
	s0 =	simm.s32 @p1 $0x1  }
0x15: {  	[smem:$0x3FB8] =	sst s0;
	s0 =	simm.s32 @!p2 $0x0  }
0x16: {  	s3 =	sld [smem:$0x3FDB];
	s0 =	simm.s32 @p2 $0x1  }
0x17: {  	s4 =	simm.s32 $0x1BF5;
	[smem:$0x3FBA] =	sst s0  }
0x18: {  	s0 =	sld [smem:$0x3F9D];
	_ =	swait.ge [sflag:s4], $0x0  }
0x19: {  	s7 =	sld [smem:$0x3F9E]  }
0x1a: {  	s8 =	sadd.s32 $0xFFFFE003, lr  }
0x1b: {  	s9 =	sadd.s32 $0xFFFFFEF7, lr;
	s5 =	simm.s32 $0xFFFFFFFF;
	p2 =	slt.u32 s8, $0xFFFFF086  }
0x1c: {  	p1 =	slt.u32 s9, $0xF7A;
	s5 =	simm.s32 @!p2 $0x0  }
0x1d: {  	s5 =	simm.s32 @p1 $0x1;
	p0 =	seq.s32 s7, s2  }
0x1e: {  	s7 =	smul.u32 @!p0 $0xF7A, s2;
	p2 =	seq.s32 @!p0 s5, $0x0  }
0x1f: {  	s9 =	smul.u32 $0xF7A, s1;
	s8 =	simm.s32 @!p0 $0x1BF5;
	p2 =	por !p2, p0  }
0x20: {  	[sflag:s8] =	ssyncset.s32 @!p0 $0xFFFFF086;
	s6 =	sadd.s32 @!p0 s3, s7;
	s7 =	simm.s32 @!p0 $0x108  }
0x21: {  	s3 =	sadd.s32 s3, s9;
	s6 =	sadd.s32 @!p0 $0x88, s6;
	s7 =	simm.s32 @p2 $0x1082  }
0x22: {  	[simem:s7], [sflag:s8] =	dma.local @!p0 [hbm:s6], $0xF7A  }
0x23: {  	s9 =	sor.u32 $0xD0000000, s2;
	s6 =	simm.s32 $0x108;
	_ =	swait.ge @!p0 [sflag:s8], $0x0  }
0x24: {  	s3 =	sadd.s32 $0x88, s3;
	s6 =	simm.s32 @!p1 $0x1082;
	[sflag:s4] =	ssyncset.s32 $0xFFFFF086  }
0x25: {  	[simem:s6], [sflag:s4] =	dma.local [hbm:s3], $0xF7A  }
0x26: {  	[smem:$0x3F9E] =	sst s1;
	(tag) =	ssettag s2;
	_ =	strace s9  }
0x27: {  	s1 =	sld [smem:$0x3FAE]  }
0x28: {  	s2 =	sld [smem:$0x3FAF]  }
0x29: {  	s4 =	sld [smem:$0x3FB1]  }
0x2a: {  	p0 =	seq.s32 s5, $0x0;
	s5 =	sld [smem:$0x3FB2]  }
0x2b: {  	s6 =	sld [smem:$0x3FB3]  }
0x2c: {  	s7 =	sld [smem:$0x3FB4]  }
0x2d: {  	s3 =	simm.s32 $0x108;
	s8 =	sld [smem:$0x3FB5]  }
0x2e: {  	s3 =	simm.s32 @!p0 $0x1082;
	s9 =	sld [smem:$0x3FB6]  }
0x2f: {  	lr =	sadd.s32 s0, s3;
	s0 =	sld [smem:$0x3FAD]  }
0x30: {  	s3 =	sld [smem:$0x3FB0]  }
0x31: {  	[smem:$0x3FB9] =	sst s10  }
0x32: {  	s10 =	sld [smem:$0x3FB7];
	_ =	sdelay $0x3  }
0x33: {  	p0 =	seq.s32 s10, $0x1;
	s10 =	sld [smem:$0x3FB9];
	_ =	sdelay $0x3  }
0x34: {  	[smem:$0x3FB9] =	sst s10  }
0x35: {  	s10 =	sld [smem:$0x3FB8];
	_ =	sdelay $0x3  }
0x36: {  	p1 =	seq.s32 s10, $0x1;
	s10 =	sld [smem:$0x3FB9];
	_ =	sdelay $0x3  }
0x37: {  	[smem:$0x3FB9] =	sst s10  }
0x38: {  	s10 =	sld [smem:$0x3FBA]  }
0x39: {  	_ = 	snop;
	(pc) =	sbr.ind lr, $3  }
0x3a: {  	_ = 	snop  }
0x3b: {  	_ = 	snop  }
0x3c: {  	p2 =	seq.s32 s10, $0x1;
	s10 =	sld [smem:$0x3FB9]  }
0x3d: {  	_ =	shalt  }
0x3e: {  	_ =	shalt  }
0x3f: {  	_ =	shalt  }
0x40: {  	_ =	shalt  }
0x41: {  	_ =	shalt  }
0x42: {  	_ =	shalt  }
0x43: {  	_ =	shalt  }
0x44: {  	_ =	shalt  }
0x45: {  	_ =	shalt  }
0x46: {  	_ =	shalt  }
0x47: {  	_ =	shalt  }
0x48: {  	_ =	shalt  }
0x49: {  	_ =	shalt  }
0x4a: {  	_ =	shalt  }
0x4b: {  	_ =	shalt  }
0x4c: {  	_ =	shalt  }
0x4d: {  	_ =	shalt  }
0x4e: {  	_ =	shalt  }
0x4f: {  	_ =	shalt  }
0x50: {  	_ =	shalt  }
0x51: {  	_ =	shalt  }
0x52: {  	_ =	shalt  }
0x53: {  	_ =	shalt  }
0x54: {  	_ =	shalt  }
0x55: {  	_ =	shalt  }
0x56: {  	_ =	shalt  }
0x57: {  	_ =	shalt  }
0x58: {  	_ =	shalt  }
0x59: {  	_ =	shalt  }
0x5a: {  	_ =	shalt  }
0x5b: {  	_ =	shalt  }
0x5c: {  	_ =	shalt  }
0x5d: {  	_ =	shalt  }
0x5e: {  	_ =	shalt  }
0x5f: {  	_ =	shalt  }
0x60: {  	_ =	shalt  }
0x61: {  	_ =	shalt  }
0x62: {  	_ =	shalt  }
0x63: {  	_ =	shalt  }
0x64: {  	_ =	shalt  }
0x65: {  	_ =	shalt  }
0x66: {  	_ =	shalt  }
0x67: {  	_ =	shalt  }
0x68: {  	_ =	shalt  }
0x69: {  	_ =	shalt  }
0x6a: {  	_ =	shalt  }
0x6b: {  	_ =	shalt  }
0x6c: {  	_ =	shalt  }
0x6d: {  	_ =	shalt  }
0x6e: {  	_ =	shalt  }
0x6f: {  	_ =	shalt  }
0x70: {  	_ =	shalt  }
0x71: {  	_ =	shalt  }
0x72: {  	_ =	shalt  }
0x73: {  	_ =	shalt  }
0x74: {  	_ =	shalt  }
0x75: {  	_ =	shalt  }
0x76: {  	_ =	shalt  }
0x77: {  	_ =	shalt  }
0x78: {  	_ =	shalt  }
0x79: {  	_ =	shalt  }
0x7a: {  	_ =	shalt  }
0x7b: {  	_ =	shalt  }
0x7c: {  	_ =	shalt  }
0x7d: {  	_ =	shalt  }
0x7e: {  	_ =	shalt  }
0x7f: {  	_ =	shalt  }
0x80: {  	_ =	shalt  }
0x81: {  	_ =	shalt  }
0x82: {  	_ =	shalt  }
0x83: {  	_ =	shalt  }
0x84: {  	_ =	shalt  }
0x85: {  	_ =	shalt  }
0x86: {  	_ =	shalt  }
0x87: {  	_ =	shalt  }
.Lfunc_end0:
.L_simem_size_0:
called_computation.2_lowered:
.L_overlay_start_0:
0x88: {  	s0 =	sld [smem:$0x3FD9]  }
0x89: {  	s1 =	sld [smem:$0x3FFE];
	_ =	sdelay $0x3  }
0x8a: {  	s0 =	sadd.s32 s1, s0  }
0x8b: {  	[smem:$0x3FC5] =	sst s0  }
0x8c: {  	_ = 	snop  }
0x8d: {  	(tm) =	ssettm $0x1  }
0x8e: {  	s15 =	sld [smem:$0x3FFB];
	_ =	sdelay $0x3  }
0x8f: {  	_ =	strace s15  }
0x90: {  	s0 =	sld [smem:$0x3FFC];
	_ =	sdelay $0x3  }
0x91: {  	_ =	strace s0  }
0x92: {  	s0 =	sld [smem:$0x3FFD];
	_ =	sdelay $0x3  }
0x93: {  	_ =	strace s0  }
0x94: {  	_ =	strace $0x8FFFFFFF  }
0x95: {  	s16 =	sld [smem:$0x3FDB];
	_ =	sdelay $0x1  }
0x96: {  	s17 =	simm.s32 $_scs_section_size  }
0x97: {  	s2 =	simm.s32 $_size__tile_overlayer_lowered;
	s3 =	simm.s32 $_tile_overlayer_lowered  }
0x98: {  	s20 =	simm.s32 $0x1BFF;
	s19 =	sshll.u32 s3, $0x1;
	s0 =	sadd.s32 s17, s16  }
0x99: {  	s4 =	simm.s32 $0x0;
	s18 =	sshll.u32 s2, $0x1;
	s2 =	sadd.s32 s19, s0  }
0x9a: {  	[timem:s4], [sflag:s20] =	dma.local [hbm:s2], s18  }
0x9b: {  	_ =	swait.ge [sflag:s20], s18  }
0x9c: {  	s1 =	ssub.s32 $0x0, s18;
	[sflag:s20] =	ssyncset.done $0x0  }
0x9d: {  	[sflag:s20] =	ssyncadd.s32 s1;
	_ =	sdelay $0x1  }
0x9e: {  	s21 =	simm.s32 $0x1B8B  }
0x9f: {  	_ =	swait.ge [sflag:s21], $0x1  }
0xa0: {  	[sflag:s21] =	ssyncset.done $0x0  }
0xa1: {  	s23 =	simm.s32 $0x1B8E;
	s22 =	sld [smem:$0x3FFE];
	[sflag:s21] =	ssyncadd.s32 $0xFFFFFFFF  }
0xa2: {  	s24 =	simm.s32 $execute0_lowered;
	[smem:$0x3FD2] =	sst s23  }
0xa3: {  	s2 =	sshll.u32 s24, $0x1;
	_ =	strace $0x8000004C;
	[dreg:$0x1] =	wrdreg $0xFFFFFFFF  }
0xa4: {  	s25 =	simm.s32 $_size_execute0_lowered;
	s0 =	sadd.s32 s0, s2;
	[dreg:$0x0] =	wrdreg $0x0  }
0xa5: {  	s2 =	sshll.u32 s25, $0x1;
	[dreg:$0x2] =	wrdreg s0  }
0xa6: {  	[dreg:$0x3] =	wrdreg s2  }
0xa7: {  	[dreg:$0x4] =	wrdreg $0xC0  }
0xa8: {  	_ =	task [dreg:s4], $0x5FFFF  }
0xa9: {  	[dreg:$0x1] =	wrdreg $0xFFFFFFFF  }
0xaa: {  	[dreg:$0x0] =	wrdreg $0x60  }
0xab: {  	[dreg:$0x2] =	wrdreg s22  }
0xac: {  	[dreg:$0x3] =	wrdreg $0xA  }
0xad: {  	_ =	task.clear_ibuf [dreg:s4], $0x4FFFF;
	_ =	strace $0x9000004C  }
0xae: {  	s26 =	simm.s32 $0xA;
	_ =	strace $0x8000004E  }
0xaf: {  	_ =	swait.ge [sflag:s26], $0x1  }
0xb0: {  	[sflag:s26] =	ssyncadd.s32 $0xFFFFFFFF  }
0xb1: {  	_ =	strace $0x9000004E  }
0xb2: {  	_ =	sfence  }
0xb3: {  	s28 =	sld [smem:$0x0];
	_ =	sdelay $0x1  }
0xb4: {  	s29 =	srdreg.scid  }
0xb5: {  	s30 =	sshll.u32 s29, $0xD;
	s31 =	sshrl.u32 s29, $0x2  }
0xb6: {  	s1 =	sand.u32 $0x1, s29;
	s2 =	sand.u32 $0x4000, s30;
	s0 =	sadd.s32 s31, s28  }
0xb7: {  	s1 =	sor.u32 s2, s1;
	s0 =	sshll.u32 s0, $0x11  }
0xb8: {  	s0 =	sor.u32 s0, s1  }
0xb9: {  	s0 =	sadd.s32 $0x8F2B, s0  }
0xba: {  	[sflag:s0] =	ssyncadd.remote.s32 $0x1  }
0xbb: {  	_ =	sfence.sel $0xFFFF  }
0xbc: {  	[dreg:$0x0] =	wrdreg $0xFFFFFFFF;
	(pc) =	sbr.abs _section_cstart, $3  }
0xbd: {  	[dreg:$0x1] =	wrdreg $0xFFFFFFFF  }
0xbe: {  	_ =	task.clear_ibuf [dreg:s4], $0x2FFFF;
	_ =	strace $0x9FFFFFFF  }
0xbf: {  	(tm) =	ssettm $0x7FFFFFFF  }
tec
execute0_lowered:
.L_overlay_start_1:
0x0: {  	(tag) =	ssettag $0x1  }
0x1: {  	s5 =	rddreg [dreg:$0x0]  }
0x2: {  	s0 =	rddreg [dreg:$0x1]  }
0x3: {  	_ =	strace $0x8000004D;
	s1 =	stileid.u32;
	s6 =	simm.s32 $0x1  }
0x4: {  	s8 =	simm.s32 $0x2;
	s30 =	simm.s32 $0x3;
	s12 =	simm.s32 $0x0  }
0x5: {  	s9 =	simm.s32 $0x0;
	s10 =	simm.s32 $0x0;
	s4 =	sshll.u32 s1, $0x4  }
0x6: {  	s2 =	sadd.s32 $0x8600, s5;
	s3 =	sadd.s32 $0x351B200, s5;
	s7 =	ssub.s32 $0x67E0, s4  }
0x7: {  	s5 =	sadd.s32 $0x3519600, s5;
	[sflag:s6] =	ssyncpa.u1 $0x0;
	s6 =	sshrl.u32 s7, $0x8  }
0x8: {  	[sflag:s8] =	ssyncpa.u1 $0x0;
	s11 =	smov.u32 s4;
	s31 =	sshll.u32 s6, $0x4  }
0x9: {  	[sflag:s30] =	ssyncpa.u1 $0x0;
	s7 =	sadd.s32 $0x2, s6;
	s8 =	sadd.s32 $0x30, s31  }
.LBB2_1:
0xa: {  	p0 =	sgt.u32 s10, s6  }
0xb: {  	s13 =	sxor.u32 @!p0 $0xFFFFFFFF, s9;
	s14 =	sshrl.u32 @!p0 s11, $0x3  }
0xc: {  	s15 =	sand.u32 @!p0 $0x7, s11;
	s13 =	sand.u32 @!p0 $0x10, s13;
	s14 =	sadd.s32 @!p0 s3, s14  }
0xd: {  	[tilespmem:s13], [sflag:$0x2] =	stream.linear.gather @!p0 [hbm4b:s14+s15], $0x10, $0x38;
	[tilespmem:$0x40] =	vst v63  }
0xe: {  	p0 =	seq.s32 s9, $0x0  }
0xf: {  	p1 =	sge.u32 @!p0 s10, s7  }
0x10: {  	p0 =	por p1, p0  }
0x11: {  	s13 =	simm.s32 @!p0 $0x2  }
0x12: {  	_ =	swait.ge @!p0 [sflag:s13], $0x10  }
0x13: {  	[sflag:s13] =	ssyncset.done @!p0 $0x0  }
0x14: {  	[sflag:s13] =	ssyncadd.s32 @!p0 $0xFFFFFFF0;
	s13 =	sand.u32 @!p0 $0x10, s9  }
0x15: {  	(ifvalue) =	ssetifvalue @!p0 $0x7FFFFFFF;
	v0 =	vld.msk @!p0 [tilespmem:s13+$0x0 ss:$0x1], $0xffff;
	_ =	sdelay $0x4  }
0x16: {  	vm0 =	veq.s32 @!p0 v0, $0x80000000  }
0x17: {  	v1 =	vand.u32 @!p0 $0xFF, v0;
	v2 =	vshrl.u32 @!p0 v0, $0x8;
	v0 =	vshrl.u32 @!p0 v0, $0x10  }
0x18: {  	v2 =	vand.u32 @!p0 $0xFF, v2;
	v0 =	vand.u32 @!p0 $0x3FFF, v0;
	v1 =	vmul.u32 @!p0 $0x2C0000, v1  }
0x19: {  	v2 =	vsel @!p0 vm0, $0xFFFFFFFF, v2;
	v0 =	vsel @!p0 vm0, $0xFFFFFFFF, v0  }
0x1a: {  	v3 =	vand.u32 @!p0 $0x7F, v0;
	v1 =	vsel @!p0 vm0, $0xFFD40000, v1;
	v4 =	vshll.u32 @!p0 v2, $0xE  }
0x1b: {  	v0 =	vshll.u32 @!p0 v0, $0x3;
	v4 =	vand.u32 @!p0 $0xFFFE0000, v4;
	v1 =	vor.u32 @!p0 v1, v3  }
0x1c: {  	v2 =	vshll.u32 @!p0 v2, $0x7;
	v0 =	vand.u32 @!p0 $0xFFFFFC00, v0;
	v1 =	vadd.s32 @!p0 v4, v1  }
0x1d: {  	v2 =	vand.u32 @!p0 $0x380, v2;
	v0 =	vadd.s32 @!p0 v0, v1  }
0x1e: {  	v0 =	vor.u32 @!p0 v2, v0;
	_ =	sdelay $0x3  }
0x1f: {  	s14 =	simm.s32 @!p0 $0x0;
	s13 =	sor.u32 @!p0 $0x20, s13;
	(ifvalue) =	ssetifvalue @!p0 $0x7FFFFFFF;
	vm0 =	vmmov @!p0 $0xffff  }
0x20: {  	[tilespmem:s13], [sflag:$0x1] =	stream.indirect_vreg.gather @!p0 [hbm4b:s2+s14], $0x1, v0, vm0, $0x4038;
	[tilespmem:$0x40] =	vst v63  }
0x21: {  	s14 =	simm.s32 @!p0 $0x1  }
0x22: {  	_ =	swait.ge @!p0 [sflag:s14], $0x10  }
0x23: {  	s15 =	sshrl.u32 @!p0 s12, $0x3;
	[sflag:s14] =	ssyncset.done @!p0 $0x0  }
0x24: {  	s12 =	sand.u32 @!p0 $0x7, s12;
	[sflag:s14] =	ssyncadd.s32 @!p0 $0xFFFFFFF0;
	s14 =	sadd.s32 @!p0 s5, s15  }
0x25: {  	[hbm4b:s14+s12] =	stream.linear.scatter @!p0 [tilespmem:s13], [sflag:$0x3], $0x10, $0x38;
	[tilespmem:$0x40] =	vst v63  }
0x26: {  	s14 =	sadd.s32 $0x100, s11  }
0x27: {  	s9 =	sadd.s32 $0x10, s9;
	p1 =	sgt.s32 s14, $0x67E7  }
0x28: {  	s14 =	smov.u32 @p1 s4;
	p1 =	sne.s32 s8, s9  }
.Ltmp0:
0x29: {  	p0 =	slt.u32 s10, $0x2;
	(pc) =	sbr.rel @p1 .LBB2_1-.Ltmp0, $4  }
0x2a: {  	s13 =	simm.s32 @!p0 $0x3  }
0x2b: {  	_ =	swait.ge @!p0 [sflag:s13], $0x10  }
0x2c: {  	s12 =	smov.u32 s11;
	[sflag:s13] =	ssyncset.done @!p0 $0x0  }
0x2d: {  	s10 =	sadd.s32 $0x1, s10;
	s11 =	smov.u32 s14;
	[sflag:s13] =	ssyncadd.s32 @!p0 $0xFFFFFFF0  }
0x2e: {  	_ =	sfence.sel $0x180000  }
0x2f: {  	s2 =	simm.s32 $0x2;
	[bflag:$0x0] =	sbarrier.arrive $0xFFFF  }
0x30: {  	s30 =	simm.s32 $0x3;
	[sflag:s2] =	ssyncpa.u1 $0x1  }
0x31: {  	s31 =	simm.s32 $0x1;
	[sflag:s30] =	ssyncpa.u1 $0x1  }
0x32: {  	[sflag:s31] =	ssyncpa.u1 $0x1  }
0x33: {  	p0 =	sne.s32 s1, $0x0;
	_ =	strace $0x9000004D  }
0x34: {  	s0 =	sadd.s32 @!p0 $0x100000, s0;
	[bflag:$0x2] =	sbarrier.arrive $0xFFFF  }
0x35: {  	[sflag:s0] =	ssyncadd.tile.s32 @!p0 $0x1;
	_ =	shalt  }
.Lfunc_end2:
_tile_overlayer_lowered:
.L_overlay_start_2:
0x36: {  	(tag) =	ssettag $0x2  }
0x37: {  	s0 =	rddreg [dreg:$0x0];
	s2 =	stileid.u32  }
0x38: {  	s1 =	rddreg [dreg:$0x1];
	p0 =	sne.s32 s2, $0x0  }
0x39: {  	s3 =	rddreg [dreg:$0x2];
	[bflag:$0x3] =	sbarrier.arrive $0xFFFF;
	s2 =	simm.s32 @!p0 $0x1C01  }
0x3a: {  	[timem:s3], [sflag:s2] =	dma.local @!p0 [hbm:s0], s1  }
0x3b: {  	s0 =	simm.s32 @!p0 $0x1  }
0x3c: {  	_ =	swait.ge @!p0 [sflag:s0], s1  }
0x3d: {  	s1 =	ssub.s32 @!p0 $0x0, s1;
	[sflag:s0] =	ssyncset.done @!p0 $0x0  }
0x3e: {  	[sflag:s0] =	ssyncadd.s32 @!p0 s1  }
0x3f: {  	[bflag:$0x3] =	sbarrier.arrive $0xFFFF  }
0x40: {  	_ =	shalt  }

// kernel: gather_offload_async_start.3
scs
__scs_entry_jumppad:
0x0: {  	(pc) =	sbr.rel $0x88, $3  }
0x1: {  	(tag) =	ssettag $0x0;
	lr =	simm.s32 $0x1  }
0x2: {  	[smem:$0x3F9E] =	sst lr;
	_ =	strace $0xD0000000  }
0x3: {  	_ = 	snop  }
0x4: {  	_ = 	snop  }
0x5: {  	_ = 	snop  }
0x6: {  	_ = 	snop  }
0x7: {  	_ = 	snop  }
__scs_overlays_trampoline_lowered:
0x8: {  	[smem:$0x3FAD] =	sst s0  }
0x9: {  	[smem:$0x3FAE] =	sst s1  }
0xa: {  	[smem:$0x3FAF] =	sst s2  }
0xb: {  	[smem:$0x3FB0] =	sst s3  }
0xc: {  	[smem:$0x3FB1] =	sst s4  }
0xd: {  	[smem:$0x3FB2] =	sst s5  }
0xe: {  	[smem:$0x3FB3] =	sst s6  }
0xf: {  	[smem:$0x3FB4] =	sst s7  }
0x10: {  	[smem:$0x3FB5] =	sst s8  }
0x11: {  	[smem:$0x3FB6] =	sst s9;
	s0 =	simm.s32 @!p0 $0x0  }
0x12: {  	s1 =	sld [smem:$0x3F9C];
	s0 =	simm.s32 @p0 $0x1  }
0x13: {  	[smem:$0x3FB7] =	sst s0;
	s0 =	simm.s32 @!p1 $0x0  }
0x14: {  	s2 =	sld [smem:$0x3F9B];
	s0 =	simm.s32 @p1 $0x1  }
0x15: {  	[smem:$0x3FB8] =	sst s0;
	s0 =	simm.s32 @!p2 $0x0  }
0x16: {  	s3 =	sld [smem:$0x3FDB];
	s0 =	simm.s32 @p2 $0x1  }
0x17: {  	s4 =	simm.s32 $0x1BF5;
	[smem:$0x3FBA] =	sst s0  }
0x18: {  	s0 =	sld [smem:$0x3F9D];
	_ =	swait.ge [sflag:s4], $0x0  }
0x19: {  	s7 =	sld [smem:$0x3F9E]  }
0x1a: {  	s8 =	sadd.s32 $0xFFFFE003, lr  }
0x1b: {  	s9 =	sadd.s32 $0xFFFFFEF7, lr;
	s5 =	simm.s32 $0xFFFFFFFF;
	p2 =	slt.u32 s8, $0xFFFFF086  }
0x1c: {  	p1 =	slt.u32 s9, $0xF7A;
	s5 =	simm.s32 @!p2 $0x0  }
0x1d: {  	s5 =	simm.s32 @p1 $0x1;
	p0 =	seq.s32 s7, s2  }
0x1e: {  	s7 =	smul.u32 @!p0 $0xF7A, s2;
	p2 =	seq.s32 @!p0 s5, $0x0  }
0x1f: {  	s9 =	smul.u32 $0xF7A, s1;
	s8 =	simm.s32 @!p0 $0x1BF5;
	p2 =	por !p2, p0  }
0x20: {  	[sflag:s8] =	ssyncset.s32 @!p0 $0xFFFFF086;
	s6 =	sadd.s32 @!p0 s3, s7;
	s7 =	simm.s32 @!p0 $0x108  }
0x21: {  	s3 =	sadd.s32 s3, s9;
	s6 =	sadd.s32 @!p0 $0x88, s6;
	s7 =	simm.s32 @p2 $0x1082  }
0x22: {  	[simem:s7], [sflag:s8] =	dma.local @!p0 [hbm:s6], $0xF7A  }
0x23: {  	s9 =	sor.u32 $0xD0000000, s2;
	s6 =	simm.s32 $0x108;
	_ =	swait.ge @!p0 [sflag:s8], $0x0  }
0x24: {  	s3 =	sadd.s32 $0x88, s3;
	s6 =	simm.s32 @!p1 $0x1082;
	[sflag:s4] =	ssyncset.s32 $0xFFFFF086  }
0x25: {  	[simem:s6], [sflag:s4] =	dma.local [hbm:s3], $0xF7A  }
0x26: {  	[smem:$0x3F9E] =	sst s1;
	(tag) =	ssettag s2;
	_ =	strace s9  }
0x27: {  	s1 =	sld [smem:$0x3FAE]  }
0x28: {  	s2 =	sld [smem:$0x3FAF]  }
0x29: {  	s4 =	sld [smem:$0x3FB1]  }
0x2a: {  	p0 =	seq.s32 s5, $0x0;
	s5 =	sld [smem:$0x3FB2]  }
0x2b: {  	s6 =	sld [smem:$0x3FB3]  }
0x2c: {  	s7 =	sld [smem:$0x3FB4]  }
0x2d: {  	s3 =	simm.s32 $0x108;
	s8 =	sld [smem:$0x3FB5]  }
0x2e: {  	s3 =	simm.s32 @!p0 $0x1082;
	s9 =	sld [smem:$0x3FB6]  }
0x2f: {  	lr =	sadd.s32 s0, s3;
	s0 =	sld [smem:$0x3FAD]  }
0x30: {  	s3 =	sld [smem:$0x3FB0]  }
0x31: {  	[smem:$0x3FB9] =	sst s10  }
0x32: {  	s10 =	sld [smem:$0x3FB7];
	_ =	sdelay $0x3  }
0x33: {  	p0 =	seq.s32 s10, $0x1;
	s10 =	sld [smem:$0x3FB9];
	_ =	sdelay $0x3  }
0x34: {  	[smem:$0x3FB9] =	sst s10  }
0x35: {  	s10 =	sld [smem:$0x3FB8];
	_ =	sdelay $0x3  }
0x36: {  	p1 =	seq.s32 s10, $0x1;
	s10 =	sld [smem:$0x3FB9];
	_ =	sdelay $0x3  }
0x37: {  	[smem:$0x3FB9] =	sst s10  }
0x38: {  	s10 =	sld [smem:$0x3FBA]  }
0x39: {  	_ = 	snop;
	(pc) =	sbr.ind lr, $3  }
0x3a: {  	_ = 	snop  }
0x3b: {  	_ = 	snop  }
0x3c: {  	p2 =	seq.s32 s10, $0x1;
	s10 =	sld [smem:$0x3FB9]  }
0x3d: {  	_ =	shalt  }
0x3e: {  	_ =	shalt  }
0x3f: {  	_ =	shalt  }
0x40: {  	_ =	shalt  }
0x41: {  	_ =	shalt  }
0x42: {  	_ =	shalt  }
0x43: {  	_ =	shalt  }
0x44: {  	_ =	shalt  }
0x45: {  	_ =	shalt  }
0x46: {  	_ =	shalt  }
0x47: {  	_ =	shalt  }
0x48: {  	_ =	shalt  }
0x49: {  	_ =	shalt  }
0x4a: {  	_ =	shalt  }
0x4b: {  	_ =	shalt  }
0x4c: {  	_ =	shalt  }
0x4d: {  	_ =	shalt  }
0x4e: {  	_ =	shalt  }
0x4f: {  	_ =	shalt  }
0x50: {  	_ =	shalt  }
0x51: {  	_ =	shalt  }
0x52: {  	_ =	shalt  }
0x53: {  	_ =	shalt  }
0x54: {  	_ =	shalt  }
0x55: {  	_ =	shalt  }
0x56: {  	_ =	shalt  }
0x57: {  	_ =	shalt  }
0x58: {  	_ =	shalt  }
0x59: {  	_ =	shalt  }
0x5a: {  	_ =	shalt  }
0x5b: {  	_ =	shalt  }
0x5c: {  	_ =	shalt  }
0x5d: {  	_ =	shalt  }
0x5e: {  	_ =	shalt  }
0x5f: {  	_ =	shalt  }
0x60: {  	_ =	shalt  }
0x61: {  	_ =	shalt  }
0x62: {  	_ =	shalt  }
0x63: {  	_ =	shalt  }
0x64: {  	_ =	shalt  }
0x65: {  	_ =	shalt  }
0x66: {  	_ =	shalt  }
0x67: {  	_ =	shalt  }
0x68: {  	_ =	shalt  }
0x69: {  	_ =	shalt  }
0x6a: {  	_ =	shalt  }
0x6b: {  	_ =	shalt  }
0x6c: {  	_ =	shalt  }
0x6d: {  	_ =	shalt  }
0x6e: {  	_ =	shalt  }
0x6f: {  	_ =	shalt  }
0x70: {  	_ =	shalt  }
0x71: {  	_ =	shalt  }
0x72: {  	_ =	shalt  }
0x73: {  	_ =	shalt  }
0x74: {  	_ =	shalt  }
0x75: {  	_ =	shalt  }
0x76: {  	_ =	shalt  }
0x77: {  	_ =	shalt  }
0x78: {  	_ =	shalt  }
0x79: {  	_ =	shalt  }
0x7a: {  	_ =	shalt  }
0x7b: {  	_ =	shalt  }
0x7c: {  	_ =	shalt  }
0x7d: {  	_ =	shalt  }
0x7e: {  	_ =	shalt  }
0x7f: {  	_ =	shalt  }
0x80: {  	_ =	shalt  }
0x81: {  	_ =	shalt  }
0x82: {  	_ =	shalt  }
0x83: {  	_ =	shalt  }
0x84: {  	_ =	shalt  }
0x85: {  	_ =	shalt  }
0x86: {  	_ =	shalt  }
0x87: {  	_ =	shalt  }
.Lfunc_end0:
.L_simem_size_0:
called_computation.3_lowered:
.L_overlay_start_0:
0x88: {  	s0 =	sld [smem:$0x3FD9]  }
0x89: {  	s1 =	sld [smem:$0x3FFE];
	_ =	sdelay $0x3  }
0x8a: {  	s0 =	sadd.s32 s1, s0  }
0x8b: {  	[smem:$0x3FC5] =	sst s0  }
0x8c: {  	_ = 	snop  }
0x8d: {  	(tm) =	ssettm $0x1  }
0x8e: {  	s15 =	sld [smem:$0x3FFB];
	_ =	sdelay $0x3  }
0x8f: {  	_ =	strace s15  }
0x90: {  	s0 =	sld [smem:$0x3FFC];
	_ =	sdelay $0x3  }
0x91: {  	_ =	strace s0  }
0x92: {  	s0 =	sld [smem:$0x3FFD];
	_ =	sdelay $0x3  }
0x93: {  	_ =	strace s0  }
0x94: {  	_ =	strace $0x8FFFFFFF  }
0x95: {  	s16 =	sld [smem:$0x3FDB];
	_ =	sdelay $0x1  }
0x96: {  	s17 =	simm.s32 $_scs_section_size  }
0x97: {  	s2 =	simm.s32 $_size__tile_overlayer_lowered;
	s3 =	simm.s32 $_tile_overlayer_lowered  }
0x98: {  	s20 =	simm.s32 $0x1BFF;
	s19 =	sshll.u32 s3, $0x1;
	s0 =	sadd.s32 s17, s16  }
0x99: {  	s4 =	simm.s32 $0x0;
	s18 =	sshll.u32 s2, $0x1;
	s2 =	sadd.s32 s19, s0  }
0x9a: {  	[timem:s4], [sflag:s20] =	dma.local [hbm:s2], s18  }
0x9b: {  	_ =	swait.ge [sflag:s20], s18  }
0x9c: {  	s1 =	ssub.s32 $0x0, s18;
	[sflag:s20] =	ssyncset.done $0x0  }
0x9d: {  	[sflag:s20] =	ssyncadd.s32 s1;
	_ =	sdelay $0x1  }
0x9e: {  	s21 =	simm.s32 $0x1B8B  }
0x9f: {  	_ =	swait.ge [sflag:s21], $0x1  }
0xa0: {  	[sflag:s21] =	ssyncset.done $0x0  }
0xa1: {  	s23 =	simm.s32 $0x1B8E;
	s22 =	sld [smem:$0x3FFE];
	[sflag:s21] =	ssyncadd.s32 $0xFFFFFFFF  }
0xa2: {  	s24 =	simm.s32 $execute0_lowered;
	[smem:$0x3FD2] =	sst s23  }
0xa3: {  	s2 =	sshll.u32 s24, $0x1;
	_ =	strace $0x8000004F;
	[dreg:$0x1] =	wrdreg $0xFFFFFFFF  }
0xa4: {  	s25 =	simm.s32 $_size_execute0_lowered;
	s0 =	sadd.s32 s0, s2;
	[dreg:$0x0] =	wrdreg $0x0  }
0xa5: {  	s2 =	sshll.u32 s25, $0x1;
	[dreg:$0x2] =	wrdreg s0  }
0xa6: {  	[dreg:$0x3] =	wrdreg s2  }
0xa7: {  	[dreg:$0x4] =	wrdreg $0xC0  }
0xa8: {  	_ =	task [dreg:s4], $0x5FFFF  }
0xa9: {  	[dreg:$0x1] =	wrdreg $0xFFFFFFFF  }
0xaa: {  	[dreg:$0x0] =	wrdreg $0x60  }
0xab: {  	[dreg:$0x2] =	wrdreg s22  }
0xac: {  	[dreg:$0x3] =	wrdreg $0x9  }
0xad: {  	_ =	task.clear_ibuf [dreg:s4], $0x4FFFF;
	_ =	strace $0x9000004F  }
0xae: {  	s26 =	simm.s32 $0x9;
	_ =	strace $0x80000051  }
0xaf: {  	_ =	swait.ge [sflag:s26], $0x1  }
0xb0: {  	[sflag:s26] =	ssyncadd.s32 $0xFFFFFFFF  }
0xb1: {  	_ =	strace $0x90000051  }
0xb2: {  	_ =	sfence  }
0xb3: {  	s28 =	sld [smem:$0x0];
	_ =	sdelay $0x1  }
0xb4: {  	s29 =	srdreg.scid  }
0xb5: {  	s30 =	sshll.u32 s29, $0xD;
	s31 =	sshrl.u32 s29, $0x2  }
0xb6: {  	s1 =	sand.u32 $0x1, s29;
	s2 =	sand.u32 $0x4000, s30;
	s0 =	sadd.s32 s31, s28  }
0xb7: {  	s1 =	sor.u32 s2, s1;
	s0 =	sshll.u32 s0, $0x11  }
0xb8: {  	s0 =	sor.u32 s0, s1  }
0xb9: {  	s0 =	sadd.s32 $0x8F2B, s0  }
0xba: {  	[sflag:s0] =	ssyncadd.remote.s32 $0x1  }
0xbb: {  	_ =	sfence.sel $0xFFFF  }
0xbc: {  	[dreg:$0x0] =	wrdreg $0xFFFFFFFF;
	(pc) =	sbr.abs _section_cstart, $3  }
0xbd: {  	[dreg:$0x1] =	wrdreg $0xFFFFFFFF  }
0xbe: {  	_ =	task.clear_ibuf [dreg:s4], $0x2FFFF;
	_ =	strace $0x9FFFFFFF  }
0xbf: {  	(tm) =	ssettm $0x7FFFFFFF  }
tec
execute0_lowered:
.L_overlay_start_1:
0x0: {  	(tag) =	ssettag $0x1  }
0x1: {  	s5 =	rddreg [dreg:$0x0]  }
0x2: {  	s0 =	rddreg [dreg:$0x1]  }
0x3: {  	_ =	strace $0x80000050;
	s1 =	stileid.u32;
	s6 =	simm.s32 $0x1  }
0x4: {  	s8 =	simm.s32 $0x2;
	s30 =	simm.s32 $0x3;
	s12 =	simm.s32 $0x0  }
0x5: {  	s9 =	simm.s32 $0x0;
	s10 =	simm.s32 $0x0;
	s4 =	sshll.u32 s1, $0x4  }
0x6: {  	s2 =	sadd.s32 $0x8600, s5;
	s3 =	sadd.s32 $0x351C000, s5;
	s7 =	ssub.s32 $0x67E0, s4  }
0x7: {  	s5 =	sadd.s32 $0x351A400, s5;
	[sflag:s6] =	ssyncpa.u1 $0x0;
	s6 =	sshrl.u32 s7, $0x8  }
0x8: {  	[sflag:s8] =	ssyncpa.u1 $0x0;
	s11 =	smov.u32 s4;
	s31 =	sshll.u32 s6, $0x4  }
0x9: {  	[sflag:s30] =	ssyncpa.u1 $0x0;
	s7 =	sadd.s32 $0x2, s6;
	s8 =	sadd.s32 $0x30, s31  }
.LBB2_1:
0xa: {  	p0 =	sgt.u32 s10, s6  }
0xb: {  	s13 =	sxor.u32 @!p0 $0xFFFFFFFF, s9;
	s14 =	sshrl.u32 @!p0 s11, $0x3  }
0xc: {  	s15 =	sand.u32 @!p0 $0x7, s11;
	s13 =	sand.u32 @!p0 $0x10, s13;
	s14 =	sadd.s32 @!p0 s3, s14  }
0xd: {  	[tilespmem:s13], [sflag:$0x2] =	stream.linear.gather @!p0 [hbm4b:s14+s15], $0x10, $0x38;
	[tilespmem:$0x40] =	vst v63  }
0xe: {  	p0 =	seq.s32 s9, $0x0  }
0xf: {  	p1 =	sge.u32 @!p0 s10, s7  }
0x10: {  	p0 =	por p1, p0  }
0x11: {  	s13 =	simm.s32 @!p0 $0x2  }
0x12: {  	_ =	swait.ge @!p0 [sflag:s13], $0x10  }
0x13: {  	[sflag:s13] =	ssyncset.done @!p0 $0x0  }
0x14: {  	[sflag:s13] =	ssyncadd.s32 @!p0 $0xFFFFFFF0;
	s13 =	sand.u32 @!p0 $0x10, s9  }
0x15: {  	(ifvalue) =	ssetifvalue @!p0 $0x7FFFFFFF;
	v0 =	vld.msk @!p0 [tilespmem:s13+$0x0 ss:$0x1], $0xffff;
	_ =	sdelay $0x4  }
0x16: {  	vm0 =	veq.s32 @!p0 v0, $0x80000000  }
0x17: {  	v1 =	vand.u32 @!p0 $0xFF, v0;
	v2 =	vshrl.u32 @!p0 v0, $0x8;
	v0 =	vshrl.u32 @!p0 v0, $0x10  }
0x18: {  	v2 =	vand.u32 @!p0 $0xFF, v2;
	v0 =	vand.u32 @!p0 $0x3FFF, v0;
	v1 =	vmul.u32 @!p0 $0x2C0000, v1  }
0x19: {  	v2 =	vsel @!p0 vm0, $0xFFFFFFFF, v2;
	v0 =	vsel @!p0 vm0, $0xFFFFFFFF, v0  }
0x1a: {  	v3 =	vand.u32 @!p0 $0x7F, v0;
	v1 =	vsel @!p0 vm0, $0xFFD40000, v1;
	v4 =	vshll.u32 @!p0 v2, $0xE  }
0x1b: {  	v0 =	vshll.u32 @!p0 v0, $0x3;
	v4 =	vand.u32 @!p0 $0xFFFE0000, v4;
	v1 =	vor.u32 @!p0 v1, v3  }
0x1c: {  	v2 =	vshll.u32 @!p0 v2, $0x7;
	v0 =	vand.u32 @!p0 $0xFFFFFC00, v0;
	v1 =	vadd.s32 @!p0 v4, v1  }
0x1d: {  	v2 =	vand.u32 @!p0 $0x380, v2;
	v0 =	vadd.s32 @!p0 v0, v1  }
0x1e: {  	v0 =	vor.u32 @!p0 v2, v0;
	_ =	sdelay $0x3  }
0x1f: {  	s14 =	simm.s32 @!p0 $0x0;
	s13 =	sor.u32 @!p0 $0x20, s13;
	(ifvalue) =	ssetifvalue @!p0 $0x7FFFFFFF;
	vm0 =	vmmov @!p0 $0xffff  }
0x20: {  	[tilespmem:s13], [sflag:$0x1] =	stream.indirect_vreg.gather @!p0 [hbm4b:s2+s14], $0x1, v0, vm0, $0x4038;
	[tilespmem:$0x40] =	vst v63  }
0x21: {  	s14 =	simm.s32 @!p0 $0x1  }
0x22: {  	_ =	swait.ge @!p0 [sflag:s14], $0x10  }
0x23: {  	s15 =	sshrl.u32 @!p0 s12, $0x3;
	[sflag:s14] =	ssyncset.done @!p0 $0x0  }
0x24: {  	s12 =	sand.u32 @!p0 $0x7, s12;
	[sflag:s14] =	ssyncadd.s32 @!p0 $0xFFFFFFF0;
	s14 =	sadd.s32 @!p0 s5, s15  }
0x25: {  	[hbm4b:s14+s12] =	stream.linear.scatter @!p0 [tilespmem:s13], [sflag:$0x3], $0x10, $0x38;
	[tilespmem:$0x40] =	vst v63  }
0x26: {  	s14 =	sadd.s32 $0x100, s11  }
0x27: {  	s9 =	sadd.s32 $0x10, s9;
	p1 =	sgt.s32 s14, $0x67E7  }
0x28: {  	s14 =	smov.u32 @p1 s4;
	p1 =	sne.s32 s8, s9  }
.Ltmp0:
0x29: {  	p0 =	slt.u32 s10, $0x2;
	(pc) =	sbr.rel @p1 .LBB2_1-.Ltmp0, $4  }
0x2a: {  	s13 =	simm.s32 @!p0 $0x3  }
0x2b: {  	_ =	swait.ge @!p0 [sflag:s13], $0x10  }
0x2c: {  	s12 =	smov.u32 s11;
	[sflag:s13] =	ssyncset.done @!p0 $0x0  }
0x2d: {  	s10 =	sadd.s32 $0x1, s10;
	s11 =	smov.u32 s14;
	[sflag:s13] =	ssyncadd.s32 @!p0 $0xFFFFFFF0  }
0x2e: {  	_ =	sfence.sel $0x180000  }
0x2f: {  	s2 =	simm.s32 $0x2;
	[bflag:$0x0] =	sbarrier.arrive $0xFFFF  }
0x30: {  	s30 =	simm.s32 $0x3;
	[sflag:s2] =	ssyncpa.u1 $0x1  }
0x31: {  	s31 =	simm.s32 $0x1;
	[sflag:s30] =	ssyncpa.u1 $0x1  }
0x32: {  	[sflag:s31] =	ssyncpa.u1 $0x1  }
0x33: {  	p0 =	sne.s32 s1, $0x0;
	_ =	strace $0x90000050  }
0x34: {  	s0 =	sadd.s32 @!p0 $0x100000, s0;
	[bflag:$0x2] =	sbarrier.arrive $0xFFFF  }
0x35: {  	[sflag:s0] =	ssyncadd.tile.s32 @!p0 $0x1;
	_ =	shalt  }
.Lfunc_end2:
_tile_overlayer_lowered:
.L_overlay_start_2:
0x36: {  	(tag) =	ssettag $0x2  }
0x37: {  	s0 =	rddreg [dreg:$0x0];
	s2 =	stileid.u32  }
0x38: {  	s1 =	rddreg [dreg:$0x1];
	p0 =	sne.s32 s2, $0x0  }
0x39: {  	s3 =	rddreg [dreg:$0x2];
	[bflag:$0x3] =	sbarrier.arrive $0xFFFF;
	s2 =	simm.s32 @!p0 $0x1C01  }
0x3a: {  	[timem:s3], [sflag:s2] =	dma.local @!p0 [hbm:s0], s1  }
0x3b: {  	s0 =	simm.s32 @!p0 $0x1  }
0x3c: {  	_ =	swait.ge @!p0 [sflag:s0], s1  }
0x3d: {  	s1 =	ssub.s32 @!p0 $0x0, s1;
	[sflag:s0] =	ssyncset.done @!p0 $0x0  }
0x3e: {  	[sflag:s0] =	ssyncadd.s32 @!p0 s1  }
0x3f: {  	[bflag:$0x3] =	sbarrier.arrive $0xFFFF  }
0x40: {  	_ =	shalt  }

// kernel: gather_offload_async_start.4
scs
__scs_entry_jumppad:
0x0: {  	(pc) =	sbr.rel $0x88, $3  }
0x1: {  	(tag) =	ssettag $0x0;
	lr =	simm.s32 $0x1  }
0x2: {  	[smem:$0x3F9E] =	sst lr;
	_ =	strace $0xD0000000  }
0x3: {  	_ = 	snop  }
0x4: {  	_ = 	snop  }
0x5: {  	_ = 	snop  }
0x6: {  	_ = 	snop  }
0x7: {  	_ = 	snop  }
__scs_overlays_trampoline_lowered:
0x8: {  	[smem:$0x3FAD] =	sst s0  }
0x9: {  	[smem:$0x3FAE] =	sst s1  }
0xa: {  	[smem:$0x3FAF] =	sst s2  }
0xb: {  	[smem:$0x3FB0] =	sst s3  }
0xc: {  	[smem:$0x3FB1] =	sst s4  }
0xd: {  	[smem:$0x3FB2] =	sst s5  }
0xe: {  	[smem:$0x3FB3] =	sst s6  }
0xf: {  	[smem:$0x3FB4] =	sst s7  }
0x10: {  	[smem:$0x3FB5] =	sst s8  }
0x11: {  	[smem:$0x3FB6] =	sst s9;
	s0 =	simm.s32 @!p0 $0x0  }
0x12: {  	s1 =	sld [smem:$0x3F9C];
	s0 =	simm.s32 @p0 $0x1  }
0x13: {  	[smem:$0x3FB7] =	sst s0;
	s0 =	simm.s32 @!p1 $0x0  }
0x14: {  	s2 =	sld [smem:$0x3F9B];
	s0 =	simm.s32 @p1 $0x1  }
0x15: {  	[smem:$0x3FB8] =	sst s0;
	s0 =	simm.s32 @!p2 $0x0  }
0x16: {  	s3 =	sld [smem:$0x3FDB];
	s0 =	simm.s32 @p2 $0x1  }
0x17: {  	s4 =	simm.s32 $0x1BF5;
	[smem:$0x3FBA] =	sst s0  }
0x18: {  	s0 =	sld [smem:$0x3F9D];
	_ =	swait.ge [sflag:s4], $0x0  }
0x19: {  	s7 =	sld [smem:$0x3F9E]  }
0x1a: {  	s8 =	sadd.s32 $0xFFFFE003, lr  }
0x1b: {  	s9 =	sadd.s32 $0xFFFFFEF7, lr;
	s5 =	simm.s32 $0xFFFFFFFF;
	p2 =	slt.u32 s8, $0xFFFFF086  }
0x1c: {  	p1 =	slt.u32 s9, $0xF7A;
	s5 =	simm.s32 @!p2 $0x0  }
0x1d: {  	s5 =	simm.s32 @p1 $0x1;
	p0 =	seq.s32 s7, s2  }
0x1e: {  	s7 =	smul.u32 @!p0 $0xF7A, s2;
	p2 =	seq.s32 @!p0 s5, $0x0  }
0x1f: {  	s9 =	smul.u32 $0xF7A, s1;
	s8 =	simm.s32 @!p0 $0x1BF5;
	p2 =	por !p2, p0  }
0x20: {  	[sflag:s8] =	ssyncset.s32 @!p0 $0xFFFFF086;
	s6 =	sadd.s32 @!p0 s3, s7;
	s7 =	simm.s32 @!p0 $0x108  }
0x21: {  	s3 =	sadd.s32 s3, s9;
	s6 =	sadd.s32 @!p0 $0x88, s6;
	s7 =	simm.s32 @p2 $0x1082  }
0x22: {  	[simem:s7], [sflag:s8] =	dma.local @!p0 [hbm:s6], $0xF7A  }
0x23: {  	s9 =	sor.u32 $0xD0000000, s2;
	s6 =	simm.s32 $0x108;
	_ =	swait.ge @!p0 [sflag:s8], $0x0  }
0x24: {  	s3 =	sadd.s32 $0x88, s3;
	s6 =	simm.s32 @!p1 $0x1082;
	[sflag:s4] =	ssyncset.s32 $0xFFFFF086  }
0x25: {  	[simem:s6], [sflag:s4] =	dma.local [hbm:s3], $0xF7A  }
0x26: {  	[smem:$0x3F9E] =	sst s1;
	(tag) =	ssettag s2;
	_ =	strace s9  }
0x27: {  	s1 =	sld [smem:$0x3FAE]  }
0x28: {  	s2 =	sld [smem:$0x3FAF]  }
0x29: {  	s4 =	sld [smem:$0x3FB1]  }
0x2a: {  	p0 =	seq.s32 s5, $0x0;
	s5 =	sld [smem:$0x3FB2]  }
0x2b: {  	s6 =	sld [smem:$0x3FB3]  }
0x2c: {  	s7 =	sld [smem:$0x3FB4]  }
0x2d: {  	s3 =	simm.s32 $0x108;
	s8 =	sld [smem:$0x3FB5]  }
0x2e: {  	s3 =	simm.s32 @!p0 $0x1082;
	s9 =	sld [smem:$0x3FB6]  }
0x2f: {  	lr =	sadd.s32 s0, s3;
	s0 =	sld [smem:$0x3FAD]  }
0x30: {  	s3 =	sld [smem:$0x3FB0]  }
0x31: {  	[smem:$0x3FB9] =	sst s10  }
0x32: {  	s10 =	sld [smem:$0x3FB7];
	_ =	sdelay $0x3  }
0x33: {  	p0 =	seq.s32 s10, $0x1;
	s10 =	sld [smem:$0x3FB9];
	_ =	sdelay $0x3  }
0x34: {  	[smem:$0x3FB9] =	sst s10  }
0x35: {  	s10 =	sld [smem:$0x3FB8];
	_ =	sdelay $0x3  }
0x36: {  	p1 =	seq.s32 s10, $0x1;
	s10 =	sld [smem:$0x3FB9];
	_ =	sdelay $0x3  }
0x37: {  	[smem:$0x3FB9] =	sst s10  }
0x38: {  	s10 =	sld [smem:$0x3FBA]  }
0x39: {  	_ = 	snop;
	(pc) =	sbr.ind lr, $3  }
0x3a: {  	_ = 	snop  }
0x3b: {  	_ = 	snop  }
0x3c: {  	p2 =	seq.s32 s10, $0x1;
	s10 =	sld [smem:$0x3FB9]  }
0x3d: {  	_ =	shalt  }
0x3e: {  	_ =	shalt  }
0x3f: {  	_ =	shalt  }
0x40: {  	_ =	shalt  }
0x41: {  	_ =	shalt  }
0x42: {  	_ =	shalt  }
0x43: {  	_ =	shalt  }
0x44: {  	_ =	shalt  }
0x45: {  	_ =	shalt  }
0x46: {  	_ =	shalt  }
0x47: {  	_ =	shalt  }
0x48: {  	_ =	shalt  }
0x49: {  	_ =	shalt  }
0x4a: {  	_ =	shalt  }
0x4b: {  	_ =	shalt  }
0x4c: {  	_ =	shalt  }
0x4d: {  	_ =	shalt  }
0x4e: {  	_ =	shalt  }
0x4f: {  	_ =	shalt  }
0x50: {  	_ =	shalt  }
0x51: {  	_ =	shalt  }
0x52: {  	_ =	shalt  }
0x53: {  	_ =	shalt  }
0x54: {  	_ =	shalt  }
0x55: {  	_ =	shalt  }
0x56: {  	_ =	shalt  }
0x57: {  	_ =	shalt  }
0x58: {  	_ =	shalt  }
0x59: {  	_ =	shalt  }
0x5a: {  	_ =	shalt  }
0x5b: {  	_ =	shalt  }
0x5c: {  	_ =	shalt  }
0x5d: {  	_ =	shalt  }
0x5e: {  	_ =	shalt  }
0x5f: {  	_ =	shalt  }
0x60: {  	_ =	shalt  }
0x61: {  	_ =	shalt  }
0x62: {  	_ =	shalt  }
0x63: {  	_ =	shalt  }
0x64: {  	_ =	shalt  }
0x65: {  	_ =	shalt  }
0x66: {  	_ =	shalt  }
0x67: {  	_ =	shalt  }
0x68: {  	_ =	shalt  }
0x69: {  	_ =	shalt  }
0x6a: {  	_ =	shalt  }
0x6b: {  	_ =	shalt  }
0x6c: {  	_ =	shalt  }
0x6d: {  	_ =	shalt  }
0x6e: {  	_ =	shalt  }
0x6f: {  	_ =	shalt  }
0x70: {  	_ =	shalt  }
0x71: {  	_ =	shalt  }
0x72: {  	_ =	shalt  }
0x73: {  	_ =	shalt  }
0x74: {  	_ =	shalt  }
0x75: {  	_ =	shalt  }
0x76: {  	_ =	shalt  }
0x77: {  	_ =	shalt  }
0x78: {  	_ =	shalt  }
0x79: {  	_ =	shalt  }
0x7a: {  	_ =	shalt  }
0x7b: {  	_ =	shalt  }
0x7c: {  	_ =	shalt  }
0x7d: {  	_ =	shalt  }
0x7e: {  	_ =	shalt  }
0x7f: {  	_ =	shalt  }
0x80: {  	_ =	shalt  }
0x81: {  	_ =	shalt  }
0x82: {  	_ =	shalt  }
0x83: {  	_ =	shalt  }
0x84: {  	_ =	shalt  }
0x85: {  	_ =	shalt  }
0x86: {  	_ =	shalt  }
0x87: {  	_ =	shalt  }
.Lfunc_end0:
.L_simem_size_0:
called_computation.4_lowered:
.L_overlay_start_0:
0x88: {  	s0 =	sld [smem:$0x3FD9]  }
0x89: {  	s1 =	sld [smem:$0x3FFE];
	_ =	sdelay $0x3  }
0x8a: {  	s0 =	sadd.s32 s1, s0  }
0x8b: {  	[smem:$0x3FC5] =	sst s0  }
0x8c: {  	_ = 	snop  }
0x8d: {  	(tm) =	ssettm $0x1  }
0x8e: {  	s15 =	sld [smem:$0x3FFB];
	_ =	sdelay $0x3  }
0x8f: {  	_ =	strace s15  }
0x90: {  	s0 =	sld [smem:$0x3FFC];
	_ =	sdelay $0x3  }
0x91: {  	_ =	strace s0  }
0x92: {  	s0 =	sld [smem:$0x3FFD];
	_ =	sdelay $0x3  }
0x93: {  	_ =	strace s0  }
0x94: {  	_ =	strace $0x8FFFFFFF  }
0x95: {  	s16 =	sld [smem:$0x3FDB];
	_ =	sdelay $0x1  }
0x96: {  	s17 =	simm.s32 $_scs_section_size  }
0x97: {  	s2 =	simm.s32 $_size__tile_overlayer_lowered;
	s3 =	simm.s32 $_tile_overlayer_lowered  }
0x98: {  	s20 =	simm.s32 $0x1BFF;
	s19 =	sshll.u32 s3, $0x1;
	s0 =	sadd.s32 s17, s16  }
0x99: {  	s4 =	simm.s32 $0x0;
	s18 =	sshll.u32 s2, $0x1;
	s2 =	sadd.s32 s19, s0  }
0x9a: {  	[timem:s4], [sflag:s20] =	dma.local [hbm:s2], s18  }
0x9b: {  	_ =	swait.ge [sflag:s20], s18  }
0x9c: {  	s1 =	ssub.s32 $0x0, s18;
	[sflag:s20] =	ssyncset.done $0x0  }
0x9d: {  	[sflag:s20] =	ssyncadd.s32 s1;
	_ =	sdelay $0x1  }
0x9e: {  	s21 =	simm.s32 $0x1B8B  }
0x9f: {  	_ =	swait.ge [sflag:s21], $0x1  }
0xa0: {  	[sflag:s21] =	ssyncset.done $0x0  }
0xa1: {  	s23 =	simm.s32 $0x1B8E;
	s22 =	sld [smem:$0x3FFE];
	[sflag:s21] =	ssyncadd.s32 $0xFFFFFFFF  }
0xa2: {  	s24 =	simm.s32 $execute0_lowered;
	[smem:$0x3FD2] =	sst s23  }
0xa3: {  	s2 =	sshll.u32 s24, $0x1;
	_ =	strace $0x80000052;
	[dreg:$0x1] =	wrdreg $0xFFFFFFFF  }
0xa4: {  	s25 =	simm.s32 $_size_execute0_lowered;
	s0 =	sadd.s32 s0, s2;
	[dreg:$0x0] =	wrdreg $0x0  }
0xa5: {  	s2 =	sshll.u32 s25, $0x1;
	[dreg:$0x2] =	wrdreg s0  }
0xa6: {  	[dreg:$0x3] =	wrdreg s2  }
0xa7: {  	[dreg:$0x4] =	wrdreg $0xC0  }
0xa8: {  	_ =	task [dreg:s4], $0x5FFFF  }
0xa9: {  	[dreg:$0x1] =	wrdreg $0xFFFFFFFF  }
0xaa: {  	[dreg:$0x0] =	wrdreg $0x60  }
0xab: {  	[dreg:$0x2] =	wrdreg s22  }
0xac: {  	[dreg:$0x3] =	wrdreg $0xA  }
0xad: {  	_ =	task.clear_ibuf [dreg:s4], $0x4FFFF;
	_ =	strace $0x90000052  }
0xae: {  	s26 =	simm.s32 $0xA;
	_ =	strace $0x80000054  }
0xaf: {  	_ =	swait.ge [sflag:s26], $0x1  }
0xb0: {  	[sflag:s26] =	ssyncadd.s32 $0xFFFFFFFF  }
0xb1: {  	_ =	strace $0x90000054  }
0xb2: {  	_ =	sfence  }
0xb3: {  	s28 =	sld [smem:$0x0];
	_ =	sdelay $0x1  }
0xb4: {  	s29 =	srdreg.scid  }
0xb5: {  	s30 =	sshll.u32 s29, $0xD;
	s31 =	sshrl.u32 s29, $0x2  }
0xb6: {  	s1 =	sand.u32 $0x1, s29;
	s2 =	sand.u32 $0x4000, s30;
	s0 =	sadd.s32 s31, s28  }
0xb7: {  	s1 =	sor.u32 s2, s1;
	s0 =	sshll.u32 s0, $0x11  }
0xb8: {  	s0 =	sor.u32 s0, s1  }
0xb9: {  	s0 =	sadd.s32 $0x8F2B, s0  }
0xba: {  	[sflag:s0] =	ssyncadd.remote.s32 $0x1  }
0xbb: {  	_ =	sfence.sel $0xFFFF  }
0xbc: {  	[dreg:$0x0] =	wrdreg $0xFFFFFFFF;
	(pc) =	sbr.abs _section_cstart, $3  }
0xbd: {  	[dreg:$0x1] =	wrdreg $0xFFFFFFFF  }
0xbe: {  	_ =	task.clear_ibuf [dreg:s4], $0x2FFFF;
	_ =	strace $0x9FFFFFFF  }
0xbf: {  	(tm) =	ssettm $0x7FFFFFFF  }
tec
execute0_lowered:
.L_overlay_start_1:
0x0: {  	(tag) =	ssettag $0x1  }
0x1: {  	s5 =	rddreg [dreg:$0x0]  }
0x2: {  	s0 =	rddreg [dreg:$0x1]  }
0x3: {  	_ =	strace $0x80000053;
	s1 =	stileid.u32;
	s6 =	simm.s32 $0x1  }
0x4: {  	s8 =	simm.s32 $0x2;
	s30 =	simm.s32 $0x3;
	s12 =	simm.s32 $0x0  }
0x5: {  	s9 =	simm.s32 $0x0;
	s10 =	simm.s32 $0x0;
	s4 =	sshll.u32 s1, $0x4  }
0x6: {  	s2 =	sadd.s32 $0x3583200, s5;
	s3 =	sadd.s32 $0x7A00, s5;
	s7 =	ssub.s32 $0x2C80, s4  }
0x7: {  	s5 =	sadd.s32 $0x357BE00, s5;
	[sflag:s6] =	ssyncpa.u1 $0x0;
	s6 =	sshrl.u32 s7, $0x8  }
0x8: {  	[sflag:s8] =	ssyncpa.u1 $0x0;
	s11 =	smov.u32 s4;
	s31 =	sshll.u32 s6, $0x4  }
0x9: {  	[sflag:s30] =	ssyncpa.u1 $0x0;
	s7 =	sadd.s32 $0x2, s6;
	s8 =	sadd.s32 $0x30, s31  }
.LBB2_1:
0xa: {  	p0 =	sgt.u32 s10, s6  }
0xb: {  	s13 =	sxor.u32 @!p0 $0xFFFFFFFF, s9;
	s14 =	sshrl.u32 @!p0 s11, $0x3  }
0xc: {  	s15 =	sand.u32 @!p0 $0x7, s11;
	s13 =	sand.u32 @!p0 $0x10, s13;
	s14 =	sadd.s32 @!p0 s3, s14  }
0xd: {  	[tilespmem:s13], [sflag:$0x2] =	stream.linear.gather @!p0 [hbm4b:s14+s15], $0x10, $0x38;
	[tilespmem:$0x40] =	vst v63  }
0xe: {  	p0 =	seq.s32 s9, $0x0  }
0xf: {  	p1 =	sge.u32 @!p0 s10, s7  }
0x10: {  	p0 =	por p1, p0  }
0x11: {  	s13 =	simm.s32 @!p0 $0x2  }
0x12: {  	_ =	swait.ge @!p0 [sflag:s13], $0x10  }
0x13: {  	[sflag:s13] =	ssyncset.done @!p0 $0x0  }
0x14: {  	[sflag:s13] =	ssyncadd.s32 @!p0 $0xFFFFFFF0;
	s13 =	sand.u32 @!p0 $0x10, s9  }
0x15: {  	(ifvalue) =	ssetifvalue @!p0 $0x7FFFFFFF;
	v0 =	vld.msk @!p0 [tilespmem:s13+$0x0 ss:$0x1], $0xffff;
	_ =	sdelay $0x4  }
0x16: {  	vm0 =	veq.s32 @!p0 v0, $0x80000000  }
0x17: {  	v1 =	vand.u32 @!p0 $0xFF, v0;
	v2 =	vshrl.u32 @!p0 v0, $0x8;
	v0 =	vshrl.u32 @!p0 v0, $0xF  }
0x18: {  	v2 =	vand.u32 @!p0 $0x7F, v2;
	v0 =	vand.u32 @!p0 $0x3FFF, v0;
	v1 =	vmul.u32 @!p0 $0x140000, v1  }
0x19: {  	v2 =	vsel @!p0 vm0, $0xFFFFFFFF, v2;
	v0 =	vsel @!p0 vm0, $0xFFFFFFFF, v0  }
0x1a: {  	v3 =	vand.u32 @!p0 $0x7F, v0;
	v1 =	vsel @!p0 vm0, $0xFFEC0000, v1;
	v4 =	vshll.u32 @!p0 v2, $0xE  }
0x1b: {  	v0 =	vshll.u32 @!p0 v0, $0x3;
	v4 =	vand.u32 @!p0 $0xFFFE0000, v4;
	v1 =	vor.u32 @!p0 v1, v3  }
0x1c: {  	v2 =	vshll.u32 @!p0 v2, $0x7;
	v0 =	vand.u32 @!p0 $0xFFFFFC00, v0;
	v1 =	vadd.s32 @!p0 v4, v1  }
0x1d: {  	v2 =	vand.u32 @!p0 $0x380, v2;
	v0 =	vadd.s32 @!p0 v0, v1  }
0x1e: {  	v0 =	vor.u32 @!p0 v2, v0;
	_ =	sdelay $0x3  }
0x1f: {  	s14 =	simm.s32 @!p0 $0x0;
	s13 =	sor.u32 @!p0 $0x20, s13;
	(ifvalue) =	ssetifvalue @!p0 $0x7FFFFFFF;
	vm0 =	vmmov @!p0 $0xffff  }
0x20: {  	[tilespmem:s13], [sflag:$0x1] =	stream.indirect_vreg.gather @!p0 [hbm4b:s2+s14], $0x1, v0, vm0, $0x4038;
	[tilespmem:$0x40] =	vst v63  }
0x21: {  	s14 =	simm.s32 @!p0 $0x1  }
0x22: {  	_ =	swait.ge @!p0 [sflag:s14], $0x10  }
0x23: {  	s15 =	sshrl.u32 @!p0 s12, $0x3;
	[sflag:s14] =	ssyncset.done @!p0 $0x0  }
0x24: {  	s12 =	sand.u32 @!p0 $0x7, s12;
	[sflag:s14] =	ssyncadd.s32 @!p0 $0xFFFFFFF0;
	s14 =	sadd.s32 @!p0 s5, s15  }
0x25: {  	[hbm4b:s14+s12] =	stream.linear.scatter @!p0 [tilespmem:s13], [sflag:$0x3], $0x10, $0x38;
	[tilespmem:$0x40] =	vst v63  }
0x26: {  	s14 =	sadd.s32 $0x100, s11  }
0x27: {  	s9 =	sadd.s32 $0x10, s9;
	p1 =	sgt.s32 s14, $0x2C87  }
0x28: {  	s14 =	smov.u32 @p1 s4;
	p1 =	sne.s32 s8, s9  }
.Ltmp0:
0x29: {  	p0 =	slt.u32 s10, $0x2;
	(pc) =	sbr.rel @p1 .LBB2_1-.Ltmp0, $4  }
0x2a: {  	s13 =	simm.s32 @!p0 $0x3  }
0x2b: {  	_ =	swait.ge @!p0 [sflag:s13], $0x10  }
0x2c: {  	s12 =	smov.u32 s11;
	[sflag:s13] =	ssyncset.done @!p0 $0x0  }
0x2d: {  	s10 =	sadd.s32 $0x1, s10;
	s11 =	smov.u32 s14;
	[sflag:s13] =	ssyncadd.s32 @!p0 $0xFFFFFFF0  }
0x2e: {  	_ =	sfence.sel $0x180000  }
0x2f: {  	s2 =	simm.s32 $0x2;
	[bflag:$0x0] =	sbarrier.arrive $0xFFFF  }
0x30: {  	s30 =	simm.s32 $0x3;
	[sflag:s2] =	ssyncpa.u1 $0x1  }
0x31: {  	s31 =	simm.s32 $0x1;
	[sflag:s30] =	ssyncpa.u1 $0x1  }
0x32: {  	[sflag:s31] =	ssyncpa.u1 $0x1  }
0x33: {  	p0 =	sne.s32 s1, $0x0;
	_ =	strace $0x90000053  }
0x34: {  	s0 =	sadd.s32 @!p0 $0x100000, s0;
	[bflag:$0x2] =	sbarrier.arrive $0xFFFF  }
0x35: {  	[sflag:s0] =	ssyncadd.tile.s32 @!p0 $0x1;
	_ =	shalt  }
.Lfunc_end2:
_tile_overlayer_lowered:
.L_overlay_start_2:
0x36: {  	(tag) =	ssettag $0x2  }
0x37: {  	s0 =	rddreg [dreg:$0x0];
	s2 =	stileid.u32  }
0x38: {  	s1 =	rddreg [dreg:$0x1];
	p0 =	sne.s32 s2, $0x0  }
0x39: {  	s3 =	rddreg [dreg:$0x2];
	[bflag:$0x3] =	sbarrier.arrive $0xFFFF;
	s2 =	simm.s32 @!p0 $0x1C01  }
0x3a: {  	[timem:s3], [sflag:s2] =	dma.local @!p0 [hbm:s0], s1  }
0x3b: {  	s0 =	simm.s32 @!p0 $0x1  }
0x3c: {  	_ =	swait.ge @!p0 [sflag:s0], s1  }
0x3d: {  	s1 =	ssub.s32 @!p0 $0x0, s1;
	[sflag:s0] =	ssyncset.done @!p0 $0x0  }
0x3e: {  	[sflag:s0] =	ssyncadd.s32 @!p0 s1  }
0x3f: {  	[bflag:$0x3] =	sbarrier.arrive $0xFFFF  }
0x40: {  	_ =	shalt  }

// kernel: gather_offload_async_start.5
scs
__scs_entry_jumppad:
0x0: {  	(pc) =	sbr.rel $0x88, $3  }
0x1: {  	(tag) =	ssettag $0x0;
	lr =	simm.s32 $0x1  }
0x2: {  	[smem:$0x3F9E] =	sst lr;
	_ =	strace $0xD0000000  }
0x3: {  	_ = 	snop  }
0x4: {  	_ = 	snop  }
0x5: {  	_ = 	snop  }
0x6: {  	_ = 	snop  }
0x7: {  	_ = 	snop  }
__scs_overlays_trampoline_lowered:
0x8: {  	[smem:$0x3FAD] =	sst s0  }
0x9: {  	[smem:$0x3FAE] =	sst s1  }
0xa: {  	[smem:$0x3FAF] =	sst s2  }
0xb: {  	[smem:$0x3FB0] =	sst s3  }
0xc: {  	[smem:$0x3FB1] =	sst s4  }
0xd: {  	[smem:$0x3FB2] =	sst s5  }
0xe: {  	[smem:$0x3FB3] =	sst s6  }
0xf: {  	[smem:$0x3FB4] =	sst s7  }
0x10: {  	[smem:$0x3FB5] =	sst s8  }
0x11: {  	[smem:$0x3FB6] =	sst s9;
	s0 =	simm.s32 @!p0 $0x0  }
0x12: {  	s1 =	sld [smem:$0x3F9C];
	s0 =	simm.s32 @p0 $0x1  }
0x13: {  	[smem:$0x3FB7] =	sst s0;
	s0 =	simm.s32 @!p1 $0x0  }
0x14: {  	s2 =	sld [smem:$0x3F9B];
	s0 =	simm.s32 @p1 $0x1  }
0x15: {  	[smem:$0x3FB8] =	sst s0;
	s0 =	simm.s32 @!p2 $0x0  }
0x16: {  	s3 =	sld [smem:$0x3FDB];
	s0 =	simm.s32 @p2 $0x1  }
0x17: {  	s4 =	simm.s32 $0x1BF5;
	[smem:$0x3FBA] =	sst s0  }
0x18: {  	s0 =	sld [smem:$0x3F9D];
	_ =	swait.ge [sflag:s4], $0x0  }
0x19: {  	s7 =	sld [smem:$0x3F9E]  }
0x1a: {  	s8 =	sadd.s32 $0xFFFFE003, lr  }
0x1b: {  	s9 =	sadd.s32 $0xFFFFFEF7, lr;
	s5 =	simm.s32 $0xFFFFFFFF;
	p2 =	slt.u32 s8, $0xFFFFF086  }
0x1c: {  	p1 =	slt.u32 s9, $0xF7A;
	s5 =	simm.s32 @!p2 $0x0  }
0x1d: {  	s5 =	simm.s32 @p1 $0x1;
	p0 =	seq.s32 s7, s2  }
0x1e: {  	s7 =	smul.u32 @!p0 $0xF7A, s2;
	p2 =	seq.s32 @!p0 s5, $0x0  }
0x1f: {  	s9 =	smul.u32 $0xF7A, s1;
	s8 =	simm.s32 @!p0 $0x1BF5;
	p2 =	por !p2, p0  }
0x20: {  	[sflag:s8] =	ssyncset.s32 @!p0 $0xFFFFF086;
	s6 =	sadd.s32 @!p0 s3, s7;
	s7 =	simm.s32 @!p0 $0x108  }
0x21: {  	s3 =	sadd.s32 s3, s9;
	s6 =	sadd.s32 @!p0 $0x88, s6;
	s7 =	simm.s32 @p2 $0x1082  }
0x22: {  	[simem:s7], [sflag:s8] =	dma.local @!p0 [hbm:s6], $0xF7A  }
0x23: {  	s9 =	sor.u32 $0xD0000000, s2;
	s6 =	simm.s32 $0x108;
	_ =	swait.ge @!p0 [sflag:s8], $0x0  }
0x24: {  	s3 =	sadd.s32 $0x88, s3;
	s6 =	simm.s32 @!p1 $0x1082;
	[sflag:s4] =	ssyncset.s32 $0xFFFFF086  }
0x25: {  	[simem:s6], [sflag:s4] =	dma.local [hbm:s3], $0xF7A  }
0x26: {  	[smem:$0x3F9E] =	sst s1;
	(tag) =	ssettag s2;
	_ =	strace s9  }
0x27: {  	s1 =	sld [smem:$0x3FAE]  }
0x28: {  	s2 =	sld [smem:$0x3FAF]  }
0x29: {  	s4 =	sld [smem:$0x3FB1]  }
0x2a: {  	p0 =	seq.s32 s5, $0x0;
	s5 =	sld [smem:$0x3FB2]  }
0x2b: {  	s6 =	sld [smem:$0x3FB3]  }
0x2c: {  	s7 =	sld [smem:$0x3FB4]  }
0x2d: {  	s3 =	simm.s32 $0x108;
	s8 =	sld [smem:$0x3FB5]  }
0x2e: {  	s3 =	simm.s32 @!p0 $0x1082;
	s9 =	sld [smem:$0x3FB6]  }
0x2f: {  	lr =	sadd.s32 s0, s3;
	s0 =	sld [smem:$0x3FAD]  }
0x30: {  	s3 =	sld [smem:$0x3FB0]  }
0x31: {  	[smem:$0x3FB9] =	sst s10  }
0x32: {  	s10 =	sld [smem:$0x3FB7];
	_ =	sdelay $0x3  }
0x33: {  	p0 =	seq.s32 s10, $0x1;
	s10 =	sld [smem:$0x3FB9];
	_ =	sdelay $0x3  }
0x34: {  	[smem:$0x3FB9] =	sst s10  }
0x35: {  	s10 =	sld [smem:$0x3FB8];
	_ =	sdelay $0x3  }
0x36: {  	p1 =	seq.s32 s10, $0x1;
	s10 =	sld [smem:$0x3FB9];
	_ =	sdelay $0x3  }
0x37: {  	[smem:$0x3FB9] =	sst s10  }
0x38: {  	s10 =	sld [smem:$0x3FBA]  }
0x39: {  	_ = 	snop;
	(pc) =	sbr.ind lr, $3  }
0x3a: {  	_ = 	snop  }
0x3b: {  	_ = 	snop  }
0x3c: {  	p2 =	seq.s32 s10, $0x1;
	s10 =	sld [smem:$0x3FB9]  }
0x3d: {  	_ =	shalt  }
0x3e: {  	_ =	shalt  }
0x3f: {  	_ =	shalt  }
0x40: {  	_ =	shalt  }
0x41: {  	_ =	shalt  }
0x42: {  	_ =	shalt  }
0x43: {  	_ =	shalt  }
0x44: {  	_ =	shalt  }
0x45: {  	_ =	shalt  }
0x46: {  	_ =	shalt  }
0x47: {  	_ =	shalt  }
0x48: {  	_ =	shalt  }
0x49: {  	_ =	shalt  }
0x4a: {  	_ =	shalt  }
0x4b: {  	_ =	shalt  }
0x4c: {  	_ =	shalt  }
0x4d: {  	_ =	shalt  }
0x4e: {  	_ =	shalt  }
0x4f: {  	_ =	shalt  }
0x50: {  	_ =	shalt  }
0x51: {  	_ =	shalt  }
0x52: {  	_ =	shalt  }
0x53: {  	_ =	shalt  }
0x54: {  	_ =	shalt  }
0x55: {  	_ =	shalt  }
0x56: {  	_ =	shalt  }
0x57: {  	_ =	shalt  }
0x58: {  	_ =	shalt  }
0x59: {  	_ =	shalt  }
0x5a: {  	_ =	shalt  }
0x5b: {  	_ =	shalt  }
0x5c: {  	_ =	shalt  }
0x5d: {  	_ =	shalt  }
0x5e: {  	_ =	shalt  }
0x5f: {  	_ =	shalt  }
0x60: {  	_ =	shalt  }
0x61: {  	_ =	shalt  }
0x62: {  	_ =	shalt  }
0x63: {  	_ =	shalt  }
0x64: {  	_ =	shalt  }
0x65: {  	_ =	shalt  }
0x66: {  	_ =	shalt  }
0x67: {  	_ =	shalt  }
0x68: {  	_ =	shalt  }
0x69: {  	_ =	shalt  }
0x6a: {  	_ =	shalt  }
0x6b: {  	_ =	shalt  }
0x6c: {  	_ =	shalt  }
0x6d: {  	_ =	shalt  }
0x6e: {  	_ =	shalt  }
0x6f: {  	_ =	shalt  }
0x70: {  	_ =	shalt  }
0x71: {  	_ =	shalt  }
0x72: {  	_ =	shalt  }
0x73: {  	_ =	shalt  }
0x74: {  	_ =	shalt  }
0x75: {  	_ =	shalt  }
0x76: {  	_ =	shalt  }
0x77: {  	_ =	shalt  }
0x78: {  	_ =	shalt  }
0x79: {  	_ =	shalt  }
0x7a: {  	_ =	shalt  }
0x7b: {  	_ =	shalt  }
0x7c: {  	_ =	shalt  }
0x7d: {  	_ =	shalt  }
0x7e: {  	_ =	shalt  }
0x7f: {  	_ =	shalt  }
0x80: {  	_ =	shalt  }
0x81: {  	_ =	shalt  }
0x82: {  	_ =	shalt  }
0x83: {  	_ =	shalt  }
0x84: {  	_ =	shalt  }
0x85: {  	_ =	shalt  }
0x86: {  	_ =	shalt  }
0x87: {  	_ =	shalt  }
.Lfunc_end0:
.L_simem_size_0:
called_computation.5_lowered:
.L_overlay_start_0:
0x88: {  	s0 =	sld [smem:$0x3FD9]  }
0x89: {  	s1 =	sld [smem:$0x3FFE];
	_ =	sdelay $0x3  }
0x8a: {  	s0 =	sadd.s32 s1, s0  }
0x8b: {  	[smem:$0x3FC5] =	sst s0  }
0x8c: {  	_ = 	snop  }
0x8d: {  	(tm) =	ssettm $0x1  }
0x8e: {  	s15 =	sld [smem:$0x3FFB];
	_ =	sdelay $0x3  }
0x8f: {  	_ =	strace s15  }
0x90: {  	s0 =	sld [smem:$0x3FFC];
	_ =	sdelay $0x3  }
0x91: {  	_ =	strace s0  }
0x92: {  	s0 =	sld [smem:$0x3FFD];
	_ =	sdelay $0x3  }
0x93: {  	_ =	strace s0  }
0x94: {  	_ =	strace $0x8FFFFFFF  }
0x95: {  	s16 =	sld [smem:$0x3FDB];
	_ =	sdelay $0x1  }
0x96: {  	s17 =	simm.s32 $_scs_section_size  }
0x97: {  	s2 =	simm.s32 $_size__tile_overlayer_lowered;
	s3 =	simm.s32 $_tile_overlayer_lowered  }
0x98: {  	s20 =	simm.s32 $0x1BFF;
	s19 =	sshll.u32 s3, $0x1;
	s0 =	sadd.s32 s17, s16  }
0x99: {  	s4 =	simm.s32 $0x0;
	s18 =	sshll.u32 s2, $0x1;
	s2 =	sadd.s32 s19, s0  }
0x9a: {  	[timem:s4], [sflag:s20] =	dma.local [hbm:s2], s18  }
0x9b: {  	_ =	swait.ge [sflag:s20], s18  }
0x9c: {  	s1 =	ssub.s32 $0x0, s18;
	[sflag:s20] =	ssyncset.done $0x0  }
0x9d: {  	[sflag:s20] =	ssyncadd.s32 s1;
	_ =	sdelay $0x1  }
0x9e: {  	s21 =	simm.s32 $0x1B8B  }
0x9f: {  	_ =	swait.ge [sflag:s21], $0x1  }
0xa0: {  	[sflag:s21] =	ssyncset.done $0x0  }
0xa1: {  	s23 =	simm.s32 $0x1B8E;
	s22 =	sld [smem:$0x3FFE];
	[sflag:s21] =	ssyncadd.s32 $0xFFFFFFFF  }
0xa2: {  	s24 =	simm.s32 $execute0_lowered;
	[smem:$0x3FD2] =	sst s23  }
0xa3: {  	s2 =	sshll.u32 s24, $0x1;
	_ =	strace $0x80000055;
	[dreg:$0x1] =	wrdreg $0xFFFFFFFF  }
0xa4: {  	s25 =	simm.s32 $_size_execute0_lowered;
	s0 =	sadd.s32 s0, s2;
	[dreg:$0x0] =	wrdreg $0x0  }
0xa5: {  	s2 =	sshll.u32 s25, $0x1;
	[dreg:$0x2] =	wrdreg s0  }
0xa6: {  	[dreg:$0x3] =	wrdreg s2  }
0xa7: {  	[dreg:$0x4] =	wrdreg $0xC0  }
0xa8: {  	_ =	task [dreg:s4], $0x5FFFF  }
0xa9: {  	[dreg:$0x1] =	wrdreg $0xFFFFFFFF  }
0xaa: {  	[dreg:$0x0] =	wrdreg $0x60  }
0xab: {  	[dreg:$0x2] =	wrdreg s22  }
0xac: {  	[dreg:$0x3] =	wrdreg $0x9  }
0xad: {  	_ =	task.clear_ibuf [dreg:s4], $0x4FFFF;
	_ =	strace $0x90000055  }
0xae: {  	s26 =	simm.s32 $0x9;
	_ =	strace $0x80000057  }
0xaf: {  	_ =	swait.ge [sflag:s26], $0x1  }
0xb0: {  	[sflag:s26] =	ssyncadd.s32 $0xFFFFFFFF  }
0xb1: {  	_ =	strace $0x90000057  }
0xb2: {  	_ =	sfence  }
0xb3: {  	s28 =	sld [smem:$0x0];
	_ =	sdelay $0x1  }
0xb4: {  	s29 =	srdreg.scid  }
0xb5: {  	s30 =	sshll.u32 s29, $0xD;
	s31 =	sshrl.u32 s29, $0x2  }
0xb6: {  	s1 =	sand.u32 $0x1, s29;
	s2 =	sand.u32 $0x4000, s30;
	s0 =	sadd.s32 s31, s28  }
0xb7: {  	s1 =	sor.u32 s2, s1;
	s0 =	sshll.u32 s0, $0x11  }
0xb8: {  	s0 =	sor.u32 s0, s1  }
0xb9: {  	s0 =	sadd.s32 $0x8F2B, s0  }
0xba: {  	[sflag:s0] =	ssyncadd.remote.s32 $0x1  }
0xbb: {  	_ =	sfence.sel $0xFFFF  }
0xbc: {  	[dreg:$0x0] =	wrdreg $0xFFFFFFFF;
	(pc) =	sbr.abs _section_cstart, $3  }
0xbd: {  	[dreg:$0x1] =	wrdreg $0xFFFFFFFF  }
0xbe: {  	_ =	task.clear_ibuf [dreg:s4], $0x2FFFF;
	_ =	strace $0x9FFFFFFF  }
0xbf: {  	(tm) =	ssettm $0x7FFFFFFF  }
tec
execute0_lowered:
.L_overlay_start_1:
0x0: {  	(tag) =	ssettag $0x1  }
0x1: {  	s5 =	rddreg [dreg:$0x0]  }
0x2: {  	s0 =	rddreg [dreg:$0x1]  }
0x3: {  	_ =	strace $0x80000056;
	s1 =	stileid.u32;
	s6 =	simm.s32 $0x1  }
0x4: {  	s8 =	simm.s32 $0x2;
	s30 =	simm.s32 $0x3;
	s12 =	simm.s32 $0x0  }
0x5: {  	s9 =	simm.s32 $0x0;
	s10 =	simm.s32 $0x0;
	s4 =	sshll.u32 s1, $0x4  }
0x6: {  	s2 =	sadd.s32 $0x3583200, s5;
	s3 =	sadd.s32 $0x8000, s5;
	s7 =	ssub.s32 $0x2C80, s4  }
0x7: {  	s5 =	sadd.s32 $0x357C400, s5;
	[sflag:s6] =	ssyncpa.u1 $0x0;
	s6 =	sshrl.u32 s7, $0x8  }
0x8: {  	[sflag:s8] =	ssyncpa.u1 $0x0;
	s11 =	smov.u32 s4;
	s31 =	sshll.u32 s6, $0x4  }
0x9: {  	[sflag:s30] =	ssyncpa.u1 $0x0;
	s7 =	sadd.s32 $0x2, s6;
	s8 =	sadd.s32 $0x30, s31  }
.LBB2_1:
0xa: {  	p0 =	sgt.u32 s10, s6  }
0xb: {  	s13 =	sxor.u32 @!p0 $0xFFFFFFFF, s9;
	s14 =	sshrl.u32 @!p0 s11, $0x3  }
0xc: {  	s15 =	sand.u32 @!p0 $0x7, s11;
	s13 =	sand.u32 @!p0 $0x10, s13;
	s14 =	sadd.s32 @!p0 s3, s14  }
0xd: {  	[tilespmem:s13], [sflag:$0x2] =	stream.linear.gather @!p0 [hbm4b:s14+s15], $0x10, $0x38;
	[tilespmem:$0x40] =	vst v63  }
0xe: {  	p0 =	seq.s32 s9, $0x0  }
0xf: {  	p1 =	sge.u32 @!p0 s10, s7  }
0x10: {  	p0 =	por p1, p0  }
0x11: {  	s13 =	simm.s32 @!p0 $0x2  }
0x12: {  	_ =	swait.ge @!p0 [sflag:s13], $0x10  }
0x13: {  	[sflag:s13] =	ssyncset.done @!p0 $0x0  }
0x14: {  	[sflag:s13] =	ssyncadd.s32 @!p0 $0xFFFFFFF0;
	s13 =	sand.u32 @!p0 $0x10, s9  }
0x15: {  	(ifvalue) =	ssetifvalue @!p0 $0x7FFFFFFF;
	v0 =	vld.msk @!p0 [tilespmem:s13+$0x0 ss:$0x1], $0xffff;
	_ =	sdelay $0x4  }
0x16: {  	vm0 =	veq.s32 @!p0 v0, $0x80000000  }
0x17: {  	v1 =	vand.u32 @!p0 $0xFF, v0;
	v2 =	vshrl.u32 @!p0 v0, $0x8;
	v0 =	vshrl.u32 @!p0 v0, $0xF  }
0x18: {  	v2 =	vand.u32 @!p0 $0x7F, v2;
	v0 =	vand.u32 @!p0 $0x3FFF, v0;
	v1 =	vmul.u32 @!p0 $0x140000, v1  }
0x19: {  	v2 =	vsel @!p0 vm0, $0xFFFFFFFF, v2;
	v0 =	vsel @!p0 vm0, $0xFFFFFFFF, v0  }
0x1a: {  	v3 =	vand.u32 @!p0 $0x7F, v0;
	v1 =	vsel @!p0 vm0, $0xFFEC0000, v1;
	v4 =	vshll.u32 @!p0 v2, $0xE  }
0x1b: {  	v0 =	vshll.u32 @!p0 v0, $0x3;
	v4 =	vand.u32 @!p0 $0xFFFE0000, v4;
	v1 =	vor.u32 @!p0 v1, v3  }
0x1c: {  	v2 =	vshll.u32 @!p0 v2, $0x7;
	v0 =	vand.u32 @!p0 $0xFFFFFC00, v0;
	v1 =	vadd.s32 @!p0 v4, v1  }
0x1d: {  	v2 =	vand.u32 @!p0 $0x380, v2;
	v0 =	vadd.s32 @!p0 v0, v1  }
0x1e: {  	v0 =	vor.u32 @!p0 v2, v0;
	_ =	sdelay $0x3  }
0x1f: {  	s14 =	simm.s32 @!p0 $0x0;
	s13 =	sor.u32 @!p0 $0x20, s13;
	(ifvalue) =	ssetifvalue @!p0 $0x7FFFFFFF;
	vm0 =	vmmov @!p0 $0xffff  }
0x20: {  	[tilespmem:s13], [sflag:$0x1] =	stream.indirect_vreg.gather @!p0 [hbm4b:s2+s14], $0x1, v0, vm0, $0x4038;
	[tilespmem:$0x40] =	vst v63  }
0x21: {  	s14 =	simm.s32 @!p0 $0x1  }
0x22: {  	_ =	swait.ge @!p0 [sflag:s14], $0x10  }
0x23: {  	s15 =	sshrl.u32 @!p0 s12, $0x3;
	[sflag:s14] =	ssyncset.done @!p0 $0x0  }
0x24: {  	s12 =	sand.u32 @!p0 $0x7, s12;
	[sflag:s14] =	ssyncadd.s32 @!p0 $0xFFFFFFF0;
	s14 =	sadd.s32 @!p0 s5, s15  }
0x25: {  	[hbm4b:s14+s12] =	stream.linear.scatter @!p0 [tilespmem:s13], [sflag:$0x3], $0x10, $0x38;
	[tilespmem:$0x40] =	vst v63  }
0x26: {  	s14 =	sadd.s32 $0x100, s11  }
0x27: {  	s9 =	sadd.s32 $0x10, s9;
	p1 =	sgt.s32 s14, $0x2C87  }
0x28: {  	s14 =	smov.u32 @p1 s4;
	p1 =	sne.s32 s8, s9  }
.Ltmp0:
0x29: {  	p0 =	slt.u32 s10, $0x2;
	(pc) =	sbr.rel @p1 .LBB2_1-.Ltmp0, $4  }
0x2a: {  	s13 =	simm.s32 @!p0 $0x3  }
0x2b: {  	_ =	swait.ge @!p0 [sflag:s13], $0x10  }
0x2c: {  	s12 =	smov.u32 s11;
	[sflag:s13] =	ssyncset.done @!p0 $0x0  }
0x2d: {  	s10 =	sadd.s32 $0x1, s10;
	s11 =	smov.u32 s14;
	[sflag:s13] =	ssyncadd.s32 @!p0 $0xFFFFFFF0  }
0x2e: {  	_ =	sfence.sel $0x180000  }
0x2f: {  	s2 =	simm.s32 $0x2;
	[bflag:$0x0] =	sbarrier.arrive $0xFFFF  }
0x30: {  	s30 =	simm.s32 $0x3;
	[sflag:s2] =	ssyncpa.u1 $0x1  }
0x31: {  	s31 =	simm.s32 $0x1;
	[sflag:s30] =	ssyncpa.u1 $0x1  }
0x32: {  	[sflag:s31] =	ssyncpa.u1 $0x1  }
0x33: {  	p0 =	sne.s32 s1, $0x0;
	_ =	strace $0x90000056  }
0x34: {  	s0 =	sadd.s32 @!p0 $0x100000, s0;
	[bflag:$0x2] =	sbarrier.arrive $0xFFFF  }
0x35: {  	[sflag:s0] =	ssyncadd.tile.s32 @!p0 $0x1;
	_ =	shalt  }
.Lfunc_end2:
_tile_overlayer_lowered:
.L_overlay_start_2:
0x36: {  	(tag) =	ssettag $0x2  }
0x37: {  	s0 =	rddreg [dreg:$0x0];
	s2 =	stileid.u32  }
0x38: {  	s1 =	rddreg [dreg:$0x1];
	p0 =	sne.s32 s2, $0x0  }
0x39: {  	s3 =	rddreg [dreg:$0x2];
	[bflag:$0x3] =	sbarrier.arrive $0xFFFF;
	s2 =	simm.s32 @!p0 $0x1C01  }
0x3a: {  	[timem:s3], [sflag:s2] =	dma.local @!p0 [hbm:s0], s1  }
0x3b: {  	s0 =	simm.s32 @!p0 $0x1  }
0x3c: {  	_ =	swait.ge @!p0 [sflag:s0], s1  }
0x3d: {  	s1 =	ssub.s32 @!p0 $0x0, s1;
	[sflag:s0] =	ssyncset.done @!p0 $0x0  }
0x3e: {  	[sflag:s0] =	ssyncadd.s32 @!p0 s1  }
0x3f: {  	[bflag:$0x3] =	sbarrier.arrive $0xFFFF  }
0x40: {  	_ =	shalt  }

// kernel: gather_offload_async_start.6
scs
__scs_entry_jumppad:
0x0: {  	(pc) =	sbr.rel $0x88, $3  }
0x1: {  	(tag) =	ssettag $0x0;
	lr =	simm.s32 $0x1  }
0x2: {  	[smem:$0x3F9E] =	sst lr;
	_ =	strace $0xD0000000  }
0x3: {  	_ = 	snop  }
0x4: {  	_ = 	snop  }
0x5: {  	_ = 	snop  }
0x6: {  	_ = 	snop  }
0x7: {  	_ = 	snop  }
__scs_overlays_trampoline_lowered:
0x8: {  	[smem:$0x3FAD] =	sst s0  }
0x9: {  	[smem:$0x3FAE] =	sst s1  }
0xa: {  	[smem:$0x3FAF] =	sst s2  }
0xb: {  	[smem:$0x3FB0] =	sst s3  }
0xc: {  	[smem:$0x3FB1] =	sst s4  }
0xd: {  	[smem:$0x3FB2] =	sst s5  }
0xe: {  	[smem:$0x3FB3] =	sst s6  }
0xf: {  	[smem:$0x3FB4] =	sst s7  }
0x10: {  	[smem:$0x3FB5] =	sst s8  }
0x11: {  	[smem:$0x3FB6] =	sst s9;
	s0 =	simm.s32 @!p0 $0x0  }
0x12: {  	s1 =	sld [smem:$0x3F9C];
	s0 =	simm.s32 @p0 $0x1  }
0x13: {  	[smem:$0x3FB7] =	sst s0;
	s0 =	simm.s32 @!p1 $0x0  }
0x14: {  	s2 =	sld [smem:$0x3F9B];
	s0 =	simm.s32 @p1 $0x1  }
0x15: {  	[smem:$0x3FB8] =	sst s0;
	s0 =	simm.s32 @!p2 $0x0  }
0x16: {  	s3 =	sld [smem:$0x3FDB];
	s0 =	simm.s32 @p2 $0x1  }
0x17: {  	s4 =	simm.s32 $0x1BF5;
	[smem:$0x3FBA] =	sst s0  }
0x18: {  	s0 =	sld [smem:$0x3F9D];
	_ =	swait.ge [sflag:s4], $0x0  }
0x19: {  	s7 =	sld [smem:$0x3F9E]  }
0x1a: {  	s8 =	sadd.s32 $0xFFFFE003, lr  }
0x1b: {  	s9 =	sadd.s32 $0xFFFFFEF7, lr;
	s5 =	simm.s32 $0xFFFFFFFF;
	p2 =	slt.u32 s8, $0xFFFFF086  }
0x1c: {  	p1 =	slt.u32 s9, $0xF7A;
	s5 =	simm.s32 @!p2 $0x0  }
0x1d: {  	s5 =	simm.s32 @p1 $0x1;
	p0 =	seq.s32 s7, s2  }
0x1e: {  	s7 =	smul.u32 @!p0 $0xF7A, s2;
	p2 =	seq.s32 @!p0 s5, $0x0  }
0x1f: {  	s9 =	smul.u32 $0xF7A, s1;
	s8 =	simm.s32 @!p0 $0x1BF5;
	p2 =	por !p2, p0  }
0x20: {  	[sflag:s8] =	ssyncset.s32 @!p0 $0xFFFFF086;
	s6 =	sadd.s32 @!p0 s3, s7;
	s7 =	simm.s32 @!p0 $0x108  }
0x21: {  	s3 =	sadd.s32 s3, s9;
	s6 =	sadd.s32 @!p0 $0x88, s6;
	s7 =	simm.s32 @p2 $0x1082  }
0x22: {  	[simem:s7], [sflag:s8] =	dma.local @!p0 [hbm:s6], $0xF7A  }
0x23: {  	s9 =	sor.u32 $0xD0000000, s2;
	s6 =	simm.s32 $0x108;
	_ =	swait.ge @!p0 [sflag:s8], $0x0  }
0x24: {  	s3 =	sadd.s32 $0x88, s3;
	s6 =	simm.s32 @!p1 $0x1082;
	[sflag:s4] =	ssyncset.s32 $0xFFFFF086  }
0x25: {  	[simem:s6], [sflag:s4] =	dma.local [hbm:s3], $0xF7A  }
0x26: {  	[smem:$0x3F9E] =	sst s1;
	(tag) =	ssettag s2;
	_ =	strace s9  }
0x27: {  	s1 =	sld [smem:$0x3FAE]  }
0x28: {  	s2 =	sld [smem:$0x3FAF]  }
0x29: {  	s4 =	sld [smem:$0x3FB1]  }
0x2a: {  	p0 =	seq.s32 s5, $0x0;
	s5 =	sld [smem:$0x3FB2]  }
0x2b: {  	s6 =	sld [smem:$0x3FB3]  }
0x2c: {  	s7 =	sld [smem:$0x3FB4]  }
0x2d: {  	s3 =	simm.s32 $0x108;
	s8 =	sld [smem:$0x3FB5]  }
0x2e: {  	s3 =	simm.s32 @!p0 $0x1082;
	s9 =	sld [smem:$0x3FB6]  }
0x2f: {  	lr =	sadd.s32 s0, s3;
	s0 =	sld [smem:$0x3FAD]  }
0x30: {  	s3 =	sld [smem:$0x3FB0]  }
0x31: {  	[smem:$0x3FB9] =	sst s10  }
0x32: {  	s10 =	sld [smem:$0x3FB7];
	_ =	sdelay $0x3  }
0x33: {  	p0 =	seq.s32 s10, $0x1;
	s10 =	sld [smem:$0x3FB9];
	_ =	sdelay $0x3  }
0x34: {  	[smem:$0x3FB9] =	sst s10  }
0x35: {  	s10 =	sld [smem:$0x3FB8];
	_ =	sdelay $0x3  }
0x36: {  	p1 =	seq.s32 s10, $0x1;
	s10 =	sld [smem:$0x3FB9];
	_ =	sdelay $0x3  }
0x37: {  	[smem:$0x3FB9] =	sst s10  }
0x38: {  	s10 =	sld [smem:$0x3FBA]  }
0x39: {  	_ = 	snop;
	(pc) =	sbr.ind lr, $3  }
0x3a: {  	_ = 	snop  }
0x3b: {  	_ = 	snop  }
0x3c: {  	p2 =	seq.s32 s10, $0x1;
	s10 =	sld [smem:$0x3FB9]  }
0x3d: {  	_ =	shalt  }
0x3e: {  	_ =	shalt  }
0x3f: {  	_ =	shalt  }
0x40: {  	_ =	shalt  }
0x41: {  	_ =	shalt  }
0x42: {  	_ =	shalt  }
0x43: {  	_ =	shalt  }
0x44: {  	_ =	shalt  }
0x45: {  	_ =	shalt  }
0x46: {  	_ =	shalt  }
0x47: {  	_ =	shalt  }
0x48: {  	_ =	shalt  }
0x49: {  	_ =	shalt  }
0x4a: {  	_ =	shalt  }
0x4b: {  	_ =	shalt  }
0x4c: {  	_ =	shalt  }
0x4d: {  	_ =	shalt  }
0x4e: {  	_ =	shalt  }
0x4f: {  	_ =	shalt  }
0x50: {  	_ =	shalt  }
0x51: {  	_ =	shalt  }
0x52: {  	_ =	shalt  }
0x53: {  	_ =	shalt  }
0x54: {  	_ =	shalt  }
0x55: {  	_ =	shalt  }
0x56: {  	_ =	shalt  }
0x57: {  	_ =	shalt  }
0x58: {  	_ =	shalt  }
0x59: {  	_ =	shalt  }
0x5a: {  	_ =	shalt  }
0x5b: {  	_ =	shalt  }
0x5c: {  	_ =	shalt  }
0x5d: {  	_ =	shalt  }
0x5e: {  	_ =	shalt  }
0x5f: {  	_ =	shalt  }
0x60: {  	_ =	shalt  }
0x61: {  	_ =	shalt  }
0x62: {  	_ =	shalt  }
0x63: {  	_ =	shalt  }
0x64: {  	_ =	shalt  }
0x65: {  	_ =	shalt  }
0x66: {  	_ =	shalt  }
0x67: {  	_ =	shalt  }
0x68: {  	_ =	shalt  }
0x69: {  	_ =	shalt  }
0x6a: {  	_ =	shalt  }
0x6b: {  	_ =	shalt  }
0x6c: {  	_ =	shalt  }
0x6d: {  	_ =	shalt  }
0x6e: {  	_ =	shalt  }
0x6f: {  	_ =	shalt  }
0x70: {  	_ =	shalt  }
0x71: {  	_ =	shalt  }
0x72: {  	_ =	shalt  }
0x73: {  	_ =	shalt  }
0x74: {  	_ =	shalt  }
0x75: {  	_ =	shalt  }
0x76: {  	_ =	shalt  }
0x77: {  	_ =	shalt  }
0x78: {  	_ =	shalt  }
0x79: {  	_ =	shalt  }
0x7a: {  	_ =	shalt  }
0x7b: {  	_ =	shalt  }
0x7c: {  	_ =	shalt  }
0x7d: {  	_ =	shalt  }
0x7e: {  	_ =	shalt  }
0x7f: {  	_ =	shalt  }
0x80: {  	_ =	shalt  }
0x81: {  	_ =	shalt  }
0x82: {  	_ =	shalt  }
0x83: {  	_ =	shalt  }
0x84: {  	_ =	shalt  }
0x85: {  	_ =	shalt  }
0x86: {  	_ =	shalt  }
0x87: {  	_ =	shalt  }
.Lfunc_end0:
.L_simem_size_0:
called_computation.6_lowered:
.L_overlay_start_0:
0x88: {  	s0 =	sld [smem:$0x3FD9]  }
0x89: {  	s1 =	sld [smem:$0x3FFE];
	_ =	sdelay $0x3  }
0x8a: {  	s0 =	sadd.s32 s1, s0  }
0x8b: {  	[smem:$0x3FC5] =	sst s0  }
0x8c: {  	_ = 	snop  }
0x8d: {  	(tm) =	ssettm $0x1  }
0x8e: {  	s15 =	sld [smem:$0x3FFB];
	_ =	sdelay $0x3  }
0x8f: {  	_ =	strace s15  }
0x90: {  	s0 =	sld [smem:$0x3FFC];
	_ =	sdelay $0x3  }
0x91: {  	_ =	strace s0  }
0x92: {  	s0 =	sld [smem:$0x3FFD];
	_ =	sdelay $0x3  }
0x93: {  	_ =	strace s0  }
0x94: {  	_ =	strace $0x8FFFFFFF  }
0x95: {  	s16 =	sld [smem:$0x3FDB];
	_ =	sdelay $0x1  }
0x96: {  	s17 =	simm.s32 $_scs_section_size  }
0x97: {  	s2 =	simm.s32 $_size__tile_overlayer_lowered;
	s3 =	simm.s32 $_tile_overlayer_lowered  }
0x98: {  	s20 =	simm.s32 $0x1BFF;
	s19 =	sshll.u32 s3, $0x1;
	s0 =	sadd.s32 s17, s16  }
0x99: {  	s4 =	simm.s32 $0x0;
	s18 =	sshll.u32 s2, $0x1;
	s2 =	sadd.s32 s19, s0  }
0x9a: {  	[timem:s4], [sflag:s20] =	dma.local [hbm:s2], s18  }
0x9b: {  	_ =	swait.ge [sflag:s20], s18  }
0x9c: {  	s1 =	ssub.s32 $0x0, s18;
	[sflag:s20] =	ssyncset.done $0x0  }
0x9d: {  	[sflag:s20] =	ssyncadd.s32 s1;
	_ =	sdelay $0x1  }
0x9e: {  	s21 =	simm.s32 $0x1B8B  }
0x9f: {  	_ =	swait.ge [sflag:s21], $0x1  }
0xa0: {  	[sflag:s21] =	ssyncset.done $0x0  }
0xa1: {  	s23 =	simm.s32 $0x1B8E;
	s22 =	sld [smem:$0x3FFE];
	[sflag:s21] =	ssyncadd.s32 $0xFFFFFFFF  }
0xa2: {  	s24 =	simm.s32 $execute0_lowered;
	[smem:$0x3FD2] =	sst s23  }
0xa3: {  	s2 =	sshll.u32 s24, $0x1;
	_ =	strace $0x80000058;
	[dreg:$0x1] =	wrdreg $0xFFFFFFFF  }
0xa4: {  	s25 =	simm.s32 $_size_execute0_lowered;
	s0 =	sadd.s32 s0, s2;
	[dreg:$0x0] =	wrdreg $0x0  }
0xa5: {  	s2 =	sshll.u32 s25, $0x1;
	[dreg:$0x2] =	wrdreg s0  }
0xa6: {  	[dreg:$0x3] =	wrdreg s2  }
0xa7: {  	[dreg:$0x4] =	wrdreg $0xC0  }
0xa8: {  	_ =	task [dreg:s4], $0x5FFFF  }
0xa9: {  	[dreg:$0x1] =	wrdreg $0xFFFFFFFF  }
0xaa: {  	[dreg:$0x0] =	wrdreg $0x60  }
0xab: {  	[dreg:$0x2] =	wrdreg s22  }
0xac: {  	[dreg:$0x3] =	wrdreg $0xA  }
0xad: {  	_ =	task.clear_ibuf [dreg:s4], $0x4FFFF;
	_ =	strace $0x90000058  }
0xae: {  	s26 =	simm.s32 $0xA;
	_ =	strace $0x8000005A  }
0xaf: {  	_ =	swait.ge [sflag:s26], $0x1  }
0xb0: {  	[sflag:s26] =	ssyncadd.s32 $0xFFFFFFFF  }
0xb1: {  	_ =	strace $0x9000005A  }
0xb2: {  	_ =	sfence  }
0xb3: {  	s28 =	sld [smem:$0x0];
	_ =	sdelay $0x1  }
0xb4: {  	s29 =	srdreg.scid  }
0xb5: {  	s30 =	sshll.u32 s29, $0xD;
	s31 =	sshrl.u32 s29, $0x2  }
0xb6: {  	s1 =	sand.u32 $0x1, s29;
	s2 =	sand.u32 $0x4000, s30;
	s0 =	sadd.s32 s31, s28  }
0xb7: {  	s1 =	sor.u32 s2, s1;
	s0 =	sshll.u32 s0, $0x11  }
0xb8: {  	s0 =	sor.u32 s0, s1  }
0xb9: {  	s0 =	sadd.s32 $0x8F2B, s0  }
0xba: {  	[sflag:s0] =	ssyncadd.remote.s32 $0x1  }
0xbb: {  	_ =	sfence.sel $0xFFFF  }
0xbc: {  	[dreg:$0x0] =	wrdreg $0xFFFFFFFF;
	(pc) =	sbr.abs _section_cstart, $3  }
0xbd: {  	[dreg:$0x1] =	wrdreg $0xFFFFFFFF  }
0xbe: {  	_ =	task.clear_ibuf [dreg:s4], $0x2FFFF;
	_ =	strace $0x9FFFFFFF  }
0xbf: {  	(tm) =	ssettm $0x7FFFFFFF  }
tec
execute0_lowered:
.L_overlay_start_1:
0x0: {  	(tag) =	ssettag $0x1  }
0x1: {  	s5 =	rddreg [dreg:$0x0]  }
0x2: {  	s0 =	rddreg [dreg:$0x1]  }
0x3: {  	_ =	strace $0x80000059;
	s1 =	stileid.u32;
	s6 =	simm.s32 $0x1  }
0x4: {  	s8 =	simm.s32 $0x2;
	s30 =	simm.s32 $0x3;
	s12 =	simm.s32 $0x0  }
0x5: {  	s9 =	simm.s32 $0x0;
	s10 =	simm.s32 $0x0;
	s4 =	sshll.u32 s1, $0x4  }
0x6: {  	s2 =	sadd.s32 $0x3583200, s5;
	s3 =	sadd.s32 $0x4A00, s5;
	s7 =	ssub.s32 $0x2C80, s4  }
0x7: {  	s5 =	sadd.s32 $0x7A00, s5;
	[sflag:s6] =	ssyncpa.u1 $0x0;
	s6 =	sshrl.u32 s7, $0x8  }
0x8: {  	[sflag:s8] =	ssyncpa.u1 $0x0;
	s11 =	smov.u32 s4;
	s31 =	sshll.u32 s6, $0x4  }
0x9: {  	[sflag:s30] =	ssyncpa.u1 $0x0;
	s7 =	sadd.s32 $0x2, s6;
	s8 =	sadd.s32 $0x30, s31  }
.LBB2_1:
0xa: {  	p0 =	sgt.u32 s10, s6  }
0xb: {  	s13 =	sxor.u32 @!p0 $0xFFFFFFFF, s9;
	s14 =	sshrl.u32 @!p0 s11, $0x3  }
0xc: {  	s15 =	sand.u32 @!p0 $0x7, s11;
	s13 =	sand.u32 @!p0 $0x10, s13;
	s14 =	sadd.s32 @!p0 s3, s14  }
0xd: {  	[tilespmem:s13], [sflag:$0x2] =	stream.linear.gather @!p0 [hbm4b:s14+s15], $0x10, $0x38;
	[tilespmem:$0x40] =	vst v63  }
0xe: {  	p0 =	seq.s32 s9, $0x0  }
0xf: {  	p1 =	sge.u32 @!p0 s10, s7  }
0x10: {  	p0 =	por p1, p0  }
0x11: {  	s13 =	simm.s32 @!p0 $0x2  }
0x12: {  	_ =	swait.ge @!p0 [sflag:s13], $0x10  }
0x13: {  	[sflag:s13] =	ssyncset.done @!p0 $0x0  }
0x14: {  	[sflag:s13] =	ssyncadd.s32 @!p0 $0xFFFFFFF0;
	s13 =	sand.u32 @!p0 $0x10, s9  }
0x15: {  	(ifvalue) =	ssetifvalue @!p0 $0x7FFFFFFF;
	v0 =	vld.msk @!p0 [tilespmem:s13+$0x0 ss:$0x1], $0xffff;
	_ =	sdelay $0x4  }
0x16: {  	vm0 =	veq.s32 @!p0 v0, $0x80000000  }
0x17: {  	v1 =	vand.u32 @!p0 $0xFF, v0;
	v2 =	vshrl.u32 @!p0 v0, $0x8;
	v0 =	vshrl.u32 @!p0 v0, $0xF  }
0x18: {  	v2 =	vand.u32 @!p0 $0x7F, v2;
	v0 =	vand.u32 @!p0 $0x3FFF, v0;
	v1 =	vmul.u32 @!p0 $0x140000, v1  }
0x19: {  	v2 =	vsel @!p0 vm0, $0xFFFFFFFF, v2;
	v0 =	vsel @!p0 vm0, $0xFFFFFFFF, v0  }
0x1a: {  	v3 =	vand.u32 @!p0 $0x7F, v0;
	v1 =	vsel @!p0 vm0, $0xFFEC0000, v1;
	v4 =	vshll.u32 @!p0 v2, $0xE  }
0x1b: {  	v0 =	vshll.u32 @!p0 v0, $0x3;
	v4 =	vand.u32 @!p0 $0xFFFE0000, v4;
	v1 =	vor.u32 @!p0 v1, v3  }
0x1c: {  	v2 =	vshll.u32 @!p0 v2, $0x7;
	v0 =	vand.u32 @!p0 $0xFFFFFC00, v0;
	v1 =	vadd.s32 @!p0 v4, v1  }
0x1d: {  	v2 =	vand.u32 @!p0 $0x380, v2;
	v0 =	vadd.s32 @!p0 v0, v1  }
0x1e: {  	v0 =	vor.u32 @!p0 v2, v0;
	_ =	sdelay $0x3  }
0x1f: {  	s14 =	simm.s32 @!p0 $0x0;
	s13 =	sor.u32 @!p0 $0x20, s13;
	(ifvalue) =	ssetifvalue @!p0 $0x7FFFFFFF;
	vm0 =	vmmov @!p0 $0xffff  }
0x20: {  	[tilespmem:s13], [sflag:$0x1] =	stream.indirect_vreg.gather @!p0 [hbm4b:s2+s14], $0x1, v0, vm0, $0x4038;
	[tilespmem:$0x40] =	vst v63  }
0x21: {  	s14 =	simm.s32 @!p0 $0x1  }
0x22: {  	_ =	swait.ge @!p0 [sflag:s14], $0x10  }
0x23: {  	s15 =	sshrl.u32 @!p0 s12, $0x3;
	[sflag:s14] =	ssyncset.done @!p0 $0x0  }
0x24: {  	s12 =	sand.u32 @!p0 $0x7, s12;
	[sflag:s14] =	ssyncadd.s32 @!p0 $0xFFFFFFF0;
	s14 =	sadd.s32 @!p0 s5, s15  }
0x25: {  	[hbm4b:s14+s12] =	stream.linear.scatter @!p0 [tilespmem:s13], [sflag:$0x3], $0x10, $0x38;
	[tilespmem:$0x40] =	vst v63  }
0x26: {  	s14 =	sadd.s32 $0x100, s11  }
0x27: {  	s9 =	sadd.s32 $0x10, s9;
	p1 =	sgt.s32 s14, $0x2C87  }
0x28: {  	s14 =	smov.u32 @p1 s4;
	p1 =	sne.s32 s8, s9  }
.Ltmp0:
0x29: {  	p0 =	slt.u32 s10, $0x2;
	(pc) =	sbr.rel @p1 .LBB2_1-.Ltmp0, $4  }
0x2a: {  	s13 =	simm.s32 @!p0 $0x3  }
0x2b: {  	_ =	swait.ge @!p0 [sflag:s13], $0x10  }
0x2c: {  	s12 =	smov.u32 s11;
	[sflag:s13] =	ssyncset.done @!p0 $0x0  }
0x2d: {  	s10 =	sadd.s32 $0x1, s10;
	s11 =	smov.u32 s14;
	[sflag:s13] =	ssyncadd.s32 @!p0 $0xFFFFFFF0  }
0x2e: {  	_ =	sfence.sel $0x180000  }
0x2f: {  	s2 =	simm.s32 $0x2;
	[bflag:$0x0] =	sbarrier.arrive $0xFFFF  }
0x30: {  	s30 =	simm.s32 $0x3;
	[sflag:s2] =	ssyncpa.u1 $0x1  }
0x31: {  	s31 =	simm.s32 $0x1;
	[sflag:s30] =	ssyncpa.u1 $0x1  }
0x32: {  	[sflag:s31] =	ssyncpa.u1 $0x1  }
0x33: {  	p0 =	sne.s32 s1, $0x0;
	_ =	strace $0x90000059  }
0x34: {  	s0 =	sadd.s32 @!p0 $0x100000, s0;
	[bflag:$0x2] =	sbarrier.arrive $0xFFFF  }
0x35: {  	[sflag:s0] =	ssyncadd.tile.s32 @!p0 $0x1;
	_ =	shalt  }
.Lfunc_end2:
_tile_overlayer_lowered:
.L_overlay_start_2:
0x36: {  	(tag) =	ssettag $0x2  }
0x37: {  	s0 =	rddreg [dreg:$0x0];
	s2 =	stileid.u32  }
0x38: {  	s1 =	rddreg [dreg:$0x1];
	p0 =	sne.s32 s2, $0x0  }
0x39: {  	s3 =	rddreg [dreg:$0x2];
	[bflag:$0x3] =	sbarrier.arrive $0xFFFF;
	s2 =	simm.s32 @!p0 $0x1C01  }
0x3a: {  	[timem:s3], [sflag:s2] =	dma.local @!p0 [hbm:s0], s1  }
0x3b: {  	s0 =	simm.s32 @!p0 $0x1  }
0x3c: {  	_ =	swait.ge @!p0 [sflag:s0], s1  }
0x3d: {  	s1 =	ssub.s32 @!p0 $0x0, s1;
	[sflag:s0] =	ssyncset.done @!p0 $0x0  }
0x3e: {  	[sflag:s0] =	ssyncadd.s32 @!p0 s1  }
0x3f: {  	[bflag:$0x3] =	sbarrier.arrive $0xFFFF  }
0x40: {  	_ =	shalt  }

// kernel: gather_offload_async_start.7
scs
__scs_entry_jumppad:
0x0: {  	(pc) =	sbr.rel $0x88, $3  }
0x1: {  	(tag) =	ssettag $0x0;
	lr =	simm.s32 $0x1  }
0x2: {  	[smem:$0x3F9E] =	sst lr;
	_ =	strace $0xD0000000  }
0x3: {  	_ = 	snop  }
0x4: {  	_ = 	snop  }
0x5: {  	_ = 	snop  }
0x6: {  	_ = 	snop  }
0x7: {  	_ = 	snop  }
__scs_overlays_trampoline_lowered:
0x8: {  	[smem:$0x3FAD] =	sst s0  }
0x9: {  	[smem:$0x3FAE] =	sst s1  }
0xa: {  	[smem:$0x3FAF] =	sst s2  }
0xb: {  	[smem:$0x3FB0] =	sst s3  }
0xc: {  	[smem:$0x3FB1] =	sst s4  }
0xd: {  	[smem:$0x3FB2] =	sst s5  }
0xe: {  	[smem:$0x3FB3] =	sst s6  }
0xf: {  	[smem:$0x3FB4] =	sst s7  }
0x10: {  	[smem:$0x3FB5] =	sst s8  }
0x11: {  	[smem:$0x3FB6] =	sst s9;
	s0 =	simm.s32 @!p0 $0x0  }
0x12: {  	s1 =	sld [smem:$0x3F9C];
	s0 =	simm.s32 @p0 $0x1  }
0x13: {  	[smem:$0x3FB7] =	sst s0;
	s0 =	simm.s32 @!p1 $0x0  }
0x14: {  	s2 =	sld [smem:$0x3F9B];
	s0 =	simm.s32 @p1 $0x1  }
0x15: {  	[smem:$0x3FB8] =	sst s0;
	s0 =	simm.s32 @!p2 $0x0  }
0x16: {  	s3 =	sld [smem:$0x3FDB];
	s0 =	simm.s32 @p2 $0x1  }
0x17: {  	s4 =	simm.s32 $0x1BF5;
	[smem:$0x3FBA] =	sst s0  }
0x18: {  	s0 =	sld [smem:$0x3F9D];
	_ =	swait.ge [sflag:s4], $0x0  }
0x19: {  	s7 =	sld [smem:$0x3F9E]  }
0x1a: {  	s8 =	sadd.s32 $0xFFFFE003, lr  }
0x1b: {  	s9 =	sadd.s32 $0xFFFFFEF7, lr;
	s5 =	simm.s32 $0xFFFFFFFF;
	p2 =	slt.u32 s8, $0xFFFFF086  }
0x1c: {  	p1 =	slt.u32 s9, $0xF7A;
	s5 =	simm.s32 @!p2 $0x0  }
0x1d: {  	s5 =	simm.s32 @p1 $0x1;
	p0 =	seq.s32 s7, s2  }
0x1e: {  	s7 =	smul.u32 @!p0 $0xF7A, s2;
	p2 =	seq.s32 @!p0 s5, $0x0  }
0x1f: {  	s9 =	smul.u32 $0xF7A, s1;
	s8 =	simm.s32 @!p0 $0x1BF5;
	p2 =	por !p2, p0  }
0x20: {  	[sflag:s8] =	ssyncset.s32 @!p0 $0xFFFFF086;
	s6 =	sadd.s32 @!p0 s3, s7;
	s7 =	simm.s32 @!p0 $0x108  }
0x21: {  	s3 =	sadd.s32 s3, s9;
	s6 =	sadd.s32 @!p0 $0x88, s6;
	s7 =	simm.s32 @p2 $0x1082  }
0x22: {  	[simem:s7], [sflag:s8] =	dma.local @!p0 [hbm:s6], $0xF7A  }
0x23: {  	s9 =	sor.u32 $0xD0000000, s2;
	s6 =	simm.s32 $0x108;
	_ =	swait.ge @!p0 [sflag:s8], $0x0  }
0x24: {  	s3 =	sadd.s32 $0x88, s3;
	s6 =	simm.s32 @!p1 $0x1082;
	[sflag:s4] =	ssyncset.s32 $0xFFFFF086  }
0x25: {  	[simem:s6], [sflag:s4] =	dma.local [hbm:s3], $0xF7A  }
0x26: {  	[smem:$0x3F9E] =	sst s1;
	(tag) =	ssettag s2;
	_ =	strace s9  }
0x27: {  	s1 =	sld [smem:$0x3FAE]  }
0x28: {  	s2 =	sld [smem:$0x3FAF]  }
0x29: {  	s4 =	sld [smem:$0x3FB1]  }
0x2a: {  	p0 =	seq.s32 s5, $0x0;
	s5 =	sld [smem:$0x3FB2]  }
0x2b: {  	s6 =	sld [smem:$0x3FB3]  }
0x2c: {  	s7 =	sld [smem:$0x3FB4]  }
0x2d: {  	s3 =	simm.s32 $0x108;
	s8 =	sld [smem:$0x3FB5]  }
0x2e: {  	s3 =	simm.s32 @!p0 $0x1082;
	s9 =	sld [smem:$0x3FB6]  }
0x2f: {  	lr =	sadd.s32 s0, s3;
	s0 =	sld [smem:$0x3FAD]  }
0x30: {  	s3 =	sld [smem:$0x3FB0]  }
0x31: {  	[smem:$0x3FB9] =	sst s10  }
0x32: {  	s10 =	sld [smem:$0x3FB7];
	_ =	sdelay $0x3  }
0x33: {  	p0 =	seq.s32 s10, $0x1;
	s10 =	sld [smem:$0x3FB9];
	_ =	sdelay $0x3  }
0x34: {  	[smem:$0x3FB9] =	sst s10  }
0x35: {  	s10 =	sld [smem:$0x3FB8];
	_ =	sdelay $0x3  }
0x36: {  	p1 =	seq.s32 s10, $0x1;
	s10 =	sld [smem:$0x3FB9];
	_ =	sdelay $0x3  }
0x37: {  	[smem:$0x3FB9] =	sst s10  }
0x38: {  	s10 =	sld [smem:$0x3FBA]  }
0x39: {  	_ = 	snop;
	(pc) =	sbr.ind lr, $3  }
0x3a: {  	_ = 	snop  }
0x3b: {  	_ = 	snop  }
0x3c: {  	p2 =	seq.s32 s10, $0x1;
	s10 =	sld [smem:$0x3FB9]  }
0x3d: {  	_ =	shalt  }
0x3e: {  	_ =	shalt  }
0x3f: {  	_ =	shalt  }
0x40: {  	_ =	shalt  }
0x41: {  	_ =	shalt  }
0x42: {  	_ =	shalt  }
0x43: {  	_ =	shalt  }
0x44: {  	_ =	shalt  }
0x45: {  	_ =	shalt  }
0x46: {  	_ =	shalt  }
0x47: {  	_ =	shalt  }
0x48: {  	_ =	shalt  }
0x49: {  	_ =	shalt  }
0x4a: {  	_ =	shalt  }
0x4b: {  	_ =	shalt  }
0x4c: {  	_ =	shalt  }
0x4d: {  	_ =	shalt  }
0x4e: {  	_ =	shalt  }
0x4f: {  	_ =	shalt  }
0x50: {  	_ =	shalt  }
0x51: {  	_ =	shalt  }
0x52: {  	_ =	shalt  }
0x53: {  	_ =	shalt  }
0x54: {  	_ =	shalt  }
0x55: {  	_ =	shalt  }
0x56: {  	_ =	shalt  }
0x57: {  	_ =	shalt  }
0x58: {  	_ =	shalt  }
0x59: {  	_ =	shalt  }
0x5a: {  	_ =	shalt  }
0x5b: {  	_ =	shalt  }
0x5c: {  	_ =	shalt  }
0x5d: {  	_ =	shalt  }
0x5e: {  	_ =	shalt  }
0x5f: {  	_ =	shalt  }
0x60: {  	_ =	shalt  }
0x61: {  	_ =	shalt  }
0x62: {  	_ =	shalt  }
0x63: {  	_ =	shalt  }
0x64: {  	_ =	shalt  }
0x65: {  	_ =	shalt  }
0x66: {  	_ =	shalt  }
0x67: {  	_ =	shalt  }
0x68: {  	_ =	shalt  }
0x69: {  	_ =	shalt  }
0x6a: {  	_ =	shalt  }
0x6b: {  	_ =	shalt  }
0x6c: {  	_ =	shalt  }
0x6d: {  	_ =	shalt  }
0x6e: {  	_ =	shalt  }
0x6f: {  	_ =	shalt  }
0x70: {  	_ =	shalt  }
0x71: {  	_ =	shalt  }
0x72: {  	_ =	shalt  }
0x73: {  	_ =	shalt  }
0x74: {  	_ =	shalt  }
0x75: {  	_ =	shalt  }
0x76: {  	_ =	shalt  }
0x77: {  	_ =	shalt  }
0x78: {  	_ =	shalt  }
0x79: {  	_ =	shalt  }
0x7a: {  	_ =	shalt  }
0x7b: {  	_ =	shalt  }
0x7c: {  	_ =	shalt  }
0x7d: {  	_ =	shalt  }
0x7e: {  	_ =	shalt  }
0x7f: {  	_ =	shalt  }
0x80: {  	_ =	shalt  }
0x81: {  	_ =	shalt  }
0x82: {  	_ =	shalt  }
0x83: {  	_ =	shalt  }
0x84: {  	_ =	shalt  }
0x85: {  	_ =	shalt  }
0x86: {  	_ =	shalt  }
0x87: {  	_ =	shalt  }
.Lfunc_end0:
.L_simem_size_0:
called_computation.7_lowered:
.L_overlay_start_0:
0x88: {  	s0 =	sld [smem:$0x3FD9]  }
0x89: {  	s1 =	sld [smem:$0x3FFE];
	_ =	sdelay $0x3  }
0x8a: {  	s0 =	sadd.s32 s1, s0  }
0x8b: {  	[smem:$0x3FC5] =	sst s0  }
0x8c: {  	_ = 	snop  }
0x8d: {  	(tm) =	ssettm $0x1  }
0x8e: {  	s15 =	sld [smem:$0x3FFB];
	_ =	sdelay $0x3  }
0x8f: {  	_ =	strace s15  }
0x90: {  	s0 =	sld [smem:$0x3FFC];
	_ =	sdelay $0x3  }
0x91: {  	_ =	strace s0  }
0x92: {  	s0 =	sld [smem:$0x3FFD];
	_ =	sdelay $0x3  }
0x93: {  	_ =	strace s0  }
0x94: {  	_ =	strace $0x8FFFFFFF  }
0x95: {  	s16 =	sld [smem:$0x3FDB];
	_ =	sdelay $0x1  }
0x96: {  	s17 =	simm.s32 $_scs_section_size  }
0x97: {  	s2 =	simm.s32 $_size__tile_overlayer_lowered;
	s3 =	simm.s32 $_tile_overlayer_lowered  }
0x98: {  	s20 =	simm.s32 $0x1BFF;
	s19 =	sshll.u32 s3, $0x1;
	s0 =	sadd.s32 s17, s16  }
0x99: {  	s4 =	simm.s32 $0x0;
	s18 =	sshll.u32 s2, $0x1;
	s2 =	sadd.s32 s19, s0  }
0x9a: {  	[timem:s4], [sflag:s20] =	dma.local [hbm:s2], s18  }
0x9b: {  	_ =	swait.ge [sflag:s20], s18  }
0x9c: {  	s1 =	ssub.s32 $0x0, s18;
	[sflag:s20] =	ssyncset.done $0x0  }
0x9d: {  	[sflag:s20] =	ssyncadd.s32 s1;
	_ =	sdelay $0x1  }
0x9e: {  	s21 =	simm.s32 $0x1B8B  }
0x9f: {  	_ =	swait.ge [sflag:s21], $0x1  }
0xa0: {  	[sflag:s21] =	ssyncset.done $0x0  }
0xa1: {  	s23 =	simm.s32 $0x1B8E;
	s22 =	sld [smem:$0x3FFE];
	[sflag:s21] =	ssyncadd.s32 $0xFFFFFFFF  }
0xa2: {  	s24 =	simm.s32 $execute0_lowered;
	[smem:$0x3FD2] =	sst s23  }
0xa3: {  	s2 =	sshll.u32 s24, $0x1;
	_ =	strace $0x8000005B;
	[dreg:$0x1] =	wrdreg $0xFFFFFFFF  }
0xa4: {  	s25 =	simm.s32 $_size_execute0_lowered;
	s0 =	sadd.s32 s0, s2;
	[dreg:$0x0] =	wrdreg $0x0  }
0xa5: {  	s2 =	sshll.u32 s25, $0x1;
	[dreg:$0x2] =	wrdreg s0  }
0xa6: {  	[dreg:$0x3] =	wrdreg s2  }
0xa7: {  	[dreg:$0x4] =	wrdreg $0xC0  }
0xa8: {  	_ =	task [dreg:s4], $0x5FFFF  }
0xa9: {  	[dreg:$0x1] =	wrdreg $0xFFFFFFFF  }
0xaa: {  	[dreg:$0x0] =	wrdreg $0x60  }
0xab: {  	[dreg:$0x2] =	wrdreg s22  }
0xac: {  	[dreg:$0x3] =	wrdreg $0x9  }
0xad: {  	_ =	task.clear_ibuf [dreg:s4], $0x4FFFF;
	_ =	strace $0x9000005B  }
0xae: {  	s26 =	simm.s32 $0x9;
	_ =	strace $0x8000005D  }
0xaf: {  	_ =	swait.ge [sflag:s26], $0x1  }
0xb0: {  	[sflag:s26] =	ssyncadd.s32 $0xFFFFFFFF  }
0xb1: {  	_ =	strace $0x9000005D  }
0xb2: {  	_ =	sfence  }
0xb3: {  	s28 =	sld [smem:$0x0];
	_ =	sdelay $0x1  }
0xb4: {  	s29 =	srdreg.scid  }
0xb5: {  	s30 =	sshll.u32 s29, $0xD;
	s31 =	sshrl.u32 s29, $0x2  }
0xb6: {  	s1 =	sand.u32 $0x1, s29;
	s2 =	sand.u32 $0x4000, s30;
	s0 =	sadd.s32 s31, s28  }
0xb7: {  	s1 =	sor.u32 s2, s1;
	s0 =	sshll.u32 s0, $0x11  }
0xb8: {  	s0 =	sor.u32 s0, s1  }
0xb9: {  	s0 =	sadd.s32 $0x8F2B, s0  }
0xba: {  	[sflag:s0] =	ssyncadd.remote.s32 $0x1  }
0xbb: {  	_ =	sfence.sel $0xFFFF  }
0xbc: {  	[dreg:$0x0] =	wrdreg $0xFFFFFFFF;
	(pc) =	sbr.abs _section_cstart, $3  }
0xbd: {  	[dreg:$0x1] =	wrdreg $0xFFFFFFFF  }
0xbe: {  	_ =	task.clear_ibuf [dreg:s4], $0x2FFFF;
	_ =	strace $0x9FFFFFFF  }
0xbf: {  	(tm) =	ssettm $0x7FFFFFFF  }
tec
execute0_lowered:
.L_overlay_start_1:
0x0: {  	(tag) =	ssettag $0x1  }
0x1: {  	s5 =	rddreg [dreg:$0x0]  }
0x2: {  	s0 =	rddreg [dreg:$0x1]  }
0x3: {  	_ =	strace $0x8000005C;
	s1 =	stileid.u32;
	s6 =	simm.s32 $0x1  }
0x4: {  	s8 =	simm.s32 $0x2;
	s30 =	simm.s32 $0x3;
	s12 =	simm.s32 $0x0  }
0x5: {  	s9 =	simm.s32 $0x0;
	s10 =	simm.s32 $0x0;
	s4 =	sshll.u32 s1, $0x4  }
0x6: {  	s2 =	sadd.s32 $0x3583200, s5;
	s3 =	sadd.s32 $0x5000, s5;
	s7 =	ssub.s32 $0x2C80, s4  }
0x7: {  	s5 =	sadd.s32 $0x357BE00, s5;
	[sflag:s6] =	ssyncpa.u1 $0x0;
	s6 =	sshrl.u32 s7, $0x8  }
0x8: {  	[sflag:s8] =	ssyncpa.u1 $0x0;
	s11 =	smov.u32 s4;
	s31 =	sshll.u32 s6, $0x4  }
0x9: {  	[sflag:s30] =	ssyncpa.u1 $0x0;
	s7 =	sadd.s32 $0x2, s6;
	s8 =	sadd.s32 $0x30, s31  }
.LBB2_1:
0xa: {  	p0 =	sgt.u32 s10, s6  }
0xb: {  	s13 =	sxor.u32 @!p0 $0xFFFFFFFF, s9;
	s14 =	sshrl.u32 @!p0 s11, $0x3  }
0xc: {  	s15 =	sand.u32 @!p0 $0x7, s11;
	s13 =	sand.u32 @!p0 $0x10, s13;
	s14 =	sadd.s32 @!p0 s3, s14  }
0xd: {  	[tilespmem:s13], [sflag:$0x2] =	stream.linear.gather @!p0 [hbm4b:s14+s15], $0x10, $0x38;
	[tilespmem:$0x40] =	vst v63  }
0xe: {  	p0 =	seq.s32 s9, $0x0  }
0xf: {  	p1 =	sge.u32 @!p0 s10, s7  }
0x10: {  	p0 =	por p1, p0  }
0x11: {  	s13 =	simm.s32 @!p0 $0x2  }
0x12: {  	_ =	swait.ge @!p0 [sflag:s13], $0x10  }
0x13: {  	[sflag:s13] =	ssyncset.done @!p0 $0x0  }
0x14: {  	[sflag:s13] =	ssyncadd.s32 @!p0 $0xFFFFFFF0;
	s13 =	sand.u32 @!p0 $0x10, s9  }
0x15: {  	(ifvalue) =	ssetifvalue @!p0 $0x7FFFFFFF;
	v0 =	vld.msk @!p0 [tilespmem:s13+$0x0 ss:$0x1], $0xffff;
	_ =	sdelay $0x4  }
0x16: {  	vm0 =	veq.s32 @!p0 v0, $0x80000000  }
0x17: {  	v1 =	vand.u32 @!p0 $0xFF, v0;
	v2 =	vshrl.u32 @!p0 v0, $0x8;
	v0 =	vshrl.u32 @!p0 v0, $0xF  }
0x18: {  	v2 =	vand.u32 @!p0 $0x7F, v2;
	v0 =	vand.u32 @!p0 $0x3FFF, v0;
	v1 =	vmul.u32 @!p0 $0x140000, v1  }
0x19: {  	v2 =	vsel @!p0 vm0, $0xFFFFFFFF, v2;
	v0 =	vsel @!p0 vm0, $0xFFFFFFFF, v0  }
0x1a: {  	v3 =	vand.u32 @!p0 $0x7F, v0;
	v1 =	vsel @!p0 vm0, $0xFFEC0000, v1;
	v4 =	vshll.u32 @!p0 v2, $0xE  }
0x1b: {  	v0 =	vshll.u32 @!p0 v0, $0x3;
	v4 =	vand.u32 @!p0 $0xFFFE0000, v4;
	v1 =	vor.u32 @!p0 v1, v3  }
0x1c: {  	v2 =	vshll.u32 @!p0 v2, $0x7;
	v0 =	vand.u32 @!p0 $0xFFFFFC00, v0;
	v1 =	vadd.s32 @!p0 v4, v1  }
0x1d: {  	v2 =	vand.u32 @!p0 $0x380, v2;
	v0 =	vadd.s32 @!p0 v0, v1  }
0x1e: {  	v0 =	vor.u32 @!p0 v2, v0;
	_ =	sdelay $0x3  }
0x1f: {  	s14 =	simm.s32 @!p0 $0x0;
	s13 =	sor.u32 @!p0 $0x20, s13;
	(ifvalue) =	ssetifvalue @!p0 $0x7FFFFFFF;
	vm0 =	vmmov @!p0 $0xffff  }
0x20: {  	[tilespmem:s13], [sflag:$0x1] =	stream.indirect_vreg.gather @!p0 [hbm4b:s2+s14], $0x1, v0, vm0, $0x4038;
	[tilespmem:$0x40] =	vst v63  }
0x21: {  	s14 =	simm.s32 @!p0 $0x1  }
0x22: {  	_ =	swait.ge @!p0 [sflag:s14], $0x10  }
0x23: {  	s15 =	sshrl.u32 @!p0 s12, $0x3;
	[sflag:s14] =	ssyncset.done @!p0 $0x0  }
0x24: {  	s12 =	sand.u32 @!p0 $0x7, s12;
	[sflag:s14] =	ssyncadd.s32 @!p0 $0xFFFFFFF0;
	s14 =	sadd.s32 @!p0 s5, s15  }
0x25: {  	[hbm4b:s14+s12] =	stream.linear.scatter @!p0 [tilespmem:s13], [sflag:$0x3], $0x10, $0x38;
	[tilespmem:$0x40] =	vst v63  }
0x26: {  	s14 =	sadd.s32 $0x100, s11  }
0x27: {  	s9 =	sadd.s32 $0x10, s9;
	p1 =	sgt.s32 s14, $0x2C87  }
0x28: {  	s14 =	smov.u32 @p1 s4;
	p1 =	sne.s32 s8, s9  }
.Ltmp0:
0x29: {  	p0 =	slt.u32 s10, $0x2;
	(pc) =	sbr.rel @p1 .LBB2_1-.Ltmp0, $4  }
0x2a: {  	s13 =	simm.s32 @!p0 $0x3  }
0x2b: {  	_ =	swait.ge @!p0 [sflag:s13], $0x10  }
0x2c: {  	s12 =	smov.u32 s11;
	[sflag:s13] =	ssyncset.done @!p0 $0x0  }
0x2d: {  	s10 =	sadd.s32 $0x1, s10;
	s11 =	smov.u32 s14;
	[sflag:s13] =	ssyncadd.s32 @!p0 $0xFFFFFFF0  }
0x2e: {  	_ =	sfence.sel $0x180000  }
0x2f: {  	s2 =	simm.s32 $0x2;
	[bflag:$0x0] =	sbarrier.arrive $0xFFFF  }
0x30: {  	s30 =	simm.s32 $0x3;
	[sflag:s2] =	ssyncpa.u1 $0x1  }
0x31: {  	s31 =	simm.s32 $0x1;
	[sflag:s30] =	ssyncpa.u1 $0x1  }
0x32: {  	[sflag:s31] =	ssyncpa.u1 $0x1  }
0x33: {  	p0 =	sne.s32 s1, $0x0;
	_ =	strace $0x9000005C  }
0x34: {  	s0 =	sadd.s32 @!p0 $0x100000, s0;
	[bflag:$0x2] =	sbarrier.arrive $0xFFFF  }
0x35: {  	[sflag:s0] =	ssyncadd.tile.s32 @!p0 $0x1;
	_ =	shalt  }
.Lfunc_end2:
_tile_overlayer_lowered:
.L_overlay_start_2:
0x36: {  	(tag) =	ssettag $0x2  }
0x37: {  	s0 =	rddreg [dreg:$0x0];
	s2 =	stileid.u32  }
0x38: {  	s1 =	rddreg [dreg:$0x1];
	p0 =	sne.s32 s2, $0x0  }
0x39: {  	s3 =	rddreg [dreg:$0x2];
	[bflag:$0x3] =	sbarrier.arrive $0xFFFF;
	s2 =	simm.s32 @!p0 $0x1C01  }
0x3a: {  	[timem:s3], [sflag:s2] =	dma.local @!p0 [hbm:s0], s1  }
0x3b: {  	s0 =	simm.s32 @!p0 $0x1  }
0x3c: {  	_ =	swait.ge @!p0 [sflag:s0], s1  }
0x3d: {  	s1 =	ssub.s32 @!p0 $0x0, s1;
	[sflag:s0] =	ssyncset.done @!p0 $0x0  }
0x3e: {  	[sflag:s0] =	ssyncadd.s32 @!p0 s1  }
0x3f: {  	[bflag:$0x3] =	sbarrier.arrive $0xFFFF  }
0x40: {  	_ =	shalt  }

// kernel: gather_offload_async_start
scs
__scs_entry_jumppad:
0x0: {  	(pc) =	sbr.rel $0x88, $3  }
0x1: {  	(tag) =	ssettag $0x0;
	lr =	simm.s32 $0x1  }
0x2: {  	[smem:$0x3F9E] =	sst lr;
	_ =	strace $0xD0000000  }
0x3: {  	_ = 	snop  }
0x4: {  	_ = 	snop  }
0x5: {  	_ = 	snop  }
0x6: {  	_ = 	snop  }
0x7: {  	_ = 	snop  }
__scs_overlays_trampoline_lowered:
0x8: {  	[smem:$0x3FAD] =	sst s0  }
0x9: {  	[smem:$0x3FAE] =	sst s1  }
0xa: {  	[smem:$0x3FAF] =	sst s2  }
0xb: {  	[smem:$0x3FB0] =	sst s3  }
0xc: {  	[smem:$0x3FB1] =	sst s4  }
0xd: {  	[smem:$0x3FB2] =	sst s5  }
0xe: {  	[smem:$0x3FB3] =	sst s6  }
0xf: {  	[smem:$0x3FB4] =	sst s7  }
0x10: {  	[smem:$0x3FB5] =	sst s8  }
0x11: {  	[smem:$0x3FB6] =	sst s9;
	s0 =	simm.s32 @!p0 $0x0  }
0x12: {  	s1 =	sld [smem:$0x3F9C];
	s0 =	simm.s32 @p0 $0x1  }
0x13: {  	[smem:$0x3FB7] =	sst s0;
	s0 =	simm.s32 @!p1 $0x0  }
0x14: {  	s2 =	sld [smem:$0x3F9B];
	s0 =	simm.s32 @p1 $0x1  }
0x15: {  	[smem:$0x3FB8] =	sst s0;
	s0 =	simm.s32 @!p2 $0x0  }
0x16: {  	s3 =	sld [smem:$0x3FDB];
	s0 =	simm.s32 @p2 $0x1  }
0x17: {  	s4 =	simm.s32 $0x1BF5;
	[smem:$0x3FBA] =	sst s0  }
0x18: {  	s0 =	sld [smem:$0x3F9D];
	_ =	swait.ge [sflag:s4], $0x0  }
0x19: {  	s7 =	sld [smem:$0x3F9E]  }
0x1a: {  	s8 =	sadd.s32 $0xFFFFE003, lr  }
0x1b: {  	s9 =	sadd.s32 $0xFFFFFEF7, lr;
	s5 =	simm.s32 $0xFFFFFFFF;
	p2 =	slt.u32 s8, $0xFFFFF086  }
0x1c: {  	p1 =	slt.u32 s9, $0xF7A;
	s5 =	simm.s32 @!p2 $0x0  }
0x1d: {  	s5 =	simm.s32 @p1 $0x1;
	p0 =	seq.s32 s7, s2  }
0x1e: {  	s7 =	smul.u32 @!p0 $0xF7A, s2;
	p2 =	seq.s32 @!p0 s5, $0x0  }
0x1f: {  	s9 =	smul.u32 $0xF7A, s1;
	s8 =	simm.s32 @!p0 $0x1BF5;
	p2 =	por !p2, p0  }
0x20: {  	[sflag:s8] =	ssyncset.s32 @!p0 $0xFFFFF086;
	s6 =	sadd.s32 @!p0 s3, s7;
	s7 =	simm.s32 @!p0 $0x108  }
0x21: {  	s3 =	sadd.s32 s3, s9;
	s6 =	sadd.s32 @!p0 $0x88, s6;
	s7 =	simm.s32 @p2 $0x1082  }
0x22: {  	[simem:s7], [sflag:s8] =	dma.local @!p0 [hbm:s6], $0xF7A  }
0x23: {  	s9 =	sor.u32 $0xD0000000, s2;
	s6 =	simm.s32 $0x108;
	_ =	swait.ge @!p0 [sflag:s8], $0x0  }
0x24: {  	s3 =	sadd.s32 $0x88, s3;
	s6 =	simm.s32 @!p1 $0x1082;
	[sflag:s4] =	ssyncset.s32 $0xFFFFF086  }
0x25: {  	[simem:s6], [sflag:s4] =	dma.local [hbm:s3], $0xF7A  }
0x26: {  	[smem:$0x3F9E] =	sst s1;
	(tag) =	ssettag s2;
	_ =	strace s9  }
0x27: {  	s1 =	sld [smem:$0x3FAE]  }
0x28: {  	s2 =	sld [smem:$0x3FAF]  }
0x29: {  	s4 =	sld [smem:$0x3FB1]  }
0x2a: {  	p0 =	seq.s32 s5, $0x0;
	s5 =	sld [smem:$0x3FB2]  }
0x2b: {  	s6 =	sld [smem:$0x3FB3]  }
0x2c: {  	s7 =	sld [smem:$0x3FB4]  }
0x2d: {  	s3 =	simm.s32 $0x108;
	s8 =	sld [smem:$0x3FB5]  }
0x2e: {  	s3 =	simm.s32 @!p0 $0x1082;
	s9 =	sld [smem:$0x3FB6]  }
0x2f: {  	lr =	sadd.s32 s0, s3;
	s0 =	sld [smem:$0x3FAD]  }
0x30: {  	s3 =	sld [smem:$0x3FB0]  }
0x31: {  	[smem:$0x3FB9] =	sst s10  }
0x32: {  	s10 =	sld [smem:$0x3FB7];
	_ =	sdelay $0x3  }
0x33: {  	p0 =	seq.s32 s10, $0x1;
	s10 =	sld [smem:$0x3FB9];
	_ =	sdelay $0x3  }
0x34: {  	[smem:$0x3FB9] =	sst s10  }
0x35: {  	s10 =	sld [smem:$0x3FB8];
	_ =	sdelay $0x3  }
0x36: {  	p1 =	seq.s32 s10, $0x1;
	s10 =	sld [smem:$0x3FB9];
	_ =	sdelay $0x3  }
0x37: {  	[smem:$0x3FB9] =	sst s10  }
0x38: {  	s10 =	sld [smem:$0x3FBA]  }
0x39: {  	_ = 	snop;
	(pc) =	sbr.ind lr, $3  }
0x3a: {  	_ = 	snop  }
0x3b: {  	_ = 	snop  }
0x3c: {  	p2 =	seq.s32 s10, $0x1;
	s10 =	sld [smem:$0x3FB9]  }
0x3d: {  	_ =	shalt  }
0x3e: {  	_ =	shalt  }
0x3f: {  	_ =	shalt  }
0x40: {  	_ =	shalt  }
0x41: {  	_ =	shalt  }
0x42: {  	_ =	shalt  }
0x43: {  	_ =	shalt  }
0x44: {  	_ =	shalt  }
0x45: {  	_ =	shalt  }
0x46: {  	_ =	shalt  }
0x47: {  	_ =	shalt  }
0x48: {  	_ =	shalt  }
0x49: {  	_ =	shalt  }
0x4a: {  	_ =	shalt  }
0x4b: {  	_ =	shalt  }
0x4c: {  	_ =	shalt  }
0x4d: {  	_ =	shalt  }
0x4e: {  	_ =	shalt  }
0x4f: {  	_ =	shalt  }
0x50: {  	_ =	shalt  }
0x51: {  	_ =	shalt  }
0x52: {  	_ =	shalt  }
0x53: {  	_ =	shalt  }
0x54: {  	_ =	shalt  }
0x55: {  	_ =	shalt  }
0x56: {  	_ =	shalt  }
0x57: {  	_ =	shalt  }
0x58: {  	_ =	shalt  }
0x59: {  	_ =	shalt  }
0x5a: {  	_ =	shalt  }
0x5b: {  	_ =	shalt  }
0x5c: {  	_ =	shalt  }
0x5d: {  	_ =	shalt  }
0x5e: {  	_ =	shalt  }
0x5f: {  	_ =	shalt  }
0x60: {  	_ =	shalt  }
0x61: {  	_ =	shalt  }
0x62: {  	_ =	shalt  }
0x63: {  	_ =	shalt  }
0x64: {  	_ =	shalt  }
0x65: {  	_ =	shalt  }
0x66: {  	_ =	shalt  }
0x67: {  	_ =	shalt  }
0x68: {  	_ =	shalt  }
0x69: {  	_ =	shalt  }
0x6a: {  	_ =	shalt  }
0x6b: {  	_ =	shalt  }
0x6c: {  	_ =	shalt  }
0x6d: {  	_ =	shalt  }
0x6e: {  	_ =	shalt  }
0x6f: {  	_ =	shalt  }
0x70: {  	_ =	shalt  }
0x71: {  	_ =	shalt  }
0x72: {  	_ =	shalt  }
0x73: {  	_ =	shalt  }
0x74: {  	_ =	shalt  }
0x75: {  	_ =	shalt  }
0x76: {  	_ =	shalt  }
0x77: {  	_ =	shalt  }
0x78: {  	_ =	shalt  }
0x79: {  	_ =	shalt  }
0x7a: {  	_ =	shalt  }
0x7b: {  	_ =	shalt  }
0x7c: {  	_ =	shalt  }
0x7d: {  	_ =	shalt  }
0x7e: {  	_ =	shalt  }
0x7f: {  	_ =	shalt  }
0x80: {  	_ =	shalt  }
0x81: {  	_ =	shalt  }
0x82: {  	_ =	shalt  }
0x83: {  	_ =	shalt  }
0x84: {  	_ =	shalt  }
0x85: {  	_ =	shalt  }
0x86: {  	_ =	shalt  }
0x87: {  	_ =	shalt  }
.Lfunc_end0:
.L_simem_size_0:
called_computation_lowered:
.L_overlay_start_0:
0x88: {  	s0 =	sld [smem:$0x3FD9]  }
0x89: {  	s1 =	sld [smem:$0x3FFE];
	_ =	sdelay $0x3  }
0x8a: {  	s0 =	sadd.s32 s1, s0  }
0x8b: {  	[smem:$0x3FC5] =	sst s0  }
0x8c: {  	_ = 	snop  }
0x8d: {  	(tm) =	ssettm $0x1  }
0x8e: {  	s15 =	sld [smem:$0x3FFB];
	_ =	sdelay $0x3  }
0x8f: {  	_ =	strace s15  }
0x90: {  	s0 =	sld [smem:$0x3FFC];
	_ =	sdelay $0x3  }
0x91: {  	_ =	strace s0  }
0x92: {  	s0 =	sld [smem:$0x3FFD];
	_ =	sdelay $0x3  }
0x93: {  	_ =	strace s0  }
0x94: {  	_ =	strace $0x8FFFFFFF  }
0x95: {  	s16 =	sld [smem:$0x3FDB];
	_ =	sdelay $0x1  }
0x96: {  	s17 =	simm.s32 $_scs_section_size  }
0x97: {  	s2 =	simm.s32 $_size__tile_overlayer_lowered;
	s3 =	simm.s32 $_tile_overlayer_lowered  }
0x98: {  	s20 =	simm.s32 $0x1BFF;
	s19 =	sshll.u32 s3, $0x1;
	s0 =	sadd.s32 s17, s16  }
0x99: {  	s4 =	simm.s32 $0x0;
	s18 =	sshll.u32 s2, $0x1;
	s2 =	sadd.s32 s19, s0  }
0x9a: {  	[timem:s4], [sflag:s20] =	dma.local [hbm:s2], s18  }
0x9b: {  	_ =	swait.ge [sflag:s20], s18  }
0x9c: {  	s1 =	ssub.s32 $0x0, s18;
	[sflag:s20] =	ssyncset.done $0x0  }
0x9d: {  	[sflag:s20] =	ssyncadd.s32 s1;
	_ =	sdelay $0x1  }
0x9e: {  	s21 =	simm.s32 $0x1B8B  }
0x9f: {  	_ =	swait.ge [sflag:s21], $0x1  }
0xa0: {  	[sflag:s21] =	ssyncset.done $0x0  }
0xa1: {  	s23 =	simm.s32 $0x1B8E;
	s22 =	sld [smem:$0x3FFE];
	[sflag:s21] =	ssyncadd.s32 $0xFFFFFFFF  }
0xa2: {  	s24 =	simm.s32 $execute0_lowered;
	[smem:$0x3FD2] =	sst s23  }
0xa3: {  	s2 =	sshll.u32 s24, $0x1;
	_ =	strace $0x80000046;
	[dreg:$0x1] =	wrdreg $0xFFFFFFFF  }
0xa4: {  	s25 =	simm.s32 $_size_execute0_lowered;
	s0 =	sadd.s32 s0, s2;
	[dreg:$0x0] =	wrdreg $0x0  }
0xa5: {  	s2 =	sshll.u32 s25, $0x1;
	[dreg:$0x2] =	wrdreg s0  }
0xa6: {  	[dreg:$0x3] =	wrdreg s2  }
0xa7: {  	[dreg:$0x4] =	wrdreg $0xC0  }
0xa8: {  	_ =	task [dreg:s4], $0x5FFFF  }
0xa9: {  	[dreg:$0x1] =	wrdreg $0xFFFFFFFF  }
0xaa: {  	[dreg:$0x0] =	wrdreg $0x60  }
0xab: {  	[dreg:$0x2] =	wrdreg s22  }
0xac: {  	[dreg:$0x3] =	wrdreg $0xA  }
0xad: {  	_ =	task.clear_ibuf [dreg:s4], $0x4FFFF;
	_ =	strace $0x90000046  }
0xae: {  	s26 =	simm.s32 $0xA;
	_ =	strace $0x80000048  }
0xaf: {  	_ =	swait.ge [sflag:s26], $0x1  }
0xb0: {  	[sflag:s26] =	ssyncadd.s32 $0xFFFFFFFF  }
0xb1: {  	_ =	strace $0x90000048  }
0xb2: {  	_ =	sfence  }
0xb3: {  	s28 =	sld [smem:$0x0];
	_ =	sdelay $0x1  }
0xb4: {  	s29 =	srdreg.scid  }
0xb5: {  	s30 =	sshll.u32 s29, $0xD;
	s31 =	sshrl.u32 s29, $0x2  }
0xb6: {  	s1 =	sand.u32 $0x1, s29;
	s2 =	sand.u32 $0x4000, s30;
	s0 =	sadd.s32 s31, s28  }
0xb7: {  	s1 =	sor.u32 s2, s1;
	s0 =	sshll.u32 s0, $0x11  }
0xb8: {  	s0 =	sor.u32 s0, s1  }
0xb9: {  	s0 =	sadd.s32 $0x8F2B, s0  }
0xba: {  	[sflag:s0] =	ssyncadd.remote.s32 $0x1  }
0xbb: {  	_ =	sfence.sel $0xFFFF  }
0xbc: {  	[dreg:$0x0] =	wrdreg $0xFFFFFFFF;
	(pc) =	sbr.abs _section_cstart, $3  }
0xbd: {  	[dreg:$0x1] =	wrdreg $0xFFFFFFFF  }
0xbe: {  	_ =	task.clear_ibuf [dreg:s4], $0x2FFFF;
	_ =	strace $0x9FFFFFFF  }
0xbf: {  	(tm) =	ssettm $0x7FFFFFFF  }
tec
execute0_lowered:
.L_overlay_start_1:
0x0: {  	(tag) =	ssettag $0x1  }
0x1: {  	s5 =	rddreg [dreg:$0x0]  }
0x2: {  	s0 =	rddreg [dreg:$0x1]  }
0x3: {  	_ =	strace $0x80000047;
	s1 =	stileid.u32;
	s6 =	simm.s32 $0x1  }
0x4: {  	s8 =	simm.s32 $0x2;
	s30 =	simm.s32 $0x3;
	s12 =	simm.s32 $0x0  }
0x5: {  	s9 =	simm.s32 $0x0;
	s10 =	simm.s32 $0x0;
	s4 =	sshll.u32 s1, $0x4  }
0x6: {  	s2 =	sadd.s32 $0x8600, s5;
	s3 =	sadd.s32 $0x3519600, s5;
	s7 =	ssub.s32 $0x67E0, s4  }
0x7: {  	s5 =	sadd.s32 $0x357BE00, s5;
	[sflag:s6] =	ssyncpa.u1 $0x0;
	s6 =	sshrl.u32 s7, $0x8  }
0x8: {  	[sflag:s8] =	ssyncpa.u1 $0x0;
	s11 =	smov.u32 s4;
	s31 =	sshll.u32 s6, $0x4  }
0x9: {  	[sflag:s30] =	ssyncpa.u1 $0x0;
	s7 =	sadd.s32 $0x2, s6;
	s8 =	sadd.s32 $0x30, s31  }
.LBB2_1:
0xa: {  	p0 =	sgt.u32 s10, s6  }
0xb: {  	s13 =	sxor.u32 @!p0 $0xFFFFFFFF, s9;
	s14 =	sshrl.u32 @!p0 s11, $0x3  }
0xc: {  	s15 =	sand.u32 @!p0 $0x7, s11;
	s13 =	sand.u32 @!p0 $0x10, s13;
	s14 =	sadd.s32 @!p0 s3, s14  }
0xd: {  	[tilespmem:s13], [sflag:$0x2] =	stream.linear.gather @!p0 [hbm4b:s14+s15], $0x10, $0x38;
	[tilespmem:$0x40] =	vst v63  }
0xe: {  	p0 =	seq.s32 s9, $0x0  }
0xf: {  	p1 =	sge.u32 @!p0 s10, s7  }
0x10: {  	p0 =	por p1, p0  }
0x11: {  	s13 =	simm.s32 @!p0 $0x2  }
0x12: {  	_ =	swait.ge @!p0 [sflag:s13], $0x10  }
0x13: {  	[sflag:s13] =	ssyncset.done @!p0 $0x0  }
0x14: {  	[sflag:s13] =	ssyncadd.s32 @!p0 $0xFFFFFFF0;
	s13 =	sand.u32 @!p0 $0x10, s9  }
0x15: {  	(ifvalue) =	ssetifvalue @!p0 $0x7FFFFFFF;
	v0 =	vld.msk @!p0 [tilespmem:s13+$0x0 ss:$0x1], $0xffff;
	_ =	sdelay $0x4  }
0x16: {  	vm0 =	veq.s32 @!p0 v0, $0x80000000  }
0x17: {  	v1 =	vand.u32 @!p0 $0xFF, v0;
	v2 =	vshrl.u32 @!p0 v0, $0x8;
	v0 =	vshrl.u32 @!p0 v0, $0x10  }
0x18: {  	v2 =	vand.u32 @!p0 $0xFF, v2;
	v0 =	vand.u32 @!p0 $0x3FFF, v0;
	v1 =	vmul.u32 @!p0 $0x2C0000, v1  }
0x19: {  	v2 =	vsel @!p0 vm0, $0xFFFFFFFF, v2;
	v0 =	vsel @!p0 vm0, $0xFFFFFFFF, v0  }
0x1a: {  	v3 =	vand.u32 @!p0 $0x7F, v0;
	v1 =	vsel @!p0 vm0, $0xFFD40000, v1;
	v4 =	vshll.u32 @!p0 v2, $0xE  }
0x1b: {  	v0 =	vshll.u32 @!p0 v0, $0x3;
	v4 =	vand.u32 @!p0 $0xFFFE0000, v4;
	v1 =	vor.u32 @!p0 v1, v3  }
0x1c: {  	v2 =	vshll.u32 @!p0 v2, $0x7;
	v0 =	vand.u32 @!p0 $0xFFFFFC00, v0;
	v1 =	vadd.s32 @!p0 v4, v1  }
0x1d: {  	v2 =	vand.u32 @!p0 $0x380, v2;
	v0 =	vadd.s32 @!p0 v0, v1  }
0x1e: {  	v0 =	vor.u32 @!p0 v2, v0;
	_ =	sdelay $0x3  }
0x1f: {  	s14 =	simm.s32 @!p0 $0x0;
	s13 =	sor.u32 @!p0 $0x20, s13;
	(ifvalue) =	ssetifvalue @!p0 $0x7FFFFFFF;
	vm0 =	vmmov @!p0 $0xffff  }
0x20: {  	[tilespmem:s13], [sflag:$0x1] =	stream.indirect_vreg.gather @!p0 [hbm4b:s2+s14], $0x1, v0, vm0, $0x4038;
	[tilespmem:$0x40] =	vst v63  }
0x21: {  	s14 =	simm.s32 @!p0 $0x1  }
0x22: {  	_ =	swait.ge @!p0 [sflag:s14], $0x10  }
0x23: {  	s15 =	sshrl.u32 @!p0 s12, $0x3;
	[sflag:s14] =	ssyncset.done @!p0 $0x0  }
0x24: {  	s12 =	sand.u32 @!p0 $0x7, s12;
	[sflag:s14] =	ssyncadd.s32 @!p0 $0xFFFFFFF0;
	s14 =	sadd.s32 @!p0 s5, s15  }
0x25: {  	[hbm4b:s14+s12] =	stream.linear.scatter @!p0 [tilespmem:s13], [sflag:$0x3], $0x10, $0x38;
	[tilespmem:$0x40] =	vst v63  }
0x26: {  	s14 =	sadd.s32 $0x100, s11  }
0x27: {  	s9 =	sadd.s32 $0x10, s9;
	p1 =	sgt.s32 s14, $0x67E7  }
0x28: {  	s14 =	smov.u32 @p1 s4;
	p1 =	sne.s32 s8, s9  }
.Ltmp0:
0x29: {  	p0 =	slt.u32 s10, $0x2;
	(pc) =	sbr.rel @p1 .LBB2_1-.Ltmp0, $4  }
0x2a: {  	s13 =	simm.s32 @!p0 $0x3  }
0x2b: {  	_ =	swait.ge @!p0 [sflag:s13], $0x10  }
0x2c: {  	s12 =	smov.u32 s11;
	[sflag:s13] =	ssyncset.done @!p0 $0x0  }
0x2d: {  	s10 =	sadd.s32 $0x1, s10;
	s11 =	smov.u32 s14;
	[sflag:s13] =	ssyncadd.s32 @!p0 $0xFFFFFFF0  }
0x2e: {  	_ =	sfence.sel $0x180000  }
0x2f: {  	s2 =	simm.s32 $0x2;
	[bflag:$0x0] =	sbarrier.arrive $0xFFFF  }
0x30: {  	s30 =	simm.s32 $0x3;
	[sflag:s2] =	ssyncpa.u1 $0x1  }
0x31: {  	s31 =	simm.s32 $0x1;
	[sflag:s30] =	ssyncpa.u1 $0x1  }
0x32: {  	[sflag:s31] =	ssyncpa.u1 $0x1  }
0x33: {  	p0 =	sne.s32 s1, $0x0;
	_ =	strace $0x90000047  }
0x34: {  	s0 =	sadd.s32 @!p0 $0x100000, s0;
	[bflag:$0x2] =	sbarrier.arrive $0xFFFF  }
0x35: {  	[sflag:s0] =	ssyncadd.tile.s32 @!p0 $0x1;
	_ =	shalt  }
.Lfunc_end2:
_tile_overlayer_lowered:
.L_overlay_start_2:
0x36: {  	(tag) =	ssettag $0x2  }
0x37: {  	s0 =	rddreg [dreg:$0x0];
	s2 =	stileid.u32  }
0x38: {  	s1 =	rddreg [dreg:$0x1];
	p0 =	sne.s32 s2, $0x0  }
0x39: {  	s3 =	rddreg [dreg:$0x2];
	[bflag:$0x3] =	sbarrier.arrive $0xFFFF;
	s2 =	simm.s32 @!p0 $0x1C01  }
0x3a: {  	[timem:s3], [sflag:s2] =	dma.local @!p0 [hbm:s0], s1  }
0x3b: {  	s0 =	simm.s32 @!p0 $0x1  }
0x3c: {  	_ =	swait.ge @!p0 [sflag:s0], s1  }
0x3d: {  	s1 =	ssub.s32 @!p0 $0x0, s1;
	[sflag:s0] =	ssyncset.done @!p0 $0x0  }
0x3e: {  	[sflag:s0] =	ssyncadd.s32 @!p0 s1  }
0x3f: {  	[bflag:$0x3] =	sbarrier.arrive $0xFFFF  }
0x40: {  	_ =	shalt  }

</sc_bundles>
